<compile_context>
chip_gen: v7x
topology: tpu7x:2x2x1
jax: 0.10.2.dev20260603
libtpu: 0.0.44.dev20260713+nightly
codegen_flags: <defaults>
</compile_context>

<pallas_src>
import functools

import jax
import jax.numpy as jnp
from jax import lax
from jax.experimental import pallas as pl
from jax.experimental.pallas import tpu as pltpu
from jax.experimental.pallas import tpu_sc as plsc

N_NODES = 10000
D = 128
E = 320000
NW = 32
E_PER_W = E // NW
CHUNK = 50
N_CHUNKS = E_PER_W // CHUNK
N_STAGES = 5
SCHUNKS = N_CHUNKS // N_STAGES
NBUF = 4
N_PAD = 10240
STRIPE = N_PAD // 16
FCH = 40
FLUSH = STRIPE // FCH

_mesh = plsc.VectorSubcoreMesh(core_axis_name="c", subcore_axis_name="s")


@functools.partial(
    pl.kernel,
    out_type=jax.ShapeDtypeStruct((2 * N_PAD, D), jnp.float32),
    mesh=_mesh,
    scratch_types=[
        pltpu.VMEM((SCHUNKS, CHUNK), jnp.int32),
        pltpu.VMEM((SCHUNKS, CHUNK), jnp.int32),
        [pltpu.VMEM((CHUNK, D), jnp.float32)] * NBUF,
        pltpu.VMEM((FCH, D), jnp.float32),
        pltpu.VMEM_SHARED((N_PAD, D), jnp.float32),
        [pltpu.SemaphoreType.DMA] * (NBUF + 1),
    ],
)
def _gin_scatter(src_hbm, dst_hbm, feat_hbm, out_hbm,
                 sidx, didx, rows, zbuf, acc, sems):
    cid = lax.axis_index("c")
    sid = lax.axis_index("s")
    wid = cid * 16 + sid
    zsem = sems[NBUF]

    pltpu.async_copy(src_hbm.at[wid, 0], sidx, sems[0])
    pltpu.async_copy(dst_hbm.at[wid, 0], didx, sems[1])

    zero = jnp.zeros((16,), jnp.float32)

    def zrow(r, _):
        def zcol(c, _):
            zbuf[r, pl.ds(c * 16, 16)] = zero
            return ()
        lax.fori_loop(0, D // 16, zcol, ())
        return ()

    lax.fori_loop(0, FCH, zrow, ())

    for t in range(FLUSH):
        pltpu.async_copy(zbuf, acc.at[pl.ds(sid * STRIPE + t * FCH, FCH)], zsem)

    pltpu.make_async_copy(src_hbm.at[wid, 0], sidx, sems[0]).wait()
    pltpu.make_async_copy(dst_hbm.at[wid, 0], didx, sems[1]).wait()
    for b in range(NBUF):
        pltpu.async_copy(feat_hbm.at[sidx.at[b]], rows[b], sems[b])
    for t in range(FLUSH):
        pltpu.make_async_copy(
            zbuf, acc.at[pl.ds(sid * STRIPE + t * FCH, FCH)], zsem).wait()
    plsc.subcore_barrier()

    for s in range(N_STAGES):
        if s > 0:
            pltpu.sync_copy(src_hbm.at[wid, s], sidx)
            pltpu.sync_copy(dst_hbm.at[wid, s], didx)
            for b in range(NBUF):
                pltpu.async_copy(feat_hbm.at[sidx.at[b]], rows[b], sems[b])

        def body(j, _):
            c0 = NBUF * j
            for b in range(NBUF):
                c = c0 + b
                pltpu.make_async_copy(
                    feat_hbm.at[sidx.at[c]], rows[b], sems[b]).wait()
                pltpu.sync_copy(rows[b], acc.at[didx.at[c]], add=True)

                @pl.when(c + NBUF < SCHUNKS)
                def _():
                    pltpu.async_copy(
                        feat_hbm.at[sidx.at[c + NBUF]], rows[b], sems[b])
            return ()

        lax.fori_loop(0, SCHUNKS // NBUF, body, ())
    plsc.subcore_barrier()

    def fsrc(t):
        return acc.at[pl.ds(sid * STRIPE + t * FCH, FCH)]

    def fdst(t):
        return out_hbm.at[pl.ds(cid * N_PAD + sid * STRIPE + t * FCH, FCH)]

    for t in range(FLUSH):
        pltpu.async_copy(fsrc(t), fdst(t), zsem)
    for t in range(FLUSH):
        pltpu.make_async_copy(fsrc(t), fdst(t), zsem).wait()


def _combine_body(eps_ref, feat_ref, p0_ref, p1_ref, out_ref):
    out_ref[...] = ((1.0 + eps_ref[0]) * feat_ref[...]
                    + p0_ref[...] + p1_ref[...])


_R = 80


def _combine(eps, feat, partials):
    return pl.pallas_call(
        _combine_body,
        grid=(N_NODES // _R,),
        in_specs=[
            pl.BlockSpec(memory_space=pltpu.SMEM),
            pl.BlockSpec((_R, D), lambda i: (i, 0)),
            pl.BlockSpec((_R, D), lambda i: (i, 0)),
            pl.BlockSpec((_R, D), lambda i: (i + N_PAD // _R, 0)),
        ],
        out_specs=pl.BlockSpec((_R, D), lambda i: (i, 0)),
        out_shape=jax.ShapeDtypeStruct((N_NODES, D), jnp.float32),
    )(eps, feat, partials, partials)


def kernel(edge_index, split_list, feat, eps):
    src = edge_index[0].astype(jnp.int32).reshape(NW, N_STAGES, SCHUNKS, CHUNK)
    dst = edge_index[1].astype(jnp.int32).reshape(NW, N_STAGES, SCHUNKS, CHUNK)
    partials = _gin_scatter(src, dst, feat)
    return _combine(eps, feat, partials)

# --- scband reference (transcript-rebuilt; emitter-appended) ---
"""Pipeline reference for scband-ginconv-28716151341445 (READ-ONLY COPY).

The authoritative reference and input builder live on the scoring server;
editing this copy changes nothing except your own understanding.
"""

import jax, jax.numpy as jnp
import numpy as np

N_NODES = 10000
N_EDGES = 320000
D_FEAT = 128


def setup_inputs(seed: int = 0) -> dict:
    key = jax.random.key(seed)
    k1, k2, k3 = jax.random.split(key, 3)
    edge_index = jax.random.randint(k1, (2, N_EDGES), 0, N_NODES, dtype=jnp.int64)
    split_list = jax.random.randint(k2, (4,), 0, N_NODES, dtype=jnp.int64)
    feat = jax.random.normal(k3, (N_NODES, D_FEAT), dtype=jnp.float32)
    eps = jnp.zeros((1,), dtype=jnp.float32)  # init_eps=0, buffer (learn_eps=False)
    return {"edge_index": edge_index, "split_list": split_list, "feat": feat, "eps": eps}


def reference(edge_index, split_list, feat, eps):
    # GINConv forward with sum aggregator, apply_func=None.
    # graph.update_all(copy_u('h','m'), sum('m','neigh')):
    #   gather source-node features along edges, scatter-add into dst nodes.
    src = edge_index[0]
    dst = edge_index[1]
    msgs = jnp.take(feat, src, axis=0)                      # copy_u: gather
    neigh = jax.ops.segment_sum(msgs, dst, num_segments=feat.shape[0])  # sum reduce
    rst = (1.0 + eps) * feat + neigh
    return rst

if __name__ == "__main__":
    import jax
    _d = setup_inputs()
    print(jax.jit(kernel)(*tuple(_d.values())))

</pallas_src>

<mosaic_0001>
#map = affine_map<(d0, d1) -> (0, 0, 0, 0)>
#map1 = affine_map<(d0, d1) -> (0, 0)>
module attributes {stable_mosaic.version = 14 : i64} {
  func.func @_gin_scatter(%arg0: i32, %arg1: i32, %arg2: memref<32x5x40x50xi32, #tpu.memory_space<hbm>>, %arg3: memref<32x5x40x50xi32, #tpu.memory_space<hbm>>, %arg4: memref<10000x128xf32, #tpu.memory_space<hbm>>, %arg5: memref<20480x128xf32, #tpu.memory_space<hbm>>, %arg6: memref<40x50xi32, #tpu.memory_space<vmem>>, %arg7: memref<40x50xi32, #tpu.memory_space<vmem>>, %arg8: memref<50x128xf32, #tpu.memory_space<vmem>>, %arg9: memref<50x128xf32, #tpu.memory_space<vmem>>, %arg10: memref<50x128xf32, #tpu.memory_space<vmem>>, %arg11: memref<50x128xf32, #tpu.memory_space<vmem>>, %arg12: memref<40x128xf32, #tpu.memory_space<vmem>>, %arg13: memref<10240x128xf32, #tpu.memory_space<vmem_shared>>, %arg14: memref<!tpu.dma_semaphore, #tpu.memory_space<semaphore_mem>>, %arg15: memref<!tpu.dma_semaphore, #tpu.memory_space<semaphore_mem>>, %arg16: memref<!tpu.dma_semaphore, #tpu.memory_space<semaphore_mem>>, %arg17: memref<!tpu.dma_semaphore, #tpu.memory_space<semaphore_mem>>, %arg18: memref<!tpu.dma_semaphore, #tpu.memory_space<semaphore_mem>>) attributes {dimension_semantics = [#tpu.dimension_semantics<core_parallel>, #tpu.dimension_semantics<subcore_parallel>], iteration_bounds = array<i64: 2, 16>, scalar_prefetch = 0 : i64, scratch_operands = 13 : i64, tpu.core_type = #tpu.core_type<sc_vector_subcore>, window_params = [{transform_indices = #map}, {transform_indices = #map}, {transform_indices = #map1}, {transform_indices = #map1}]} {
    %mul3A = arith.constant 16 : i32
    %mul3A_0 = arith.muli %arg0, %mul3A : i32
    %add3A = arith.addi %mul3A_0, %arg1 : i32
    %dma_start3A = arith.constant 0 : i32
    %dma_start3A_1 = arith.constant 0 : i32
    %dma_start3A_2 = arith.constant 0 : i32
    %dma_start3A_3 = tpu.memref_slice %arg2[%add3A, %dma_start3A, %dma_start3A_1, %dma_start3A_2] : memref<32x5x40x50xi32, #tpu.memory_space<hbm>> -> memref<1x1x40x50xi32, #tpu.memory_space<hbm>>
    %dma_start3A_4 = tpu.memref_squeeze %dma_start3A_3 : memref<1x1x40x50xi32, #tpu.memory_space<hbm>> -> memref<40x50xi32, #tpu.memory_space<hbm>>
    %dma_start3A_5 = arith.constant 0 : i32
    %dma_start3A_6 = arith.constant 0 : i32
    %dma_start3A_7 = tpu.memref_slice %arg2[%add3A, %dma_start3A, %dma_start3A_5, %dma_start3A_6] : memref<32x5x40x50xi32, #tpu.memory_space<hbm>> -> memref<1x1x40x50xi32, #tpu.memory_space<hbm>>
    %dma_start3A_8 = tpu.memref_squeeze %dma_start3A_7 : memref<1x1x40x50xi32, #tpu.memory_space<hbm>> -> memref<40x50xi32, #tpu.memory_space<hbm>>
    tpu.enqueue_dma source(%dma_start3A_8 : memref<40x50xi32, #tpu.memory_space<hbm>>) target(%arg6 : memref<40x50xi32, #tpu.memory_space<vmem>>) target_semaphore(%arg14 : memref<!tpu.dma_semaphore, #tpu.memory_space<semaphore_mem>>)
    %dma_start3A_9 = arith.constant 0 : i32
    %dma_start3A_10 = arith.constant 0 : i32
    %dma_start3A_11 = arith.constant 0 : i32
    %dma_start3A_12 = tpu.memref_slice %arg3[%add3A, %dma_start3A_9, %dma_start3A_10, %dma_start3A_11] : memref<32x5x40x50xi32, #tpu.memory_space<hbm>> -> memref<1x1x40x50xi32, #tpu.memory_space<hbm>>
    %dma_start3A_13 = tpu.memref_squeeze %dma_start3A_12 : memref<1x1x40x50xi32, #tpu.memory_space<hbm>> -> memref<40x50xi32, #tpu.memory_space<hbm>>
    %dma_start3A_14 = arith.constant 0 : i32
    %dma_start3A_15 = arith.constant 0 : i32
    %dma_start3A_16 = tpu.memref_slice %arg3[%add3A, %dma_start3A_9, %dma_start3A_14, %dma_start3A_15] : memref<32x5x40x50xi32, #tpu.memory_space<hbm>> -> memref<1x1x40x50xi32, #tpu.memory_space<hbm>>
    %dma_start3A_17 = tpu.memref_squeeze %dma_start3A_16 : memref<1x1x40x50xi32, #tpu.memory_space<hbm>> -> memref<40x50xi32, #tpu.memory_space<hbm>>
    tpu.enqueue_dma source(%dma_start3A_17 : memref<40x50xi32, #tpu.memory_space<hbm>>) target(%arg7 : memref<40x50xi32, #tpu.memory_space<vmem>>) target_semaphore(%arg15 : memref<!tpu.dma_semaphore, #tpu.memory_space<semaphore_mem>>)
    %broadcast_in_dim3A = arith.constant 0.000000e+00 : f32
    %broadcast_in_dim3A_18 = vector.broadcast %broadcast_in_dim3A : f32 to vector<16xf32>
    %scan3A = arith.constant 0 : i32
    %scan3A_19 = arith.constant 40 : i32
    %scan3A_20 = arith.addi %scan3A, %scan3A_19 : i32
    %scan3A_21 = arith.constant 1 : i32
    scf.for %scan3A_949 = %scan3A to %scan3A_20 step %scan3A_21  : i32 {
      %scan3A_950 = arith.constant 0 : i32
      %scan3A_951 = arith.constant 8 : i32
      %scan3A_952 = arith.addi %scan3A_950, %scan3A_951 : i32
      %scan3A_953 = arith.constant 1 : i32
      scf.for %scan3A_955 = %scan3A_950 to %scan3A_952 step %scan3A_953  : i32 {
        %mul3A_956 = arith.constant 16 : i32
        %mul3A_957 = arith.muli %scan3A_955, %mul3A_956 : i32
        %swap3A = arith.index_cast %scan3A_949 : i32 to index
        %swap3A_958 = arith.index_cast %mul3A_957 : i32 to index
        %swap3A_959 = tpu.vector_load %arg12[%swap3A, %swap3A_958] {strides = array<i32>} : memref<40x128xf32, #tpu.memory_space<vmem>>, vector<1x16xf32>,
        %swap3A_960 = vector.shape_cast %swap3A_959 : vector<1x16xf32> to vector<16xf32>
        %swap3A_961 = vector.shape_cast %broadcast_in_dim3A_18 : vector<16xf32> to vector<1x16xf32>
        tpu.vector_store %arg12[%swap3A, %swap3A_958], %swap3A_961 {strides = array<i32>} : memref<40x128xf32, #tpu.memory_space<vmem>>, vector<1x16xf32>,
      }
      %scan3A_954 = arith.constant 8 : i32
    }
    %scan3A_22 = arith.constant 40 : i32
    %mul3A_23 = arith.constant 640 : i32
    %mul3A_24 = arith.muli %arg1, %mul3A_23 : i32
    %add3A_25 = arith.constant 0 : i32
    %add3A_26 = arith.addi %mul3A_24, %add3A_25 : i32
    %dma_start3A_27 = arith.constant 0 : i32
    %dma_start3A_28 = tpu.memref_slice %arg13[%add3A_26, %dma_start3A_27] : memref<10240x128xf32, #tpu.memory_space<vmem_shared>> -> memref<40x128xf32, #tpu.memory_space<vmem_shared>>
    %dma_start3A_29 = arith.constant 0 : i32
    %dma_start3A_30 = tpu.memref_slice %arg13[%add3A_26, %dma_start3A_29] : memref<10240x128xf32, #tpu.memory_space<vmem_shared>> -> memref<40x128xf32, #tpu.memory_space<vmem_shared>>
    tpu.enqueue_dma source(%arg12 : memref<40x128xf32, #tpu.memory_space<vmem>>) target(%dma_start3A_30 : memref<40x128xf32, #tpu.memory_space<vmem_shared>>) target_semaphore(%arg18 : memref<!tpu.dma_semaphore, #tpu.memory_space<semaphore_mem>>)
    %mul3A_31 = arith.constant 640 : i32
    %mul3A_32 = arith.muli %arg1, %mul3A_31 : i32
    %add3A_33 = arith.constant 40 : i32
    %add3A_34 = arith.addi %mul3A_32, %add3A_33 : i32
    %dma_start3A_35 = arith.constant 0 : i32
    %dma_start3A_36 = tpu.memref_slice %arg13[%add3A_34, %dma_start3A_35] : memref<10240x128xf32, #tpu.memory_space<vmem_shared>> -> memref<40x128xf32, #tpu.memory_space<vmem_shared>>
    %dma_start3A_37 = arith.constant 0 : i32
    %dma_start3A_38 = tpu.memref_slice %arg13[%add3A_34, %dma_start3A_37] : memref<10240x128xf32, #tpu.memory_space<vmem_shared>> -> memref<40x128xf32, #tpu.memory_space<vmem_shared>>
    tpu.enqueue_dma source(%arg12 : memref<40x128xf32, #tpu.memory_space<vmem>>) target(%dma_start3A_38 : memref<40x128xf32, #tpu.memory_space<vmem_shared>>) target_semaphore(%arg18 : memref<!tpu.dma_semaphore, #tpu.memory_space<semaphore_mem>>)
    %mul3A_39 = arith.constant 640 : i32
    %mul3A_40 = arith.muli %arg1, %mul3A_39 : i32
    %add3A_41 = arith.constant 80 : i32
    %add3A_42 = arith.addi %mul3A_40, %add3A_41 : i32
    %dma_start3A_43 = arith.constant 0 : i32
    %dma_start3A_44 = tpu.memref_slice %arg13[%add3A_42, %dma_start3A_43] : memref<10240x128xf32, #tpu.memory_space<vmem_shared>> -> memref<40x128xf32, #tpu.memory_space<vmem_shared>>
    %dma_start3A_45 = arith.constant 0 : i32
    %dma_start3A_46 = tpu.memref_slice %arg13[%add3A_42, %dma_start3A_45] : memref<10240x128xf32, #tpu.memory_space<vmem_shared>> -> memref<40x128xf32, #tpu.memory_space<vmem_shared>>
    tpu.enqueue_dma source(%arg12 : memref<40x128xf32, #tpu.memory_space<vmem>>) target(%dma_start3A_46 : memref<40x128xf32, #tpu.memory_space<vmem_shared>>) target_semaphore(%arg18 : memref<!tpu.dma_semaphore, #tpu.memory_space<semaphore_mem>>)
    %mul3A_47 = arith.constant 640 : i32
    %mul3A_48 = arith.muli %arg1, %mul3A_47 : i32
    %add3A_49 = arith.constant 120 : i32
    %add3A_50 = arith.addi %mul3A_48, %add3A_49 : i32
    %dma_start3A_51 = arith.constant 0 : i32
    %dma_start3A_52 = tpu.memref_slice %arg13[%add3A_50, %dma_start3A_51] : memref<10240x128xf32, #tpu.memory_space<vmem_shared>> -> memref<40x128xf32, #tpu.memory_space<vmem_shared>>
    %dma_start3A_53 = arith.constant 0 : i32
    %dma_start3A_54 = tpu.memref_slice %arg13[%add3A_50, %dma_start3A_53] : memref<10240x128xf32, #tpu.memory_space<vmem_shared>> -> memref<40x128xf32, #tpu.memory_space<vmem_shared>>
    tpu.enqueue_dma source(%arg12 : memref<40x128xf32, #tpu.memory_space<vmem>>) target(%dma_start3A_54 : memref<40x128xf32, #tpu.memory_space<vmem_shared>>) target_semaphore(%arg18 : memref<!tpu.dma_semaphore, #tpu.memory_space<semaphore_mem>>)
    %mul3A_55 = arith.constant 640 : i32
    %mul3A_56 = arith.muli %arg1, %mul3A_55 : i32
    %add3A_57 = arith.constant 160 : i32
    %add3A_58 = arith.addi %mul3A_56, %add3A_57 : i32
    %dma_start3A_59 = arith.constant 0 : i32
    %dma_start3A_60 = tpu.memref_slice %arg13[%add3A_58, %dma_start3A_59] : memref<10240x128xf32, #tpu.memory_space<vmem_shared>> -> memref<40x128xf32, #tpu.memory_space<vmem_shared>>
    %dma_start3A_61 = arith.constant 0 : i32
    %dma_start3A_62 = tpu.memref_slice %arg13[%add3A_58, %dma_start3A_61] : memref<10240x128xf32, #tpu.memory_space<vmem_shared>> -> memref<40x128xf32, #tpu.memory_space<vmem_shared>>
    tpu.enqueue_dma source(%arg12 : memref<40x128xf32, #tpu.memory_space<vmem>>) target(%dma_start3A_62 : memref<40x128xf32, #tpu.memory_space<vmem_shared>>) target_semaphore(%arg18 : memref<!tpu.dma_semaphore, #tpu.memory_space<semaphore_mem>>)
    %mul3A_63 = arith.constant 640 : i32
    %mul3A_64 = arith.muli %arg1, %mul3A_63 : i32
    %add3A_65 = arith.constant 200 : i32
    %add3A_66 = arith.addi %mul3A_64, %add3A_65 : i32
    %dma_start3A_67 = arith.constant 0 : i32
    %dma_start3A_68 = tpu.memref_slice %arg13[%add3A_66, %dma_start3A_67] : memref<10240x128xf32, #tpu.memory_space<vmem_shared>> -> memref<40x128xf32, #tpu.memory_space<vmem_shared>>
    %dma_start3A_69 = arith.constant 0 : i32
    %dma_start3A_70 = tpu.memref_slice %arg13[%add3A_66, %dma_start3A_69] : memref<10240x128xf32, #tpu.memory_space<vmem_shared>> -> memref<40x128xf32, #tpu.memory_space<vmem_shared>>
    tpu.enqueue_dma source(%arg12 : memref<40x128xf32, #tpu.memory_space<vmem>>) target(%dma_start3A_70 : memref<40x128xf32, #tpu.memory_space<vmem_shared>>) target_semaphore(%arg18 : memref<!tpu.dma_semaphore, #tpu.memory_space<semaphore_mem>>)
    %mul3A_71 = arith.constant 640 : i32
    %mul3A_72 = arith.muli %arg1, %mul3A_71 : i32
    %add3A_73 = arith.constant 240 : i32
    %add3A_74 = arith.addi %mul3A_72, %add3A_73 : i32
    %dma_start3A_75 = arith.constant 0 : i32
    %dma_start3A_76 = tpu.memref_slice %arg13[%add3A_74, %dma_start3A_75] : memref<10240x128xf32, #tpu.memory_space<vmem_shared>> -> memref<40x128xf32, #tpu.memory_space<vmem_shared>>
    %dma_start3A_77 = arith.constant 0 : i32
    %dma_start3A_78 = tpu.memref_slice %arg13[%add3A_74, %dma_start3A_77] : memref<10240x128xf32, #tpu.memory_space<vmem_shared>> -> memref<40x128xf32, #tpu.memory_space<vmem_shared>>
    tpu.enqueue_dma source(%arg12 : memref<40x128xf32, #tpu.memory_space<vmem>>) target(%dma_start3A_78 : memref<40x128xf32, #tpu.memory_space<vmem_shared>>) target_semaphore(%arg18 : memref<!tpu.dma_semaphore, #tpu.memory_space<semaphore_mem>>)
    %mul3A_79 = arith.constant 640 : i32
    %mul3A_80 = arith.muli %arg1, %mul3A_79 : i32
    %add3A_81 = arith.constant 280 : i32
    %add3A_82 = arith.addi %mul3A_80, %add3A_81 : i32
    %dma_start3A_83 = arith.constant 0 : i32
    %dma_start3A_84 = tpu.memref_slice %arg13[%add3A_82, %dma_start3A_83] : memref<10240x128xf32, #tpu.memory_space<vmem_shared>> -> memref<40x128xf32, #tpu.memory_space<vmem_shared>>
    %dma_start3A_85 = arith.constant 0 : i32
    %dma_start3A_86 = tpu.memref_slice %arg13[%add3A_82, %dma_start3A_85] : memref<10240x128xf32, #tpu.memory_space<vmem_shared>> -> memref<40x128xf32, #tpu.memory_space<vmem_shared>>
    tpu.enqueue_dma source(%arg12 : memref<40x128xf32, #tpu.memory_space<vmem>>) target(%dma_start3A_86 : memref<40x128xf32, #tpu.memory_space<vmem_shared>>) target_semaphore(%arg18 : memref<!tpu.dma_semaphore, #tpu.memory_space<semaphore_mem>>)
    %mul3A_87 = arith.constant 640 : i32
    %mul3A_88 = arith.muli %arg1, %mul3A_87 : i32
    %add3A_89 = arith.constant 320 : i32
    %add3A_90 = arith.addi %mul3A_88, %add3A_89 : i32
    %dma_start3A_91 = arith.constant 0 : i32
    %dma_start3A_92 = tpu.memref_slice %arg13[%add3A_90, %dma_start3A_91] : memref<10240x128xf32, #tpu.memory_space<vmem_shared>> -> memref<40x128xf32, #tpu.memory_space<vmem_shared>>
    %dma_start3A_93 = arith.constant 0 : i32
    %dma_start3A_94 = tpu.memref_slice %arg13[%add3A_90, %dma_start3A_93] : memref<10240x128xf32, #tpu.memory_space<vmem_shared>> -> memref<40x128xf32, #tpu.memory_space<vmem_shared>>
    tpu.enqueue_dma source(%arg12 : memref<40x128xf32, #tpu.memory_space<vmem>>) target(%dma_start3A_94 : memref<40x128xf32, #tpu.memory_space<vmem_shared>>) target_semaphore(%arg18 : memref<!tpu.dma_semaphore, #tpu.memory_space<semaphore_mem>>)
    %mul3A_95 = arith.constant 640 : i32
    %mul3A_96 = arith.muli %arg1, %mul3A_95 : i32
    %add3A_97 = arith.constant 360 : i32
    %add3A_98 = arith.addi %mul3A_96, %add3A_97 : i32
    %dma_start3A_99 = arith.constant 0 : i32
    %dma_start3A_100 = tpu.memref_slice %arg13[%add3A_98, %dma_start3A_99] : memref<10240x128xf32, #tpu.memory_space<vmem_shared>> -> memref<40x128xf32, #tpu.memory_space<vmem_shared>>
    %dma_start3A_101 = arith.constant 0 : i32
    %dma_start3A_102 = tpu.memref_slice %arg13[%add3A_98, %dma_start3A_101] : memref<10240x128xf32, #tpu.memory_space<vmem_shared>> -> memref<40x128xf32, #tpu.memory_space<vmem_shared>>
    tpu.enqueue_dma source(%arg12 : memref<40x128xf32, #tpu.memory_space<vmem>>) target(%dma_start3A_102 : memref<40x128xf32, #tpu.memory_space<vmem_shared>>) target_semaphore(%arg18 : memref<!tpu.dma_semaphore, #tpu.memory_space<semaphore_mem>>)
    %mul3A_103 = arith.constant 640 : i32
    %mul3A_104 = arith.muli %arg1, %mul3A_103 : i32
    %add3A_105 = arith.constant 400 : i32
    %add3A_106 = arith.addi %mul3A_104, %add3A_105 : i32
    %dma_start3A_107 = arith.constant 0 : i32
    %dma_start3A_108 = tpu.memref_slice %arg13[%add3A_106, %dma_start3A_107] : memref<10240x128xf32, #tpu.memory_space<vmem_shared>> -> memref<40x128xf32, #tpu.memory_space<vmem_shared>>
    %dma_start3A_109 = arith.constant 0 : i32
    %dma_start3A_110 = tpu.memref_slice %arg13[%add3A_106, %dma_start3A_109] : memref<10240x128xf32, #tpu.memory_space<vmem_shared>> -> memref<40x128xf32, #tpu.memory_space<vmem_shared>>
    tpu.enqueue_dma source(%arg12 : memref<40x128xf32, #tpu.memory_space<vmem>>) target(%dma_start3A_110 : memref<40x128xf32, #tpu.memory_space<vmem_shared>>) target_semaphore(%arg18 : memref<!tpu.dma_semaphore, #tpu.memory_space<semaphore_mem>>)
    %mul3A_111 = arith.constant 640 : i32
    %mul3A_112 = arith.muli %arg1, %mul3A_111 : i32
    %add3A_113 = arith.constant 440 : i32
    %add3A_114 = arith.addi %mul3A_112, %add3A_113 : i32
    %dma_start3A_115 = arith.constant 0 : i32
    %dma_start3A_116 = tpu.memref_slice %arg13[%add3A_114, %dma_start3A_115] : memref<10240x128xf32, #tpu.memory_space<vmem_shared>> -> memref<40x128xf32, #tpu.memory_space<vmem_shared>>
    %dma_start3A_117 = arith.constant 0 : i32
    %dma_start3A_118 = tpu.memref_slice %arg13[%add3A_114, %dma_start3A_117] : memref<10240x128xf32, #tpu.memory_space<vmem_shared>> -> memref<40x128xf32, #tpu.memory_space<vmem_shared>>
    tpu.enqueue_dma source(%arg12 : memref<40x128xf32, #tpu.memory_space<vmem>>) target(%dma_start3A_118 : memref<40x128xf32, #tpu.memory_space<vmem_shared>>) target_semaphore(%arg18 : memref<!tpu.dma_semaphore, #tpu.memory_space<semaphore_mem>>)
    %mul3A_119 = arith.constant 640 : i32
    %mul3A_120 = arith.muli %arg1, %mul3A_119 : i32
    %add3A_121 = arith.constant 480 : i32
    %add3A_122 = arith.addi %mul3A_120, %add3A_121 : i32
    %dma_start3A_123 = arith.constant 0 : i32
    %dma_start3A_124 = tpu.memref_slice %arg13[%add3A_122, %dma_start3A_123] : memref<10240x128xf32, #tpu.memory_space<vmem_shared>> -> memref<40x128xf32, #tpu.memory_space<vmem_shared>>
    %dma_start3A_125 = arith.constant 0 : i32
    %dma_start3A_126 = tpu.memref_slice %arg13[%add3A_122, %dma_start3A_125] : memref<10240x128xf32, #tpu.memory_space<vmem_shared>> -> memref<40x128xf32, #tpu.memory_space<vmem_shared>>
    tpu.enqueue_dma source(%arg12 : memref<40x128xf32, #tpu.memory_space<vmem>>) target(%dma_start3A_126 : memref<40x128xf32, #tpu.memory_space<vmem_shared>>) target_semaphore(%arg18 : memref<!tpu.dma_semaphore, #tpu.memory_space<semaphore_mem>>)
    %mul3A_127 = arith.constant 640 : i32
    %mul3A_128 = arith.muli %arg1, %mul3A_127 : i32
    %add3A_129 = arith.constant 520 : i32
    %add3A_130 = arith.addi %mul3A_128, %add3A_129 : i32
    %dma_start3A_131 = arith.constant 0 : i32
    %dma_start3A_132 = tpu.memref_slice %arg13[%add3A_130, %dma_start3A_131] : memref<10240x128xf32, #tpu.memory_space<vmem_shared>> -> memref<40x128xf32, #tpu.memory_space<vmem_shared>>
    %dma_start3A_133 = arith.constant 0 : i32
    %dma_start3A_134 = tpu.memref_slice %arg13[%add3A_130, %dma_start3A_133] : memref<10240x128xf32, #tpu.memory_space<vmem_shared>> -> memref<40x128xf32, #tpu.memory_space<vmem_shared>>
    tpu.enqueue_dma source(%arg12 : memref<40x128xf32, #tpu.memory_space<vmem>>) target(%dma_start3A_134 : memref<40x128xf32, #tpu.memory_space<vmem_shared>>) target_semaphore(%arg18 : memref<!tpu.dma_semaphore, #tpu.memory_space<semaphore_mem>>)
    %mul3A_135 = arith.constant 640 : i32
    %mul3A_136 = arith.muli %arg1, %mul3A_135 : i32
    %add3A_137 = arith.constant 560 : i32
    %add3A_138 = arith.addi %mul3A_136, %add3A_137 : i32
    %dma_start3A_139 = arith.constant 0 : i32
    %dma_start3A_140 = tpu.memref_slice %arg13[%add3A_138, %dma_start3A_139] : memref<10240x128xf32, #tpu.memory_space<vmem_shared>> -> memref<40x128xf32, #tpu.memory_space<vmem_shared>>
    %dma_start3A_141 = arith.constant 0 : i32
    %dma_start3A_142 = tpu.memref_slice %arg13[%add3A_138, %dma_start3A_141] : memref<10240x128xf32, #tpu.memory_space<vmem_shared>> -> memref<40x128xf32, #tpu.memory_space<vmem_shared>>
    tpu.enqueue_dma source(%arg12 : memref<40x128xf32, #tpu.memory_space<vmem>>) target(%dma_start3A_142 : memref<40x128xf32, #tpu.memory_space<vmem_shared>>) target_semaphore(%arg18 : memref<!tpu.dma_semaphore, #tpu.memory_space<semaphore_mem>>)
    %mul3A_143 = arith.constant 640 : i32
    %mul3A_144 = arith.muli %arg1, %mul3A_143 : i32
    %add3A_145 = arith.constant 600 : i32
    %add3A_146 = arith.addi %mul3A_144, %add3A_145 : i32
    %dma_start3A_147 = arith.constant 0 : i32
    %dma_start3A_148 = tpu.memref_slice %arg13[%add3A_146, %dma_start3A_147] : memref<10240x128xf32, #tpu.memory_space<vmem_shared>> -> memref<40x128xf32, #tpu.memory_space<vmem_shared>>
    %dma_start3A_149 = arith.constant 0 : i32
    %dma_start3A_150 = tpu.memref_slice %arg13[%add3A_146, %dma_start3A_149] : memref<10240x128xf32, #tpu.memory_space<vmem_shared>> -> memref<40x128xf32, #tpu.memory_space<vmem_shared>>
    tpu.enqueue_dma source(%arg12 : memref<40x128xf32, #tpu.memory_space<vmem>>) target(%dma_start3A_150 : memref<40x128xf32, #tpu.memory_space<vmem_shared>>) target_semaphore(%arg18 : memref<!tpu.dma_semaphore, #tpu.memory_space<semaphore_mem>>)
    %dma_wait3A = arith.constant 0 : i32
    %dma_wait3A_151 = arith.constant 0 : i32
    %dma_wait3A_152 = arith.constant 0 : i32
    %dma_wait3A_153 = tpu.memref_slice %arg2[%add3A, %dma_wait3A, %dma_wait3A_151, %dma_wait3A_152] : memref<32x5x40x50xi32, #tpu.memory_space<hbm>> -> memref<1x1x40x50xi32, #tpu.memory_space<hbm>>
    %dma_wait3A_154 = tpu.memref_squeeze %dma_wait3A_153 : memref<1x1x40x50xi32, #tpu.memory_space<hbm>> -> memref<40x50xi32, #tpu.memory_space<hbm>>
    %dma_wait3A_155 = arith.constant 0 : i32
    %dma_wait3A_156 = arith.constant 0 : i32
    %dma_wait3A_157 = tpu.memref_slice %arg2[%add3A, %dma_wait3A, %dma_wait3A_155, %dma_wait3A_156] : memref<32x5x40x50xi32, #tpu.memory_space<hbm>> -> memref<1x1x40x50xi32, #tpu.memory_space<hbm>>
    %dma_wait3A_158 = tpu.memref_squeeze %dma_wait3A_157 : memref<1x1x40x50xi32, #tpu.memory_space<hbm>> -> memref<40x50xi32, #tpu.memory_space<hbm>>
    tpu.wait_dma2 semaphore(%arg14 : memref<!tpu.dma_semaphore, #tpu.memory_space<semaphore_mem>>) src(%dma_wait3A_158 : memref<40x50xi32, #tpu.memory_space<hbm>>) dst(%arg6 : memref<40x50xi32, #tpu.memory_space<vmem>>)
    %dma_wait3A_159 = arith.constant 0 : i32
    %dma_wait3A_160 = arith.constant 0 : i32
    %dma_wait3A_161 = arith.constant 0 : i32
    %dma_wait3A_162 = tpu.memref_slice %arg3[%add3A, %dma_wait3A_159, %dma_wait3A_160, %dma_wait3A_161] : memref<32x5x40x50xi32, #tpu.memory_space<hbm>> -> memref<1x1x40x50xi32, #tpu.memory_space<hbm>>
    %dma_wait3A_163 = tpu.memref_squeeze %dma_wait3A_162 : memref<1x1x40x50xi32, #tpu.memory_space<hbm>> -> memref<40x50xi32, #tpu.memory_space<hbm>>
    %dma_wait3A_164 = arith.constant 0 : i32
    %dma_wait3A_165 = arith.constant 0 : i32
    %dma_wait3A_166 = tpu.memref_slice %arg3[%add3A, %dma_wait3A_159, %dma_wait3A_164, %dma_wait3A_165] : memref<32x5x40x50xi32, #tpu.memory_space<hbm>> -> memref<1x1x40x50xi32, #tpu.memory_space<hbm>>
    %dma_wait3A_167 = tpu.memref_squeeze %dma_wait3A_166 : memref<1x1x40x50xi32, #tpu.memory_space<hbm>> -> memref<40x50xi32, #tpu.memory_space<hbm>>
    tpu.wait_dma2 semaphore(%arg15 : memref<!tpu.dma_semaphore, #tpu.memory_space<semaphore_mem>>) src(%dma_wait3A_167 : memref<40x50xi32, #tpu.memory_space<hbm>>) dst(%arg7 : memref<40x50xi32, #tpu.memory_space<vmem>>)
    %dma_start3A_168 = arith.constant 0 : i32
    %dma_start3A_169 = arith.constant 0 : i32
    %dma_start3A_170 = tpu.memref_slice %arg6[%dma_start3A_168, %dma_start3A_169] : memref<40x50xi32, #tpu.memory_space<vmem>> -> memref<1x50xi32, #tpu.memory_space<vmem>>
    %dma_start3A_171 = tpu.memref_squeeze %dma_start3A_170 : memref<1x50xi32, #tpu.memory_space<vmem>> -> memref<50xi32, #tpu.memory_space<vmem>>
    %dma_start3A_172 = arith.constant 0 : i32
    %dma_start3A_173 = arith.constant 0 : i32
    %dma_start3A_174 = tpu.memref_slice %arg4[%dma_start3A_172, %dma_start3A_173] : memref<10000x128xf32, #tpu.memory_space<hbm>> -> memref<10000x128xf32, #tpu.memory_space<hbm>>
    tpu.enqueue_indirect_dma source(%dma_start3A_174 : memref<10000x128xf32, #tpu.memory_space<hbm>>) target(%arg8 : memref<50x128xf32, #tpu.memory_space<vmem>>) offsets(%dma_start3A_171 : memref<50xi32, #tpu.memory_space<vmem>>) semaphore(%arg14 : memref<!tpu.dma_semaphore, #tpu.memory_space<semaphore_mem>>)
    %dma_start3A_175 = arith.constant 1 : i32
    %dma_start3A_176 = arith.constant 0 : i32
    %dma_start3A_177 = tpu.memref_slice %arg6[%dma_start3A_175, %dma_start3A_176] : memref<40x50xi32, #tpu.memory_space<vmem>> -> memref<1x50xi32, #tpu.memory_space<vmem>>
    %dma_start3A_178 = tpu.memref_squeeze %dma_start3A_177 : memref<1x50xi32, #tpu.memory_space<vmem>> -> memref<50xi32, #tpu.memory_space<vmem>>
    %dma_start3A_179 = arith.constant 0 : i32
    %dma_start3A_180 = arith.constant 0 : i32
    %dma_start3A_181 = tpu.memref_slice %arg4[%dma_start3A_179, %dma_start3A_180] : memref<10000x128xf32, #tpu.memory_space<hbm>> -> memref<10000x128xf32, #tpu.memory_space<hbm>>
    tpu.enqueue_indirect_dma source(%dma_start3A_181 : memref<10000x128xf32, #tpu.memory_space<hbm>>) target(%arg9 : memref<50x128xf32, #tpu.memory_space<vmem>>) offsets(%dma_start3A_178 : memref<50xi32, #tpu.memory_space<vmem>>) semaphore(%arg15 : memref<!tpu.dma_semaphore, #tpu.memory_space<semaphore_mem>>)
    %dma_start3A_182 = arith.constant 2 : i32
    %dma_start3A_183 = arith.constant 0 : i32
    %dma_start3A_184 = tpu.memref_slice %arg6[%dma_start3A_182, %dma_start3A_183] : memref<40x50xi32, #tpu.memory_space<vmem>> -> memref<1x50xi32, #tpu.memory_space<vmem>>
    %dma_start3A_185 = tpu.memref_squeeze %dma_start3A_184 : memref<1x50xi32, #tpu.memory_space<vmem>> -> memref<50xi32, #tpu.memory_space<vmem>>
    %dma_start3A_186 = arith.constant 0 : i32
    %dma_start3A_187 = arith.constant 0 : i32
    %dma_start3A_188 = tpu.memref_slice %arg4[%dma_start3A_186, %dma_start3A_187] : memref<10000x128xf32, #tpu.memory_space<hbm>> -> memref<10000x128xf32, #tpu.memory_space<hbm>>
    tpu.enqueue_indirect_dma source(%dma_start3A_188 : memref<10000x128xf32, #tpu.memory_space<hbm>>) target(%arg10 : memref<50x128xf32, #tpu.memory_space<vmem>>) offsets(%dma_start3A_185 : memref<50xi32, #tpu.memory_space<vmem>>) semaphore(%arg16 : memref<!tpu.dma_semaphore, #tpu.memory_space<semaphore_mem>>)
    %dma_start3A_189 = arith.constant 3 : i32
    %dma_start3A_190 = arith.constant 0 : i32
    %dma_start3A_191 = tpu.memref_slice %arg6[%dma_start3A_189, %dma_start3A_190] : memref<40x50xi32, #tpu.memory_space<vmem>> -> memref<1x50xi32, #tpu.memory_space<vmem>>
    %dma_start3A_192 = tpu.memref_squeeze %dma_start3A_191 : memref<1x50xi32, #tpu.memory_space<vmem>> -> memref<50xi32, #tpu.memory_space<vmem>>
    %dma_start3A_193 = arith.constant 0 : i32
    %dma_start3A_194 = arith.constant 0 : i32
    %dma_start3A_195 = tpu.memref_slice %arg4[%dma_start3A_193, %dma_start3A_194] : memref<10000x128xf32, #tpu.memory_space<hbm>> -> memref<10000x128xf32, #tpu.memory_space<hbm>>
    tpu.enqueue_indirect_dma source(%dma_start3A_195 : memref<10000x128xf32, #tpu.memory_space<hbm>>) target(%arg11 : memref<50x128xf32, #tpu.memory_space<vmem>>) offsets(%dma_start3A_192 : memref<50xi32, #tpu.memory_space<vmem>>) semaphore(%arg17 : memref<!tpu.dma_semaphore, #tpu.memory_space<semaphore_mem>>)
    %mul3A_196 = arith.constant 640 : i32
    %mul3A_197 = arith.muli %arg1, %mul3A_196 : i32
    %add3A_198 = arith.constant 0 : i32
    %add3A_199 = arith.addi %mul3A_197, %add3A_198 : i32
    %dma_wait3A_200 = arith.constant 0 : i32
    %dma_wait3A_201 = tpu.memref_slice %arg13[%add3A_199, %dma_wait3A_200] : memref<10240x128xf32, #tpu.memory_space<vmem_shared>> -> memref<40x128xf32, #tpu.memory_space<vmem_shared>>
    %dma_wait3A_202 = arith.constant 0 : i32
    %dma_wait3A_203 = tpu.memref_slice %arg13[%add3A_199, %dma_wait3A_202] : memref<10240x128xf32, #tpu.memory_space<vmem_shared>> -> memref<40x128xf32, #tpu.memory_space<vmem_shared>>
    tpu.wait_dma2 semaphore(%arg18 : memref<!tpu.dma_semaphore, #tpu.memory_space<semaphore_mem>>) src(%arg12 : memref<40x128xf32, #tpu.memory_space<vmem>>) dst(%dma_wait3A_203 : memref<40x128xf32, #tpu.memory_space<vmem_shared>>)
    %mul3A_204 = arith.constant 640 : i32
    %mul3A_205 = arith.muli %arg1, %mul3A_204 : i32
    %add3A_206 = arith.constant 40 : i32
    %add3A_207 = arith.addi %mul3A_205, %add3A_206 : i32
    %dma_wait3A_208 = arith.constant 0 : i32
    %dma_wait3A_209 = tpu.memref_slice %arg13[%add3A_207, %dma_wait3A_208] : memref<10240x128xf32, #tpu.memory_space<vmem_shared>> -> memref<40x128xf32, #tpu.memory_space<vmem_shared>>
    %dma_wait3A_210 = arith.constant 0 : i32
    %dma_wait3A_211 = tpu.memref_slice %arg13[%add3A_207, %dma_wait3A_210] : memref<10240x128xf32, #tpu.memory_space<vmem_shared>> -> memref<40x128xf32, #tpu.memory_space<vmem_shared>>
    tpu.wait_dma2 semaphore(%arg18 : memref<!tpu.dma_semaphore, #tpu.memory_space<semaphore_mem>>) src(%arg12 : memref<40x128xf32, #tpu.memory_space<vmem>>) dst(%dma_wait3A_211 : memref<40x128xf32, #tpu.memory_space<vmem_shared>>)
    %mul3A_212 = arith.constant 640 : i32
    %mul3A_213 = arith.muli %arg1, %mul3A_212 : i32
    %add3A_214 = arith.constant 80 : i32
    %add3A_215 = arith.addi %mul3A_213, %add3A_214 : i32
    %dma_wait3A_216 = arith.constant 0 : i32
    %dma_wait3A_217 = tpu.memref_slice %arg13[%add3A_215, %dma_wait3A_216] : memref<10240x128xf32, #tpu.memory_space<vmem_shared>> -> memref<40x128xf32, #tpu.memory_space<vmem_shared>>
    %dma_wait3A_218 = arith.constant 0 : i32
    %dma_wait3A_219 = tpu.memref_slice %arg13[%add3A_215, %dma_wait3A_218] : memref<10240x128xf32, #tpu.memory_space<vmem_shared>> -> memref<40x128xf32, #tpu.memory_space<vmem_shared>>
    tpu.wait_dma2 semaphore(%arg18 : memref<!tpu.dma_semaphore, #tpu.memory_space<semaphore_mem>>) src(%arg12 : memref<40x128xf32, #tpu.memory_space<vmem>>) dst(%dma_wait3A_219 : memref<40x128xf32, #tpu.memory_space<vmem_shared>>)
    %mul3A_220 = arith.constant 640 : i32
    %mul3A_221 = arith.muli %arg1, %mul3A_220 : i32
    %add3A_222 = arith.constant 120 : i32
    %add3A_223 = arith.addi %mul3A_221, %add3A_222 : i32
    %dma_wait3A_224 = arith.constant 0 : i32
    %dma_wait3A_225 = tpu.memref_slice %arg13[%add3A_223, %dma_wait3A_224] : memref<10240x128xf32, #tpu.memory_space<vmem_shared>> -> memref<40x128xf32, #tpu.memory_space<vmem_shared>>
    %dma_wait3A_226 = arith.constant 0 : i32
    %dma_wait3A_227 = tpu.memref_slice %arg13[%add3A_223, %dma_wait3A_226] : memref<10240x128xf32, #tpu.memory_space<vmem_shared>> -> memref<40x128xf32, #tpu.memory_space<vmem_shared>>
    tpu.wait_dma2 semaphore(%arg18 : memref<!tpu.dma_semaphore, #tpu.memory_space<semaphore_mem>>) src(%arg12 : memref<40x128xf32, #tpu.memory_space<vmem>>) dst(%dma_wait3A_227 : memref<40x128xf32, #tpu.memory_space<vmem_shared>>)
    %mul3A_228 = arith.constant 640 : i32
    %mul3A_229 = arith.muli %arg1, %mul3A_228 : i32
    %add3A_230 = arith.constant 160 : i32
    %add3A_231 = arith.addi %mul3A_229, %add3A_230 : i32
    %dma_wait3A_232 = arith.constant 0 : i32
    %dma_wait3A_233 = tpu.memref_slice %arg13[%add3A_231, %dma_wait3A_232] : memref<10240x128xf32, #tpu.memory_space<vmem_shared>> -> memref<40x128xf32, #tpu.memory_space<vmem_shared>>
    %dma_wait3A_234 = arith.constant 0 : i32
    %dma_wait3A_235 = tpu.memref_slice %arg13[%add3A_231, %dma_wait3A_234] : memref<10240x128xf32, #tpu.memory_space<vmem_shared>> -> memref<40x128xf32, #tpu.memory_space<vmem_shared>>
    tpu.wait_dma2 semaphore(%arg18 : memref<!tpu.dma_semaphore, #tpu.memory_space<semaphore_mem>>) src(%arg12 : memref<40x128xf32, #tpu.memory_space<vmem>>) dst(%dma_wait3A_235 : memref<40x128xf32, #tpu.memory_space<vmem_shared>>)
    %mul3A_236 = arith.constant 640 : i32
    %mul3A_237 = arith.muli %arg1, %mul3A_236 : i32
    %add3A_238 = arith.constant 200 : i32
    %add3A_239 = arith.addi %mul3A_237, %add3A_238 : i32
    %dma_wait3A_240 = arith.constant 0 : i32
    %dma_wait3A_241 = tpu.memref_slice %arg13[%add3A_239, %dma_wait3A_240] : memref<10240x128xf32, #tpu.memory_space<vmem_shared>> -> memref<40x128xf32, #tpu.memory_space<vmem_shared>>
    %dma_wait3A_242 = arith.constant 0 : i32
    %dma_wait3A_243 = tpu.memref_slice %arg13[%add3A_239, %dma_wait3A_242] : memref<10240x128xf32, #tpu.memory_space<vmem_shared>> -> memref<40x128xf32, #tpu.memory_space<vmem_shared>>
    tpu.wait_dma2 semaphore(%arg18 : memref<!tpu.dma_semaphore, #tpu.memory_space<semaphore_mem>>) src(%arg12 : memref<40x128xf32, #tpu.memory_space<vmem>>) dst(%dma_wait3A_243 : memref<40x128xf32, #tpu.memory_space<vmem_shared>>)
    %mul3A_244 = arith.constant 640 : i32
    %mul3A_245 = arith.muli %arg1, %mul3A_244 : i32
    %add3A_246 = arith.constant 240 : i32
    %add3A_247 = arith.addi %mul3A_245, %add3A_246 : i32
    %dma_wait3A_248 = arith.constant 0 : i32
    %dma_wait3A_249 = tpu.memref_slice %arg13[%add3A_247, %dma_wait3A_248] : memref<10240x128xf32, #tpu.memory_space<vmem_shared>> -> memref<40x128xf32, #tpu.memory_space<vmem_shared>>
    %dma_wait3A_250 = arith.constant 0 : i32
    %dma_wait3A_251 = tpu.memref_slice %arg13[%add3A_247, %dma_wait3A_250] : memref<10240x128xf32, #tpu.memory_space<vmem_shared>> -> memref<40x128xf32, #tpu.memory_space<vmem_shared>>
    tpu.wait_dma2 semaphore(%arg18 : memref<!tpu.dma_semaphore, #tpu.memory_space<semaphore_mem>>) src(%arg12 : memref<40x128xf32, #tpu.memory_space<vmem>>) dst(%dma_wait3A_251 : memref<40x128xf32, #tpu.memory_space<vmem_shared>>)
    %mul3A_252 = arith.constant 640 : i32
    %mul3A_253 = arith.muli %arg1, %mul3A_252 : i32
    %add3A_254 = arith.constant 280 : i32
    %add3A_255 = arith.addi %mul3A_253, %add3A_254 : i32
    %dma_wait3A_256 = arith.constant 0 : i32
    %dma_wait3A_257 = tpu.memref_slice %arg13[%add3A_255, %dma_wait3A_256] : memref<10240x128xf32, #tpu.memory_space<vmem_shared>> -> memref<40x128xf32, #tpu.memory_space<vmem_shared>>
    %dma_wait3A_258 = arith.constant 0 : i32
    %dma_wait3A_259 = tpu.memref_slice %arg13[%add3A_255, %dma_wait3A_258] : memref<10240x128xf32, #tpu.memory_space<vmem_shared>> -> memref<40x128xf32, #tpu.memory_space<vmem_shared>>
    tpu.wait_dma2 semaphore(%arg18 : memref<!tpu.dma_semaphore, #tpu.memory_space<semaphore_mem>>) src(%arg12 : memref<40x128xf32, #tpu.memory_space<vmem>>) dst(%dma_wait3A_259 : memref<40x128xf32, #tpu.memory_space<vmem_shared>>)
    %mul3A_260 = arith.constant 640 : i32
    %mul3A_261 = arith.muli %arg1, %mul3A_260 : i32
    %add3A_262 = arith.constant 320 : i32
    %add3A_263 = arith.addi %mul3A_261, %add3A_262 : i32
    %dma_wait3A_264 = arith.constant 0 : i32
    %dma_wait3A_265 = tpu.memref_slice %arg13[%add3A_263, %dma_wait3A_264] : memref<10240x128xf32, #tpu.memory_space<vmem_shared>> -> memref<40x128xf32, #tpu.memory_space<vmem_shared>>
    %dma_wait3A_266 = arith.constant 0 : i32
    %dma_wait3A_267 = tpu.memref_slice %arg13[%add3A_263, %dma_wait3A_266] : memref<10240x128xf32, #tpu.memory_space<vmem_shared>> -> memref<40x128xf32, #tpu.memory_space<vmem_shared>>
    tpu.wait_dma2 semaphore(%arg18 : memref<!tpu.dma_semaphore, #tpu.memory_space<semaphore_mem>>) src(%arg12 : memref<40x128xf32, #tpu.memory_space<vmem>>) dst(%dma_wait3A_267 : memref<40x128xf32, #tpu.memory_space<vmem_shared>>)
    %mul3A_268 = arith.constant 640 : i32
    %mul3A_269 = arith.muli %arg1, %mul3A_268 : i32
    %add3A_270 = arith.constant 360 : i32
    %add3A_271 = arith.addi %mul3A_269, %add3A_270 : i32
    %dma_wait3A_272 = arith.constant 0 : i32
    %dma_wait3A_273 = tpu.memref_slice %arg13[%add3A_271, %dma_wait3A_272] : memref<10240x128xf32, #tpu.memory_space<vmem_shared>> -> memref<40x128xf32, #tpu.memory_space<vmem_shared>>
    %dma_wait3A_274 = arith.constant 0 : i32
    %dma_wait3A_275 = tpu.memref_slice %arg13[%add3A_271, %dma_wait3A_274] : memref<10240x128xf32, #tpu.memory_space<vmem_shared>> -> memref<40x128xf32, #tpu.memory_space<vmem_shared>>
    tpu.wait_dma2 semaphore(%arg18 : memref<!tpu.dma_semaphore, #tpu.memory_space<semaphore_mem>>) src(%arg12 : memref<40x128xf32, #tpu.memory_space<vmem>>) dst(%dma_wait3A_275 : memref<40x128xf32, #tpu.memory_space<vmem_shared>>)
    %mul3A_276 = arith.constant 640 : i32
    %mul3A_277 = arith.muli %arg1, %mul3A_276 : i32
    %add3A_278 = arith.constant 400 : i32
    %add3A_279 = arith.addi %mul3A_277, %add3A_278 : i32
    %dma_wait3A_280 = arith.constant 0 : i32
    %dma_wait3A_281 = tpu.memref_slice %arg13[%add3A_279, %dma_wait3A_280] : memref<10240x128xf32, #tpu.memory_space<vmem_shared>> -> memref<40x128xf32, #tpu.memory_space<vmem_shared>>
    %dma_wait3A_282 = arith.constant 0 : i32
    %dma_wait3A_283 = tpu.memref_slice %arg13[%add3A_279, %dma_wait3A_282] : memref<10240x128xf32, #tpu.memory_space<vmem_shared>> -> memref<40x128xf32, #tpu.memory_space<vmem_shared>>
    tpu.wait_dma2 semaphore(%arg18 : memref<!tpu.dma_semaphore, #tpu.memory_space<semaphore_mem>>) src(%arg12 : memref<40x128xf32, #tpu.memory_space<vmem>>) dst(%dma_wait3A_283 : memref<40x128xf32, #tpu.memory_space<vmem_shared>>)
    %mul3A_284 = arith.constant 640 : i32
    %mul3A_285 = arith.muli %arg1, %mul3A_284 : i32
    %add3A_286 = arith.constant 440 : i32
    %add3A_287 = arith.addi %mul3A_285, %add3A_286 : i32
    %dma_wait3A_288 = arith.constant 0 : i32
    %dma_wait3A_289 = tpu.memref_slice %arg13[%add3A_287, %dma_wait3A_288] : memref<10240x128xf32, #tpu.memory_space<vmem_shared>> -> memref<40x128xf32, #tpu.memory_space<vmem_shared>>
    %dma_wait3A_290 = arith.constant 0 : i32
    %dma_wait3A_291 = tpu.memref_slice %arg13[%add3A_287, %dma_wait3A_290] : memref<10240x128xf32, #tpu.memory_space<vmem_shared>> -> memref<40x128xf32, #tpu.memory_space<vmem_shared>>
    tpu.wait_dma2 semaphore(%arg18 : memref<!tpu.dma_semaphore, #tpu.memory_space<semaphore_mem>>) src(%arg12 : memref<40x128xf32, #tpu.memory_space<vmem>>) dst(%dma_wait3A_291 : memref<40x128xf32, #tpu.memory_space<vmem_shared>>)
    %mul3A_292 = arith.constant 640 : i32
    %mul3A_293 = arith.muli %arg1, %mul3A_292 : i32
    %add3A_294 = arith.constant 480 : i32
    %add3A_295 = arith.addi %mul3A_293, %add3A_294 : i32
    %dma_wait3A_296 = arith.constant 0 : i32
    %dma_wait3A_297 = tpu.memref_slice %arg13[%add3A_295, %dma_wait3A_296] : memref<10240x128xf32, #tpu.memory_space<vmem_shared>> -> memref<40x128xf32, #tpu.memory_space<vmem_shared>>
    %dma_wait3A_298 = arith.constant 0 : i32
    %dma_wait3A_299 = tpu.memref_slice %arg13[%add3A_295, %dma_wait3A_298] : memref<10240x128xf32, #tpu.memory_space<vmem_shared>> -> memref<40x128xf32, #tpu.memory_space<vmem_shared>>
    tpu.wait_dma2 semaphore(%arg18 : memref<!tpu.dma_semaphore, #tpu.memory_space<semaphore_mem>>) src(%arg12 : memref<40x128xf32, #tpu.memory_space<vmem>>) dst(%dma_wait3A_299 : memref<40x128xf32, #tpu.memory_space<vmem_shared>>)
    %mul3A_300 = arith.constant 640 : i32
    %mul3A_301 = arith.muli %arg1, %mul3A_300 : i32
    %add3A_302 = arith.constant 520 : i32
    %add3A_303 = arith.addi %mul3A_301, %add3A_302 : i32
    %dma_wait3A_304 = arith.constant 0 : i32
    %dma_wait3A_305 = tpu.memref_slice %arg13[%add3A_303, %dma_wait3A_304] : memref<10240x128xf32, #tpu.memory_space<vmem_shared>> -> memref<40x128xf32, #tpu.memory_space<vmem_shared>>
    %dma_wait3A_306 = arith.constant 0 : i32
    %dma_wait3A_307 = tpu.memref_slice %arg13[%add3A_303, %dma_wait3A_306] : memref<10240x128xf32, #tpu.memory_space<vmem_shared>> -> memref<40x128xf32, #tpu.memory_space<vmem_shared>>
    tpu.wait_dma2 semaphore(%arg18 : memref<!tpu.dma_semaphore, #tpu.memory_space<semaphore_mem>>) src(%arg12 : memref<40x128xf32, #tpu.memory_space<vmem>>) dst(%dma_wait3A_307 : memref<40x128xf32, #tpu.memory_space<vmem_shared>>)
    %mul3A_308 = arith.constant 640 : i32
    %mul3A_309 = arith.muli %arg1, %mul3A_308 : i32
    %add3A_310 = arith.constant 560 : i32
    %add3A_311 = arith.addi %mul3A_309, %add3A_310 : i32
    %dma_wait3A_312 = arith.constant 0 : i32
    %dma_wait3A_313 = tpu.memref_slice %arg13[%add3A_311, %dma_wait3A_312] : memref<10240x128xf32, #tpu.memory_space<vmem_shared>> -> memref<40x128xf32, #tpu.memory_space<vmem_shared>>
    %dma_wait3A_314 = arith.constant 0 : i32
    %dma_wait3A_315 = tpu.memref_slice %arg13[%add3A_311, %dma_wait3A_314] : memref<10240x128xf32, #tpu.memory_space<vmem_shared>> -> memref<40x128xf32, #tpu.memory_space<vmem_shared>>
    tpu.wait_dma2 semaphore(%arg18 : memref<!tpu.dma_semaphore, #tpu.memory_space<semaphore_mem>>) src(%arg12 : memref<40x128xf32, #tpu.memory_space<vmem>>) dst(%dma_wait3A_315 : memref<40x128xf32, #tpu.memory_space<vmem_shared>>)
    %mul3A_316 = arith.constant 640 : i32
    %mul3A_317 = arith.muli %arg1, %mul3A_316 : i32
    %add3A_318 = arith.constant 600 : i32
    %add3A_319 = arith.addi %mul3A_317, %add3A_318 : i32
    %dma_wait3A_320 = arith.constant 0 : i32
    %dma_wait3A_321 = tpu.memref_slice %arg13[%add3A_319, %dma_wait3A_320] : memref<10240x128xf32, #tpu.memory_space<vmem_shared>> -> memref<40x128xf32, #tpu.memory_space<vmem_shared>>
    %dma_wait3A_322 = arith.constant 0 : i32
    %dma_wait3A_323 = tpu.memref_slice %arg13[%add3A_319, %dma_wait3A_322] : memref<10240x128xf32, #tpu.memory_space<vmem_shared>> -> memref<40x128xf32, #tpu.memory_space<vmem_shared>>
    tpu.wait_dma2 semaphore(%arg18 : memref<!tpu.dma_semaphore, #tpu.memory_space<semaphore_mem>>) src(%arg12 : memref<40x128xf32, #tpu.memory_space<vmem>>) dst(%dma_wait3A_323 : memref<40x128xf32, #tpu.memory_space<vmem_shared>>)
    %barrier3A = arith.constant 0 : index
    tpu.barrier barrier_id(%barrier3A)
    %scan3A_324 = arith.constant 0 : i32
    %scan3A_325 = arith.constant 10 : i32
    %scan3A_326 = arith.addi %scan3A_324, %scan3A_325 : i32
    %scan3A_327 = arith.constant 1 : i32
    scf.for %scan3A_949 = %scan3A_324 to %scan3A_326 step %scan3A_327  : i32 {
      %mul3A_950 = arith.constant 4 : i32
      %mul3A_951 = arith.muli %mul3A_950, %scan3A_949 : i32
      %add3A_952 = arith.constant 0 : i32
      %add3A_953 = arith.addi %mul3A_951, %add3A_952 : i32
      %dma_wait3A_954 = arith.constant 0 : i32
      %dma_wait3A_955 = tpu.memref_slice %arg6[%add3A_953, %dma_wait3A_954] : memref<40x50xi32, #tpu.memory_space<vmem>> -> memref<1x50xi32, #tpu.memory_space<vmem>>
      %dma_wait3A_956 = tpu.memref_squeeze %dma_wait3A_955 : memref<1x50xi32, #tpu.memory_space<vmem>> -> memref<50xi32, #tpu.memory_space<vmem>>
      %dma_wait3A_957 = arith.constant 0 : i32
      %dma_wait3A_958 = arith.constant 0 : i32
      %dma_wait3A_959 = tpu.memref_slice %arg4[%dma_wait3A_957, %dma_wait3A_958] : memref<10000x128xf32, #tpu.memory_space<hbm>> -> memref<10000x128xf32, #tpu.memory_space<hbm>>
      tpu.wait_indirect_dma semaphore(%arg14 : memref<!tpu.dma_semaphore, #tpu.memory_space<semaphore_mem>>) src(%dma_wait3A_959 : memref<10000x128xf32, #tpu.memory_space<hbm>>) dst(%arg8 : memref<50x128xf32, #tpu.memory_space<vmem>>)
      "tpu.region"() ({
        %run_scoped3A_1009 = tpu.sem_alloc : memref<!tpu.dma_semaphore, #tpu.memory_space<semaphore_mem>>
        %dma_start3A_1010 = arith.constant 0 : i32
        %dma_start3A_1011 = tpu.memref_slice %arg7[%add3A_953, %dma_start3A_1010] : memref<40x50xi32, #tpu.memory_space<vmem>> -> memref<1x50xi32, #tpu.memory_space<vmem>>
        %dma_start3A_1012 = tpu.memref_squeeze %dma_start3A_1011 : memref<1x50xi32, #tpu.memory_space<vmem>> -> memref<50xi32, #tpu.memory_space<vmem>>
        %dma_start3A_1013 = arith.constant 0 : i32
        %dma_start3A_1014 = arith.constant 0 : i32
        %dma_start3A_1015 = tpu.memref_slice %arg13[%dma_start3A_1013, %dma_start3A_1014] : memref<10240x128xf32, #tpu.memory_space<vmem_shared>> -> memref<10240x128xf32, #tpu.memory_space<vmem_shared>>
        tpu.enqueue_indirect_dma source(%arg8 : memref<50x128xf32, #tpu.memory_space<vmem>>) target(%dma_start3A_1015 : memref<10240x128xf32, #tpu.memory_space<vmem_shared>>) offsets(%dma_start3A_1012 : memref<50xi32, #tpu.memory_space<vmem>>) semaphore(%run_scoped3A_1009 : memref<!tpu.dma_semaphore, #tpu.memory_space<semaphore_mem>>) {add = true}
        %dma_wait3A_1016 = arith.constant 0 : i32
        %dma_wait3A_1017 = tpu.memref_slice %arg7[%add3A_953, %dma_wait3A_1016] : memref<40x50xi32, #tpu.memory_space<vmem>> -> memref<1x50xi32, #tpu.memory_space<vmem>>
        %dma_wait3A_1018 = tpu.memref_squeeze %dma_wait3A_1017 : memref<1x50xi32, #tpu.memory_space<vmem>> -> memref<50xi32, #tpu.memory_space<vmem>>
        %dma_wait3A_1019 = arith.constant 0 : i32
        %dma_wait3A_1020 = arith.constant 0 : i32
        %dma_wait3A_1021 = tpu.memref_slice %arg13[%dma_wait3A_1019, %dma_wait3A_1020] : memref<10240x128xf32, #tpu.memory_space<vmem_shared>> -> memref<10240x128xf32, #tpu.memory_space<vmem_shared>>
        tpu.wait_indirect_dma semaphore(%run_scoped3A_1009 : memref<!tpu.dma_semaphore, #tpu.memory_space<semaphore_mem>>) src(%arg8 : memref<50x128xf32, #tpu.memory_space<vmem>>) dst(%dma_wait3A_1021 : memref<10240x128xf32, #tpu.memory_space<vmem_shared>>)
        tpu.yield
      }) : () -> ()
      %add3A_960 = arith.constant 4 : i32
      %add3A_961 = arith.addi %add3A_953, %add3A_960 : i32
      %lt3A = arith.constant 40 : i32
      %lt3A_962 = arith.cmpi slt, %add3A_961, %lt3A : i32
      %convert_element_type3A = arith.extui %lt3A_962 : i1 to i32
      %cond3A = arith.constant 0 : i32
      %cond3A_963 = arith.cmpi ne, %convert_element_type3A, %cond3A : i32
      scf.if %cond3A_963 {
        %add3A_1009 = arith.constant 4 : i32
        %add3A_1010 = arith.addi %add3A_953, %add3A_1009 : i32
        %dma_start3A_1011 = arith.constant 0 : i32
        %dma_start3A_1012 = tpu.memref_slice %arg6[%add3A_1010, %dma_start3A_1011] : memref<40x50xi32, #tpu.memory_space<vmem>> -> memref<1x50xi32, #tpu.memory_space<vmem>>
        %dma_start3A_1013 = tpu.memref_squeeze %dma_start3A_1012 : memref<1x50xi32, #tpu.memory_space<vmem>> -> memref<50xi32, #tpu.memory_space<vmem>>
        %dma_start3A_1014 = arith.constant 0 : i32
        %dma_start3A_1015 = arith.constant 0 : i32
        %dma_start3A_1016 = tpu.memref_slice %arg4[%dma_start3A_1014, %dma_start3A_1015] : memref<10000x128xf32, #tpu.memory_space<hbm>> -> memref<10000x128xf32, #tpu.memory_space<hbm>>
        tpu.enqueue_indirect_dma source(%dma_start3A_1016 : memref<10000x128xf32, #tpu.memory_space<hbm>>) target(%arg8 : memref<50x128xf32, #tpu.memory_space<vmem>>) offsets(%dma_start3A_1013 : memref<50xi32, #tpu.memory_space<vmem>>) semaphore(%arg14 : memref<!tpu.dma_semaphore, #tpu.memory_space<semaphore_mem>>)
      } else {
      }
      %add3A_964 = arith.constant 1 : i32
      %add3A_965 = arith.addi %mul3A_951, %add3A_964 : i32
      %dma_wait3A_966 = arith.constant 0 : i32
      %dma_wait3A_967 = tpu.memref_slice %arg6[%add3A_965, %dma_wait3A_966] : memref<40x50xi32, #tpu.memory_space<vmem>> -> memref<1x50xi32, #tpu.memory_space<vmem>>
      %dma_wait3A_968 = tpu.memref_squeeze %dma_wait3A_967 : memref<1x50xi32, #tpu.memory_space<vmem>> -> memref<50xi32, #tpu.memory_space<vmem>>
      %dma_wait3A_969 = arith.constant 0 : i32
      %dma_wait3A_970 = arith.constant 0 : i32
      %dma_wait3A_971 = tpu.memref_slice %arg4[%dma_wait3A_969, %dma_wait3A_970] : memref<10000x128xf32, #tpu.memory_space<hbm>> -> memref<10000x128xf32, #tpu.memory_space<hbm>>
      tpu.wait_indirect_dma semaphore(%arg15 : memref<!tpu.dma_semaphore, #tpu.memory_space<semaphore_mem>>) src(%dma_wait3A_971 : memref<10000x128xf32, #tpu.memory_space<hbm>>) dst(%arg9 : memref<50x128xf32, #tpu.memory_space<vmem>>)
      "tpu.region"() ({
        %run_scoped3A_1009 = tpu.sem_alloc : memref<!tpu.dma_semaphore, #tpu.memory_space<semaphore_mem>>
        %dma_start3A_1010 = arith.constant 0 : i32
        %dma_start3A_1011 = tpu.memref_slice %arg7[%add3A_965, %dma_start3A_1010] : memref<40x50xi32, #tpu.memory_space<vmem>> -> memref<1x50xi32, #tpu.memory_space<vmem>>
        %dma_start3A_1012 = tpu.memref_squeeze %dma_start3A_1011 : memref<1x50xi32, #tpu.memory_space<vmem>> -> memref<50xi32, #tpu.memory_space<vmem>>
        %dma_start3A_1013 = arith.constant 0 : i32
        %dma_start3A_1014 = arith.constant 0 : i32
        %dma_start3A_1015 = tpu.memref_slice %arg13[%dma_start3A_1013, %dma_start3A_1014] : memref<10240x128xf32, #tpu.memory_space<vmem_shared>> -> memref<10240x128xf32, #tpu.memory_space<vmem_shared>>
        tpu.enqueue_indirect_dma source(%arg9 : memref<50x128xf32, #tpu.memory_space<vmem>>) target(%dma_start3A_1015 : memref<10240x128xf32, #tpu.memory_space<vmem_shared>>) offsets(%dma_start3A_1012 : memref<50xi32, #tpu.memory_space<vmem>>) semaphore(%run_scoped3A_1009 : memref<!tpu.dma_semaphore, #tpu.memory_space<semaphore_mem>>) {add = true}
        %dma_wait3A_1016 = arith.constant 0 : i32
        %dma_wait3A_1017 = tpu.memref_slice %arg7[%add3A_965, %dma_wait3A_1016] : memref<40x50xi32, #tpu.memory_space<vmem>> -> memref<1x50xi32, #tpu.memory_space<vmem>>
        %dma_wait3A_1018 = tpu.memref_squeeze %dma_wait3A_1017 : memref<1x50xi32, #tpu.memory_space<vmem>> -> memref<50xi32, #tpu.memory_space<vmem>>
        %dma_wait3A_1019 = arith.constant 0 : i32
        %dma_wait3A_1020 = arith.constant 0 : i32
        %dma_wait3A_1021 = tpu.memref_slice %arg13[%dma_wait3A_1019, %dma_wait3A_1020] : memref<10240x128xf32, #tpu.memory_space<vmem_shared>> -> memref<10240x128xf32, #tpu.memory_space<vmem_shared>>
        tpu.wait_indirect_dma semaphore(%run_scoped3A_1009 : memref<!tpu.dma_semaphore, #tpu.memory_space<semaphore_mem>>) src(%arg9 : memref<50x128xf32, #tpu.memory_space<vmem>>) dst(%dma_wait3A_1021 : memref<10240x128xf32, #tpu.memory_space<vmem_shared>>)
        tpu.yield
      }) : () -> ()
      %add3A_972 = arith.constant 4 : i32
      %add3A_973 = arith.addi %add3A_965, %add3A_972 : i32
      %lt3A_974 = arith.constant 40 : i32
      %lt3A_975 = arith.cmpi slt, %add3A_973, %lt3A_974 : i32
      %convert_element_type3A_976 = arith.extui %lt3A_975 : i1 to i32
      %cond3A_977 = arith.constant 0 : i32
      %cond3A_978 = arith.cmpi ne, %convert_element_type3A_976, %cond3A_977 : i32
      scf.if %cond3A_978 {
        %add3A_1009 = arith.constant 4 : i32
        %add3A_1010 = arith.addi %add3A_965, %add3A_1009 : i32
        %dma_start3A_1011 = arith.constant 0 : i32
        %dma_start3A_1012 = tpu.memref_slice %arg6[%add3A_1010, %dma_start3A_1011] : memref<40x50xi32, #tpu.memory_space<vmem>> -> memref<1x50xi32, #tpu.memory_space<vmem>>
        %dma_start3A_1013 = tpu.memref_squeeze %dma_start3A_1012 : memref<1x50xi32, #tpu.memory_space<vmem>> -> memref<50xi32, #tpu.memory_space<vmem>>
        %dma_start3A_1014 = arith.constant 0 : i32
        %dma_start3A_1015 = arith.constant 0 : i32
        %dma_start3A_1016 = tpu.memref_slice %arg4[%dma_start3A_1014, %dma_start3A_1015] : memref<10000x128xf32, #tpu.memory_space<hbm>> -> memref<10000x128xf32, #tpu.memory_space<hbm>>
        tpu.enqueue_indirect_dma source(%dma_start3A_1016 : memref<10000x128xf32, #tpu.memory_space<hbm>>) target(%arg9 : memref<50x128xf32, #tpu.memory_space<vmem>>) offsets(%dma_start3A_1013 : memref<50xi32, #tpu.memory_space<vmem>>) semaphore(%arg15 : memref<!tpu.dma_semaphore, #tpu.memory_space<semaphore_mem>>)
      } else {
      }
      %add3A_979 = arith.constant 2 : i32
      %add3A_980 = arith.addi %mul3A_951, %add3A_979 : i32
      %dma_wait3A_981 = arith.constant 0 : i32
      %dma_wait3A_982 = tpu.memref_slice %arg6[%add3A_980, %dma_wait3A_981] : memref<40x50xi32, #tpu.memory_space<vmem>> -> memref<1x50xi32, #tpu.memory_space<vmem>>
      %dma_wait3A_983 = tpu.memref_squeeze %dma_wait3A_982 : memref<1x50xi32, #tpu.memory_space<vmem>> -> memref<50xi32, #tpu.memory_space<vmem>>
      %dma_wait3A_984 = arith.constant 0 : i32
      %dma_wait3A_985 = arith.constant 0 : i32
      %dma_wait3A_986 = tpu.memref_slice %arg4[%dma_wait3A_984, %dma_wait3A_985] : memref<10000x128xf32, #tpu.memory_space<hbm>> -> memref<10000x128xf32, #tpu.memory_space<hbm>>
      tpu.wait_indirect_dma semaphore(%arg16 : memref<!tpu.dma_semaphore, #tpu.memory_space<semaphore_mem>>) src(%dma_wait3A_986 : memref<10000x128xf32, #tpu.memory_space<hbm>>) dst(%arg10 : memref<50x128xf32, #tpu.memory_space<vmem>>)
      "tpu.region"() ({
        %run_scoped3A_1009 = tpu.sem_alloc : memref<!tpu.dma_semaphore, #tpu.memory_space<semaphore_mem>>
        %dma_start3A_1010 = arith.constant 0 : i32
        %dma_start3A_1011 = tpu.memref_slice %arg7[%add3A_980, %dma_start3A_1010] : memref<40x50xi32, #tpu.memory_space<vmem>> -> memref<1x50xi32, #tpu.memory_space<vmem>>
        %dma_start3A_1012 = tpu.memref_squeeze %dma_start3A_1011 : memref<1x50xi32, #tpu.memory_space<vmem>> -> memref<50xi32, #tpu.memory_space<vmem>>
        %dma_start3A_1013 = arith.constant 0 : i32
        %dma_start3A_1014 = arith.constant 0 : i32
        %dma_start3A_1015 = tpu.memref_slice %arg13[%dma_start3A_1013, %dma_start3A_1014] : memref<10240x128xf32, #tpu.memory_space<vmem_shared>> -> memref<10240x128xf32, #tpu.memory_space<vmem_shared>>
        tpu.enqueue_indirect_dma source(%arg10 : memref<50x128xf32, #tpu.memory_space<vmem>>) target(%dma_start3A_1015 : memref<10240x128xf32, #tpu.memory_space<vmem_shared>>) offsets(%dma_start3A_1012 : memref<50xi32, #tpu.memory_space<vmem>>) semaphore(%run_scoped3A_1009 : memref<!tpu.dma_semaphore, #tpu.memory_space<semaphore_mem>>) {add = true}
        %dma_wait3A_1016 = arith.constant 0 : i32
        %dma_wait3A_1017 = tpu.memref_slice %arg7[%add3A_980, %dma_wait3A_1016] : memref<40x50xi32, #tpu.memory_space<vmem>> -> memref<1x50xi32, #tpu.memory_space<vmem>>
        %dma_wait3A_1018 = tpu.memref_squeeze %dma_wait3A_1017 : memref<1x50xi32, #tpu.memory_space<vmem>> -> memref<50xi32, #tpu.memory_space<vmem>>
        %dma_wait3A_1019 = arith.constant 0 : i32
        %dma_wait3A_1020 = arith.constant 0 : i32
        %dma_wait3A_1021 = tpu.memref_slice %arg13[%dma_wait3A_1019, %dma_wait3A_1020] : memref<10240x128xf32, #tpu.memory_space<vmem_shared>> -> memref<10240x128xf32, #tpu.memory_space<vmem_shared>>
        tpu.wait_indirect_dma semaphore(%run_scoped3A_1009 : memref<!tpu.dma_semaphore, #tpu.memory_space<semaphore_mem>>) src(%arg10 : memref<50x128xf32, #tpu.memory_space<vmem>>) dst(%dma_wait3A_1021 : memref<10240x128xf32, #tpu.memory_space<vmem_shared>>)
        tpu.yield
      }) : () -> ()
      %add3A_987 = arith.constant 4 : i32
      %add3A_988 = arith.addi %add3A_980, %add3A_987 : i32
      %lt3A_989 = arith.constant 40 : i32
      %lt3A_990 = arith.cmpi slt, %add3A_988, %lt3A_989 : i32
      %convert_element_type3A_991 = arith.extui %lt3A_990 : i1 to i32
      %cond3A_992 = arith.constant 0 : i32
      %cond3A_993 = arith.cmpi ne, %convert_element_type3A_991, %cond3A_992 : i32
      scf.if %cond3A_993 {
        %add3A_1009 = arith.constant 4 : i32
        %add3A_1010 = arith.addi %add3A_980, %add3A_1009 : i32
        %dma_start3A_1011 = arith.constant 0 : i32
        %dma_start3A_1012 = tpu.memref_slice %arg6[%add3A_1010, %dma_start3A_1011] : memref<40x50xi32, #tpu.memory_space<vmem>> -> memref<1x50xi32, #tpu.memory_space<vmem>>
        %dma_start3A_1013 = tpu.memref_squeeze %dma_start3A_1012 : memref<1x50xi32, #tpu.memory_space<vmem>> -> memref<50xi32, #tpu.memory_space<vmem>>
        %dma_start3A_1014 = arith.constant 0 : i32
        %dma_start3A_1015 = arith.constant 0 : i32
        %dma_start3A_1016 = tpu.memref_slice %arg4[%dma_start3A_1014, %dma_start3A_1015] : memref<10000x128xf32, #tpu.memory_space<hbm>> -> memref<10000x128xf32, #tpu.memory_space<hbm>>
        tpu.enqueue_indirect_dma source(%dma_start3A_1016 : memref<10000x128xf32, #tpu.memory_space<hbm>>) target(%arg10 : memref<50x128xf32, #tpu.memory_space<vmem>>) offsets(%dma_start3A_1013 : memref<50xi32, #tpu.memory_space<vmem>>) semaphore(%arg16 : memref<!tpu.dma_semaphore, #tpu.memory_space<semaphore_mem>>)
      } else {
      }
      %add3A_994 = arith.constant 3 : i32
      %add3A_995 = arith.addi %mul3A_951, %add3A_994 : i32
      %dma_wait3A_996 = arith.constant 0 : i32
      %dma_wait3A_997 = tpu.memref_slice %arg6[%add3A_995, %dma_wait3A_996] : memref<40x50xi32, #tpu.memory_space<vmem>> -> memref<1x50xi32, #tpu.memory_space<vmem>>
      %dma_wait3A_998 = tpu.memref_squeeze %dma_wait3A_997 : memref<1x50xi32, #tpu.memory_space<vmem>> -> memref<50xi32, #tpu.memory_space<vmem>>
      %dma_wait3A_999 = arith.constant 0 : i32
      %dma_wait3A_1000 = arith.constant 0 : i32
      %dma_wait3A_1001 = tpu.memref_slice %arg4[%dma_wait3A_999, %dma_wait3A_1000] : memref<10000x128xf32, #tpu.memory_space<hbm>> -> memref<10000x128xf32, #tpu.memory_space<hbm>>
      tpu.wait_indirect_dma semaphore(%arg17 : memref<!tpu.dma_semaphore, #tpu.memory_space<semaphore_mem>>) src(%dma_wait3A_1001 : memref<10000x128xf32, #tpu.memory_space<hbm>>) dst(%arg11 : memref<50x128xf32, #tpu.memory_space<vmem>>)
      "tpu.region"() ({
        %run_scoped3A_1009 = tpu.sem_alloc : memref<!tpu.dma_semaphore, #tpu.memory_space<semaphore_mem>>
        %dma_start3A_1010 = arith.constant 0 : i32
        %dma_start3A_1011 = tpu.memref_slice %arg7[%add3A_995, %dma_start3A_1010] : memref<40x50xi32, #tpu.memory_space<vmem>> -> memref<1x50xi32, #tpu.memory_space<vmem>>
        %dma_start3A_1012 = tpu.memref_squeeze %dma_start3A_1011 : memref<1x50xi32, #tpu.memory_space<vmem>> -> memref<50xi32, #tpu.memory_space<vmem>>
        %dma_start3A_1013 = arith.constant 0 : i32
        %dma_start3A_1014 = arith.constant 0 : i32
        %dma_start3A_1015 = tpu.memref_slice %arg13[%dma_start3A_1013, %dma_start3A_1014] : memref<10240x128xf32, #tpu.memory_space<vmem_shared>> -> memref<10240x128xf32, #tpu.memory_space<vmem_shared>>
        tpu.enqueue_indirect_dma source(%arg11 : memref<50x128xf32, #tpu.memory_space<vmem>>) target(%dma_start3A_1015 : memref<10240x128xf32, #tpu.memory_space<vmem_shared>>) offsets(%dma_start3A_1012 : memref<50xi32, #tpu.memory_space<vmem>>) semaphore(%run_scoped3A_1009 : memref<!tpu.dma_semaphore, #tpu.memory_space<semaphore_mem>>) {add = true}
        %dma_wait3A_1016 = arith.constant 0 : i32
        %dma_wait3A_1017 = tpu.memref_slice %arg7[%add3A_995, %dma_wait3A_1016] : memref<40x50xi32, #tpu.memory_space<vmem>> -> memref<1x50xi32, #tpu.memory_space<vmem>>
        %dma_wait3A_1018 = tpu.memref_squeeze %dma_wait3A_1017 : memref<1x50xi32, #tpu.memory_space<vmem>> -> memref<50xi32, #tpu.memory_space<vmem>>
        %dma_wait3A_1019 = arith.constant 0 : i32
        %dma_wait3A_1020 = arith.constant 0 : i32
        %dma_wait3A_1021 = tpu.memref_slice %arg13[%dma_wait3A_1019, %dma_wait3A_1020] : memref<10240x128xf32, #tpu.memory_space<vmem_shared>> -> memref<10240x128xf32, #tpu.memory_space<vmem_shared>>
        tpu.wait_indirect_dma semaphore(%run_scoped3A_1009 : memref<!tpu.dma_semaphore, #tpu.memory_space<semaphore_mem>>) src(%arg11 : memref<50x128xf32, #tpu.memory_space<vmem>>) dst(%dma_wait3A_1021 : memref<10240x128xf32, #tpu.memory_space<vmem_shared>>)
        tpu.yield
      }) : () -> ()
      %add3A_1002 = arith.constant 4 : i32
      %add3A_1003 = arith.addi %add3A_995, %add3A_1002 : i32
      %lt3A_1004 = arith.constant 40 : i32
      %lt3A_1005 = arith.cmpi slt, %add3A_1003, %lt3A_1004 : i32
      %convert_element_type3A_1006 = arith.extui %lt3A_1005 : i1 to i32
      %cond3A_1007 = arith.constant 0 : i32
      %cond3A_1008 = arith.cmpi ne, %convert_element_type3A_1006, %cond3A_1007 : i32
      scf.if %cond3A_1008 {
        %add3A_1009 = arith.constant 4 : i32
        %add3A_1010 = arith.addi %add3A_995, %add3A_1009 : i32
        %dma_start3A_1011 = arith.constant 0 : i32
        %dma_start3A_1012 = tpu.memref_slice %arg6[%add3A_1010, %dma_start3A_1011] : memref<40x50xi32, #tpu.memory_space<vmem>> -> memref<1x50xi32, #tpu.memory_space<vmem>>
        %dma_start3A_1013 = tpu.memref_squeeze %dma_start3A_1012 : memref<1x50xi32, #tpu.memory_space<vmem>> -> memref<50xi32, #tpu.memory_space<vmem>>
        %dma_start3A_1014 = arith.constant 0 : i32
        %dma_start3A_1015 = arith.constant 0 : i32
        %dma_start3A_1016 = tpu.memref_slice %arg4[%dma_start3A_1014, %dma_start3A_1015] : memref<10000x128xf32, #tpu.memory_space<hbm>> -> memref<10000x128xf32, #tpu.memory_space<hbm>>
        tpu.enqueue_indirect_dma source(%dma_start3A_1016 : memref<10000x128xf32, #tpu.memory_space<hbm>>) target(%arg11 : memref<50x128xf32, #tpu.memory_space<vmem>>) offsets(%dma_start3A_1013 : memref<50xi32, #tpu.memory_space<vmem>>) semaphore(%arg17 : memref<!tpu.dma_semaphore, #tpu.memory_space<semaphore_mem>>)
      } else {
      }
    }
    %scan3A_328 = arith.constant 10 : i32
    %run_scoped3A = arith.constant 1 : i32
    "tpu.region"() ({
      %run_scoped3A_949 = tpu.sem_alloc : memref<!tpu.dma_semaphore, #tpu.memory_space<semaphore_mem>>
      %dma_start3A_950 = arith.constant 0 : i32
      %dma_start3A_951 = arith.constant 0 : i32
      %dma_start3A_952 = tpu.memref_slice %arg2[%add3A, %run_scoped3A, %dma_start3A_950, %dma_start3A_951] : memref<32x5x40x50xi32, #tpu.memory_space<hbm>> -> memref<1x1x40x50xi32, #tpu.memory_space<hbm>>
      %dma_start3A_953 = tpu.memref_squeeze %dma_start3A_952 : memref<1x1x40x50xi32, #tpu.memory_space<hbm>> -> memref<40x50xi32, #tpu.memory_space<hbm>>
      %dma_start3A_954 = arith.constant 0 : i32
      %dma_start3A_955 = arith.constant 0 : i32
      %dma_start3A_956 = tpu.memref_slice %arg2[%add3A, %run_scoped3A, %dma_start3A_954, %dma_start3A_955] : memref<32x5x40x50xi32, #tpu.memory_space<hbm>> -> memref<1x1x40x50xi32, #tpu.memory_space<hbm>>
      %dma_start3A_957 = tpu.memref_squeeze %dma_start3A_956 : memref<1x1x40x50xi32, #tpu.memory_space<hbm>> -> memref<40x50xi32, #tpu.memory_space<hbm>>
      tpu.enqueue_dma source(%dma_start3A_957 : memref<40x50xi32, #tpu.memory_space<hbm>>) target(%arg6 : memref<40x50xi32, #tpu.memory_space<vmem>>) target_semaphore(%run_scoped3A_949 : memref<!tpu.dma_semaphore, #tpu.memory_space<semaphore_mem>>)
      %dma_wait3A_958 = arith.constant 0 : i32
      %dma_wait3A_959 = arith.constant 0 : i32
      %dma_wait3A_960 = tpu.memref_slice %arg2[%add3A, %run_scoped3A, %dma_wait3A_958, %dma_wait3A_959] : memref<32x5x40x50xi32, #tpu.memory_space<hbm>> -> memref<1x1x40x50xi32, #tpu.memory_space<hbm>>
      %dma_wait3A_961 = tpu.memref_squeeze %dma_wait3A_960 : memref<1x1x40x50xi32, #tpu.memory_space<hbm>> -> memref<40x50xi32, #tpu.memory_space<hbm>>
      %dma_wait3A_962 = arith.constant 0 : i32
      %dma_wait3A_963 = arith.constant 0 : i32
      %dma_wait3A_964 = tpu.memref_slice %arg2[%add3A, %run_scoped3A, %dma_wait3A_962, %dma_wait3A_963] : memref<32x5x40x50xi32, #tpu.memory_space<hbm>> -> memref<1x1x40x50xi32, #tpu.memory_space<hbm>>
      %dma_wait3A_965 = tpu.memref_squeeze %dma_wait3A_964 : memref<1x1x40x50xi32, #tpu.memory_space<hbm>> -> memref<40x50xi32, #tpu.memory_space<hbm>>
      tpu.wait_dma2 semaphore(%run_scoped3A_949 : memref<!tpu.dma_semaphore, #tpu.memory_space<semaphore_mem>>) src(%dma_wait3A_965 : memref<40x50xi32, #tpu.memory_space<hbm>>) dst(%arg6 : memref<40x50xi32, #tpu.memory_space<vmem>>)
      tpu.yield
    }) : () -> ()
    %run_scoped3A_329 = arith.constant 1 : i32
    "tpu.region"() ({
      %run_scoped3A_949 = tpu.sem_alloc : memref<!tpu.dma_semaphore, #tpu.memory_space<semaphore_mem>>
      %dma_start3A_950 = arith.constant 0 : i32
      %dma_start3A_951 = arith.constant 0 : i32
      %dma_start3A_952 = tpu.memref_slice %arg3[%add3A, %run_scoped3A_329, %dma_start3A_950, %dma_start3A_951] : memref<32x5x40x50xi32, #tpu.memory_space<hbm>> -> memref<1x1x40x50xi32, #tpu.memory_space<hbm>>
      %dma_start3A_953 = tpu.memref_squeeze %dma_start3A_952 : memref<1x1x40x50xi32, #tpu.memory_space<hbm>> -> memref<40x50xi32, #tpu.memory_space<hbm>>
      %dma_start3A_954 = arith.constant 0 : i32
      %dma_start3A_955 = arith.constant 0 : i32
      %dma_start3A_956 = tpu.memref_slice %arg3[%add3A, %run_scoped3A_329, %dma_start3A_954, %dma_start3A_955] : memref<32x5x40x50xi32, #tpu.memory_space<hbm>> -> memref<1x1x40x50xi32, #tpu.memory_space<hbm>>
      %dma_start3A_957 = tpu.memref_squeeze %dma_start3A_956 : memref<1x1x40x50xi32, #tpu.memory_space<hbm>> -> memref<40x50xi32, #tpu.memory_space<hbm>>
      tpu.enqueue_dma source(%dma_start3A_957 : memref<40x50xi32, #tpu.memory_space<hbm>>) target(%arg7 : memref<40x50xi32, #tpu.memory_space<vmem>>) target_semaphore(%run_scoped3A_949 : memref<!tpu.dma_semaphore, #tpu.memory_space<semaphore_mem>>)
      %dma_wait3A_958 = arith.constant 0 : i32
      %dma_wait3A_959 = arith.constant 0 : i32
      %dma_wait3A_960 = tpu.memref_slice %arg3[%add3A, %run_scoped3A_329, %dma_wait3A_958, %dma_wait3A_959] : memref<32x5x40x50xi32, #tpu.memory_space<hbm>> -> memref<1x1x40x50xi32, #tpu.memory_space<hbm>>
      %dma_wait3A_961 = tpu.memref_squeeze %dma_wait3A_960 : memref<1x1x40x50xi32, #tpu.memory_space<hbm>> -> memref<40x50xi32, #tpu.memory_space<hbm>>
      %dma_wait3A_962 = arith.constant 0 : i32
      %dma_wait3A_963 = arith.constant 0 : i32
      %dma_wait3A_964 = tpu.memref_slice %arg3[%add3A, %run_scoped3A_329, %dma_wait3A_962, %dma_wait3A_963] : memref<32x5x40x50xi32, #tpu.memory_space<hbm>> -> memref<1x1x40x50xi32, #tpu.memory_space<hbm>>
      %dma_wait3A_965 = tpu.memref_squeeze %dma_wait3A_964 : memref<1x1x40x50xi32, #tpu.memory_space<hbm>> -> memref<40x50xi32, #tpu.memory_space<hbm>>
      tpu.wait_dma2 semaphore(%run_scoped3A_949 : memref<!tpu.dma_semaphore, #tpu.memory_space<semaphore_mem>>) src(%dma_wait3A_965 : memref<40x50xi32, #tpu.memory_space<hbm>>) dst(%arg7 : memref<40x50xi32, #tpu.memory_space<vmem>>)
      tpu.yield
    }) : () -> ()
    %dma_start3A_330 = arith.constant 0 : i32
    %dma_start3A_331 = arith.constant 0 : i32
    %dma_start3A_332 = tpu.memref_slice %arg6[%dma_start3A_330, %dma_start3A_331] : memref<40x50xi32, #tpu.memory_space<vmem>> -> memref<1x50xi32, #tpu.memory_space<vmem>>
    %dma_start3A_333 = tpu.memref_squeeze %dma_start3A_332 : memref<1x50xi32, #tpu.memory_space<vmem>> -> memref<50xi32, #tpu.memory_space<vmem>>
    %dma_start3A_334 = arith.constant 0 : i32
    %dma_start3A_335 = arith.constant 0 : i32
    %dma_start3A_336 = tpu.memref_slice %arg4[%dma_start3A_334, %dma_start3A_335] : memref<10000x128xf32, #tpu.memory_space<hbm>> -> memref<10000x128xf32, #tpu.memory_space<hbm>>
    tpu.enqueue_indirect_dma source(%dma_start3A_336 : memref<10000x128xf32, #tpu.memory_space<hbm>>) target(%arg8 : memref<50x128xf32, #tpu.memory_space<vmem>>) offsets(%dma_start3A_333 : memref<50xi32, #tpu.memory_space<vmem>>) semaphore(%arg14 : memref<!tpu.dma_semaphore, #tpu.memory_space<semaphore_mem>>)
    %dma_start3A_337 = arith.constant 1 : i32
    %dma_start3A_338 = arith.constant 0 : i32
    %dma_start3A_339 = tpu.memref_slice %arg6[%dma_start3A_337, %dma_start3A_338] : memref<40x50xi32, #tpu.memory_space<vmem>> -> memref<1x50xi32, #tpu.memory_space<vmem>>
    %dma_start3A_340 = tpu.memref_squeeze %dma_start3A_339 : memref<1x50xi32, #tpu.memory_space<vmem>> -> memref<50xi32, #tpu.memory_space<vmem>>
    %dma_start3A_341 = arith.constant 0 : i32
    %dma_start3A_342 = arith.constant 0 : i32
    %dma_start3A_343 = tpu.memref_slice %arg4[%dma_start3A_341, %dma_start3A_342] : memref<10000x128xf32, #tpu.memory_space<hbm>> -> memref<10000x128xf32, #tpu.memory_space<hbm>>
    tpu.enqueue_indirect_dma source(%dma_start3A_343 : memref<10000x128xf32, #tpu.memory_space<hbm>>) target(%arg9 : memref<50x128xf32, #tpu.memory_space<vmem>>) offsets(%dma_start3A_340 : memref<50xi32, #tpu.memory_space<vmem>>) semaphore(%arg15 : memref<!tpu.dma_semaphore, #tpu.memory_space<semaphore_mem>>)
    %dma_start3A_344 = arith.constant 2 : i32
    %dma_start3A_345 = arith.constant 0 : i32
    %dma_start3A_346 = tpu.memref_slice %arg6[%dma_start3A_344, %dma_start3A_345] : memref<40x50xi32, #tpu.memory_space<vmem>> -> memref<1x50xi32, #tpu.memory_space<vmem>>
    %dma_start3A_347 = tpu.memref_squeeze %dma_start3A_346 : memref<1x50xi32, #tpu.memory_space<vmem>> -> memref<50xi32, #tpu.memory_space<vmem>>
    %dma_start3A_348 = arith.constant 0 : i32
    %dma_start3A_349 = arith.constant 0 : i32
    %dma_start3A_350 = tpu.memref_slice %arg4[%dma_start3A_348, %dma_start3A_349] : memref<10000x128xf32, #tpu.memory_space<hbm>> -> memref<10000x128xf32, #tpu.memory_space<hbm>>
    tpu.enqueue_indirect_dma source(%dma_start3A_350 : memref<10000x128xf32, #tpu.memory_space<hbm>>) target(%arg10 : memref<50x128xf32, #tpu.memory_space<vmem>>) offsets(%dma_start3A_347 : memref<50xi32, #tpu.memory_space<vmem>>) semaphore(%arg16 : memref<!tpu.dma_semaphore, #tpu.memory_space<semaphore_mem>>)
    %dma_start3A_351 = arith.constant 3 : i32
    %dma_start3A_352 = arith.constant 0 : i32
    %dma_start3A_353 = tpu.memref_slice %arg6[%dma_start3A_351, %dma_start3A_352] : memref<40x50xi32, #tpu.memory_space<vmem>> -> memref<1x50xi32, #tpu.memory_space<vmem>>
    %dma_start3A_354 = tpu.memref_squeeze %dma_start3A_353 : memref<1x50xi32, #tpu.memory_space<vmem>> -> memref<50xi32, #tpu.memory_space<vmem>>
    %dma_start3A_355 = arith.constant 0 : i32
    %dma_start3A_356 = arith.constant 0 : i32
    %dma_start3A_357 = tpu.memref_slice %arg4[%dma_start3A_355, %dma_start3A_356] : memref<10000x128xf32, #tpu.memory_space<hbm>> -> memref<10000x128xf32, #tpu.memory_space<hbm>>
    tpu.enqueue_indirect_dma source(%dma_start3A_357 : memref<10000x128xf32, #tpu.memory_space<hbm>>) target(%arg11 : memref<50x128xf32, #tpu.memory_space<vmem>>) offsets(%dma_start3A_354 : memref<50xi32, #tpu.memory_space<vmem>>) semaphore(%arg17 : memref<!tpu.dma_semaphore, #tpu.memory_space<semaphore_mem>>)
    %scan3A_358 = arith.constant 0 : i32
    %scan3A_359 = arith.constant 10 : i32
    %scan3A_360 = arith.addi %scan3A_358, %scan3A_359 : i32
    %scan3A_361 = arith.constant 1 : i32
    scf.for %scan3A_949 = %scan3A_358 to %scan3A_360 step %scan3A_361  : i32 {
      %mul3A_950 = arith.constant 4 : i32
      %mul3A_951 = arith.muli %mul3A_950, %scan3A_949 : i32
      %add3A_952 = arith.constant 0 : i32
      %add3A_953 = arith.addi %mul3A_951, %add3A_952 : i32
      %dma_wait3A_954 = arith.constant 0 : i32
      %dma_wait3A_955 = tpu.memref_slice %arg6[%add3A_953, %dma_wait3A_954] : memref<40x50xi32, #tpu.memory_space<vmem>> -> memref<1x50xi32, #tpu.memory_space<vmem>>
      %dma_wait3A_956 = tpu.memref_squeeze %dma_wait3A_955 : memref<1x50xi32, #tpu.memory_space<vmem>> -> memref<50xi32, #tpu.memory_space<vmem>>
      %dma_wait3A_957 = arith.constant 0 : i32
      %dma_wait3A_958 = arith.constant 0 : i32
      %dma_wait3A_959 = tpu.memref_slice %arg4[%dma_wait3A_957, %dma_wait3A_958] : memref<10000x128xf32, #tpu.memory_space<hbm>> -> memref<10000x128xf32, #tpu.memory_space<hbm>>
      tpu.wait_indirect_dma semaphore(%arg14 : memref<!tpu.dma_semaphore, #tpu.memory_space<semaphore_mem>>) src(%dma_wait3A_959 : memref<10000x128xf32, #tpu.memory_space<hbm>>) dst(%arg8 : memref<50x128xf32, #tpu.memory_space<vmem>>)
      "tpu.region"() ({
        %run_scoped3A_1009 = tpu.sem_alloc : memref<!tpu.dma_semaphore, #tpu.memory_space<semaphore_mem>>
        %dma_start3A_1010 = arith.constant 0 : i32
        %dma_start3A_1011 = tpu.memref_slice %arg7[%add3A_953, %dma_start3A_1010] : memref<40x50xi32, #tpu.memory_space<vmem>> -> memref<1x50xi32, #tpu.memory_space<vmem>>
        %dma_start3A_1012 = tpu.memref_squeeze %dma_start3A_1011 : memref<1x50xi32, #tpu.memory_space<vmem>> -> memref<50xi32, #tpu.memory_space<vmem>>
        %dma_start3A_1013 = arith.constant 0 : i32
        %dma_start3A_1014 = arith.constant 0 : i32
        %dma_start3A_1015 = tpu.memref_slice %arg13[%dma_start3A_1013, %dma_start3A_1014] : memref<10240x128xf32, #tpu.memory_space<vmem_shared>> -> memref<10240x128xf32, #tpu.memory_space<vmem_shared>>
        tpu.enqueue_indirect_dma source(%arg8 : memref<50x128xf32, #tpu.memory_space<vmem>>) target(%dma_start3A_1015 : memref<10240x128xf32, #tpu.memory_space<vmem_shared>>) offsets(%dma_start3A_1012 : memref<50xi32, #tpu.memory_space<vmem>>) semaphore(%run_scoped3A_1009 : memref<!tpu.dma_semaphore, #tpu.memory_space<semaphore_mem>>) {add = true}
        %dma_wait3A_1016 = arith.constant 0 : i32
        %dma_wait3A_1017 = tpu.memref_slice %arg7[%add3A_953, %dma_wait3A_1016] : memref<40x50xi32, #tpu.memory_space<vmem>> -> memref<1x50xi32, #tpu.memory_space<vmem>>
        %dma_wait3A_1018 = tpu.memref_squeeze %dma_wait3A_1017 : memref<1x50xi32, #tpu.memory_space<vmem>> -> memref<50xi32, #tpu.memory_space<vmem>>
        %dma_wait3A_1019 = arith.constant 0 : i32
        %dma_wait3A_1020 = arith.constant 0 : i32
        %dma_wait3A_1021 = tpu.memref_slice %arg13[%dma_wait3A_1019, %dma_wait3A_1020] : memref<10240x128xf32, #tpu.memory_space<vmem_shared>> -> memref<10240x128xf32, #tpu.memory_space<vmem_shared>>
        tpu.wait_indirect_dma semaphore(%run_scoped3A_1009 : memref<!tpu.dma_semaphore, #tpu.memory_space<semaphore_mem>>) src(%arg8 : memref<50x128xf32, #tpu.memory_space<vmem>>) dst(%dma_wait3A_1021 : memref<10240x128xf32, #tpu.memory_space<vmem_shared>>)
        tpu.yield
      }) : () -> ()
      %add3A_960 = arith.constant 4 : i32
      %add3A_961 = arith.addi %add3A_953, %add3A_960 : i32
      %lt3A = arith.constant 40 : i32
      %lt3A_962 = arith.cmpi slt, %add3A_961, %lt3A : i32
      %convert_element_type3A = arith.extui %lt3A_962 : i1 to i32
      %cond3A = arith.constant 0 : i32
      %cond3A_963 = arith.cmpi ne, %convert_element_type3A, %cond3A : i32
      scf.if %cond3A_963 {
        %add3A_1009 = arith.constant 4 : i32
        %add3A_1010 = arith.addi %add3A_953, %add3A_1009 : i32
        %dma_start3A_1011 = arith.constant 0 : i32
        %dma_start3A_1012 = tpu.memref_slice %arg6[%add3A_1010, %dma_start3A_1011] : memref<40x50xi32, #tpu.memory_space<vmem>> -> memref<1x50xi32, #tpu.memory_space<vmem>>
        %dma_start3A_1013 = tpu.memref_squeeze %dma_start3A_1012 : memref<1x50xi32, #tpu.memory_space<vmem>> -> memref<50xi32, #tpu.memory_space<vmem>>
        %dma_start3A_1014 = arith.constant 0 : i32
        %dma_start3A_1015 = arith.constant 0 : i32
        %dma_start3A_1016 = tpu.memref_slice %arg4[%dma_start3A_1014, %dma_start3A_1015] : memref<10000x128xf32, #tpu.memory_space<hbm>> -> memref<10000x128xf32, #tpu.memory_space<hbm>>
        tpu.enqueue_indirect_dma source(%dma_start3A_1016 : memref<10000x128xf32, #tpu.memory_space<hbm>>) target(%arg8 : memref<50x128xf32, #tpu.memory_space<vmem>>) offsets(%dma_start3A_1013 : memref<50xi32, #tpu.memory_space<vmem>>) semaphore(%arg14 : memref<!tpu.dma_semaphore, #tpu.memory_space<semaphore_mem>>)
      } else {
      }
      %add3A_964 = arith.constant 1 : i32
      %add3A_965 = arith.addi %mul3A_951, %add3A_964 : i32
      %dma_wait3A_966 = arith.constant 0 : i32
      %dma_wait3A_967 = tpu.memref_slice %arg6[%add3A_965, %dma_wait3A_966] : memref<40x50xi32, #tpu.memory_space<vmem>> -> memref<1x50xi32, #tpu.memory_space<vmem>>
      %dma_wait3A_968 = tpu.memref_squeeze %dma_wait3A_967 : memref<1x50xi32, #tpu.memory_space<vmem>> -> memref<50xi32, #tpu.memory_space<vmem>>
      %dma_wait3A_969 = arith.constant 0 : i32
      %dma_wait3A_970 = arith.constant 0 : i32
      %dma_wait3A_971 = tpu.memref_slice %arg4[%dma_wait3A_969, %dma_wait3A_970] : memref<10000x128xf32, #tpu.memory_space<hbm>> -> memref<10000x128xf32, #tpu.memory_space<hbm>>
      tpu.wait_indirect_dma semaphore(%arg15 : memref<!tpu.dma_semaphore, #tpu.memory_space<semaphore_mem>>) src(%dma_wait3A_971 : memref<10000x128xf32, #tpu.memory_space<hbm>>) dst(%arg9 : memref<50x128xf32, #tpu.memory_space<vmem>>)
      "tpu.region"() ({
        %run_scoped3A_1009 = tpu.sem_alloc : memref<!tpu.dma_semaphore, #tpu.memory_space<semaphore_mem>>
        %dma_start3A_1010 = arith.constant 0 : i32
        %dma_start3A_1011 = tpu.memref_slice %arg7[%add3A_965, %dma_start3A_1010] : memref<40x50xi32, #tpu.memory_space<vmem>> -> memref<1x50xi32, #tpu.memory_space<vmem>>
        %dma_start3A_1012 = tpu.memref_squeeze %dma_start3A_1011 : memref<1x50xi32, #tpu.memory_space<vmem>> -> memref<50xi32, #tpu.memory_space<vmem>>
        %dma_start3A_1013 = arith.constant 0 : i32
        %dma_start3A_1014 = arith.constant 0 : i32
        %dma_start3A_1015 = tpu.memref_slice %arg13[%dma_start3A_1013, %dma_start3A_1014] : memref<10240x128xf32, #tpu.memory_space<vmem_shared>> -> memref<10240x128xf32, #tpu.memory_space<vmem_shared>>
        tpu.enqueue_indirect_dma source(%arg9 : memref<50x128xf32, #tpu.memory_space<vmem>>) target(%dma_start3A_1015 : memref<10240x128xf32, #tpu.memory_space<vmem_shared>>) offsets(%dma_start3A_1012 : memref<50xi32, #tpu.memory_space<vmem>>) semaphore(%run_scoped3A_1009 : memref<!tpu.dma_semaphore, #tpu.memory_space<semaphore_mem>>) {add = true}
        %dma_wait3A_1016 = arith.constant 0 : i32
        %dma_wait3A_1017 = tpu.memref_slice %arg7[%add3A_965, %dma_wait3A_1016] : memref<40x50xi32, #tpu.memory_space<vmem>> -> memref<1x50xi32, #tpu.memory_space<vmem>>
        %dma_wait3A_1018 = tpu.memref_squeeze %dma_wait3A_1017 : memref<1x50xi32, #tpu.memory_space<vmem>> -> memref<50xi32, #tpu.memory_space<vmem>>
        %dma_wait3A_1019 = arith.constant 0 : i32
        %dma_wait3A_1020 = arith.constant 0 : i32
        %dma_wait3A_1021 = tpu.memref_slice %arg13[%dma_wait3A_1019, %dma_wait3A_1020] : memref<10240x128xf32, #tpu.memory_space<vmem_shared>> -> memref<10240x128xf32, #tpu.memory_space<vmem_shared>>
        tpu.wait_indirect_dma semaphore(%run_scoped3A_1009 : memref<!tpu.dma_semaphore, #tpu.memory_space<semaphore_mem>>) src(%arg9 : memref<50x128xf32, #tpu.memory_space<vmem>>) dst(%dma_wait3A_1021 : memref<10240x128xf32, #tpu.memory_space<vmem_shared>>)
        tpu.yield
      }) : () -> ()
      %add3A_972 = arith.constant 4 : i32
      %add3A_973 = arith.addi %add3A_965, %add3A_972 : i32
      %lt3A_974 = arith.constant 40 : i32
      %lt3A_975 = arith.cmpi slt, %add3A_973, %lt3A_974 : i32
      %convert_element_type3A_976 = arith.extui %lt3A_975 : i1 to i32
      %cond3A_977 = arith.constant 0 : i32
      %cond3A_978 = arith.cmpi ne, %convert_element_type3A_976, %cond3A_977 : i32
      scf.if %cond3A_978 {
        %add3A_1009 = arith.constant 4 : i32
        %add3A_1010 = arith.addi %add3A_965, %add3A_1009 : i32
        %dma_start3A_1011 = arith.constant 0 : i32
        %dma_start3A_1012 = tpu.memref_slice %arg6[%add3A_1010, %dma_start3A_1011] : memref<40x50xi32, #tpu.memory_space<vmem>> -> memref<1x50xi32, #tpu.memory_space<vmem>>
        %dma_start3A_1013 = tpu.memref_squeeze %dma_start3A_1012 : memref<1x50xi32, #tpu.memory_space<vmem>> -> memref<50xi32, #tpu.memory_space<vmem>>
        %dma_start3A_1014 = arith.constant 0 : i32
        %dma_start3A_1015 = arith.constant 0 : i32
        %dma_start3A_1016 = tpu.memref_slice %arg4[%dma_start3A_1014, %dma_start3A_1015] : memref<10000x128xf32, #tpu.memory_space<hbm>> -> memref<10000x128xf32, #tpu.memory_space<hbm>>
        tpu.enqueue_indirect_dma source(%dma_start3A_1016 : memref<10000x128xf32, #tpu.memory_space<hbm>>) target(%arg9 : memref<50x128xf32, #tpu.memory_space<vmem>>) offsets(%dma_start3A_1013 : memref<50xi32, #tpu.memory_space<vmem>>) semaphore(%arg15 : memref<!tpu.dma_semaphore, #tpu.memory_space<semaphore_mem>>)
      } else {
      }
      %add3A_979 = arith.constant 2 : i32
      %add3A_980 = arith.addi %mul3A_951, %add3A_979 : i32
      %dma_wait3A_981 = arith.constant 0 : i32
      %dma_wait3A_982 = tpu.memref_slice %arg6[%add3A_980, %dma_wait3A_981] : memref<40x50xi32, #tpu.memory_space<vmem>> -> memref<1x50xi32, #tpu.memory_space<vmem>>
      %dma_wait3A_983 = tpu.memref_squeeze %dma_wait3A_982 : memref<1x50xi32, #tpu.memory_space<vmem>> -> memref<50xi32, #tpu.memory_space<vmem>>
      %dma_wait3A_984 = arith.constant 0 : i32
      %dma_wait3A_985 = arith.constant 0 : i32
      %dma_wait3A_986 = tpu.memref_slice %arg4[%dma_wait3A_984, %dma_wait3A_985] : memref<10000x128xf32, #tpu.memory_space<hbm>> -> memref<10000x128xf32, #tpu.memory_space<hbm>>
      tpu.wait_indirect_dma semaphore(%arg16 : memref<!tpu.dma_semaphore, #tpu.memory_space<semaphore_mem>>) src(%dma_wait3A_986 : memref<10000x128xf32, #tpu.memory_space<hbm>>) dst(%arg10 : memref<50x128xf32, #tpu.memory_space<vmem>>)
      "tpu.region"() ({
        %run_scoped3A_1009 = tpu.sem_alloc : memref<!tpu.dma_semaphore, #tpu.memory_space<semaphore_mem>>
        %dma_start3A_1010 = arith.constant 0 : i32
        %dma_start3A_1011 = tpu.memref_slice %arg7[%add3A_980, %dma_start3A_1010] : memref<40x50xi32, #tpu.memory_space<vmem>> -> memref<1x50xi32, #tpu.memory_space<vmem>>
        %dma_start3A_1012 = tpu.memref_squeeze %dma_start3A_1011 : memref<1x50xi32, #tpu.memory_space<vmem>> -> memref<50xi32, #tpu.memory_space<vmem>>
        %dma_start3A_1013 = arith.constant 0 : i32
        %dma_start3A_1014 = arith.constant 0 : i32
        %dma_start3A_1015 = tpu.memref_slice %arg13[%dma_start3A_1013, %dma_start3A_1014] : memref<10240x128xf32, #tpu.memory_space<vmem_shared>> -> memref<10240x128xf32, #tpu.memory_space<vmem_shared>>
        tpu.enqueue_indirect_dma source(%arg10 : memref<50x128xf32, #tpu.memory_space<vmem>>) target(%dma_start3A_1015 : memref<10240x128xf32, #tpu.memory_space<vmem_shared>>) offsets(%dma_start3A_1012 : memref<50xi32, #tpu.memory_space<vmem>>) semaphore(%run_scoped3A_1009 : memref<!tpu.dma_semaphore, #tpu.memory_space<semaphore_mem>>) {add = true}
        %dma_wait3A_1016 = arith.constant 0 : i32
        %dma_wait3A_1017 = tpu.memref_slice %arg7[%add3A_980, %dma_wait3A_1016] : memref<40x50xi32, #tpu.memory_space<vmem>> -> memref<1x50xi32, #tpu.memory_space<vmem>>
        %dma_wait3A_1018 = tpu.memref_squeeze %dma_wait3A_1017 : memref<1x50xi32, #tpu.memory_space<vmem>> -> memref<50xi32, #tpu.memory_space<vmem>>
        %dma_wait3A_1019 = arith.constant 0 : i32
        %dma_wait3A_1020 = arith.constant 0 : i32
        %dma_wait3A_1021 = tpu.memref_slice %arg13[%dma_wait3A_1019, %dma_wait3A_1020] : memref<10240x128xf32, #tpu.memory_space<vmem_shared>> -> memref<10240x128xf32, #tpu.memory_space<vmem_shared>>
        tpu.wait_indirect_dma semaphore(%run_scoped3A_1009 : memref<!tpu.dma_semaphore, #tpu.memory_space<semaphore_mem>>) src(%arg10 : memref<50x128xf32, #tpu.memory_space<vmem>>) dst(%dma_wait3A_1021 : memref<10240x128xf32, #tpu.memory_space<vmem_shared>>)
        tpu.yield
      }) : () -> ()
      %add3A_987 = arith.constant 4 : i32
      %add3A_988 = arith.addi %add3A_980, %add3A_987 : i32
      %lt3A_989 = arith.constant 40 : i32
      %lt3A_990 = arith.cmpi slt, %add3A_988, %lt3A_989 : i32
      %convert_element_type3A_991 = arith.extui %lt3A_990 : i1 to i32
      %cond3A_992 = arith.constant 0 : i32
      %cond3A_993 = arith.cmpi ne, %convert_element_type3A_991, %cond3A_992 : i32
      scf.if %cond3A_993 {
        %add3A_1009 = arith.constant 4 : i32
        %add3A_1010 = arith.addi %add3A_980, %add3A_1009 : i32
        %dma_start3A_1011 = arith.constant 0 : i32
        %dma_start3A_1012 = tpu.memref_slice %arg6[%add3A_1010, %dma_start3A_1011] : memref<40x50xi32, #tpu.memory_space<vmem>> -> memref<1x50xi32, #tpu.memory_space<vmem>>
        %dma_start3A_1013 = tpu.memref_squeeze %dma_start3A_1012 : memref<1x50xi32, #tpu.memory_space<vmem>> -> memref<50xi32, #tpu.memory_space<vmem>>
        %dma_start3A_1014 = arith.constant 0 : i32
        %dma_start3A_1015 = arith.constant 0 : i32
        %dma_start3A_1016 = tpu.memref_slice %arg4[%dma_start3A_1014, %dma_start3A_1015] : memref<10000x128xf32, #tpu.memory_space<hbm>> -> memref<10000x128xf32, #tpu.memory_space<hbm>>
        tpu.enqueue_indirect_dma source(%dma_start3A_1016 : memref<10000x128xf32, #tpu.memory_space<hbm>>) target(%arg10 : memref<50x128xf32, #tpu.memory_space<vmem>>) offsets(%dma_start3A_1013 : memref<50xi32, #tpu.memory_space<vmem>>) semaphore(%arg16 : memref<!tpu.dma_semaphore, #tpu.memory_space<semaphore_mem>>)
      } else {
      }
      %add3A_994 = arith.constant 3 : i32
      %add3A_995 = arith.addi %mul3A_951, %add3A_994 : i32
      %dma_wait3A_996 = arith.constant 0 : i32
      %dma_wait3A_997 = tpu.memref_slice %arg6[%add3A_995, %dma_wait3A_996] : memref<40x50xi32, #tpu.memory_space<vmem>> -> memref<1x50xi32, #tpu.memory_space<vmem>>
      %dma_wait3A_998 = tpu.memref_squeeze %dma_wait3A_997 : memref<1x50xi32, #tpu.memory_space<vmem>> -> memref<50xi32, #tpu.memory_space<vmem>>
      %dma_wait3A_999 = arith.constant 0 : i32
      %dma_wait3A_1000 = arith.constant 0 : i32
      %dma_wait3A_1001 = tpu.memref_slice %arg4[%dma_wait3A_999, %dma_wait3A_1000] : memref<10000x128xf32, #tpu.memory_space<hbm>> -> memref<10000x128xf32, #tpu.memory_space<hbm>>
      tpu.wait_indirect_dma semaphore(%arg17 : memref<!tpu.dma_semaphore, #tpu.memory_space<semaphore_mem>>) src(%dma_wait3A_1001 : memref<10000x128xf32, #tpu.memory_space<hbm>>) dst(%arg11 : memref<50x128xf32, #tpu.memory_space<vmem>>)
      "tpu.region"() ({
        %run_scoped3A_1009 = tpu.sem_alloc : memref<!tpu.dma_semaphore, #tpu.memory_space<semaphore_mem>>
        %dma_start3A_1010 = arith.constant 0 : i32
        %dma_start3A_1011 = tpu.memref_slice %arg7[%add3A_995, %dma_start3A_1010] : memref<40x50xi32, #tpu.memory_space<vmem>> -> memref<1x50xi32, #tpu.memory_space<vmem>>
        %dma_start3A_1012 = tpu.memref_squeeze %dma_start3A_1011 : memref<1x50xi32, #tpu.memory_space<vmem>> -> memref<50xi32, #tpu.memory_space<vmem>>
        %dma_start3A_1013 = arith.constant 0 : i32
        %dma_start3A_1014 = arith.constant 0 : i32
        %dma_start3A_1015 = tpu.memref_slice %arg13[%dma_start3A_1013, %dma_start3A_1014] : memref<10240x128xf32, #tpu.memory_space<vmem_shared>> -> memref<10240x128xf32, #tpu.memory_space<vmem_shared>>
        tpu.enqueue_indirect_dma source(%arg11 : memref<50x128xf32, #tpu.memory_space<vmem>>) target(%dma_start3A_1015 : memref<10240x128xf32, #tpu.memory_space<vmem_shared>>) offsets(%dma_start3A_1012 : memref<50xi32, #tpu.memory_space<vmem>>) semaphore(%run_scoped3A_1009 : memref<!tpu.dma_semaphore, #tpu.memory_space<semaphore_mem>>) {add = true}
        %dma_wait3A_1016 = arith.constant 0 : i32
        %dma_wait3A_1017 = tpu.memref_slice %arg7[%add3A_995, %dma_wait3A_1016] : memref<40x50xi32, #tpu.memory_space<vmem>> -> memref<1x50xi32, #tpu.memory_space<vmem>>
        %dma_wait3A_1018 = tpu.memref_squeeze %dma_wait3A_1017 : memref<1x50xi32, #tpu.memory_space<vmem>> -> memref<50xi32, #tpu.memory_space<vmem>>
        %dma_wait3A_1019 = arith.constant 0 : i32
        %dma_wait3A_1020 = arith.constant 0 : i32
        %dma_wait3A_1021 = tpu.memref_slice %arg13[%dma_wait3A_1019, %dma_wait3A_1020] : memref<10240x128xf32, #tpu.memory_space<vmem_shared>> -> memref<10240x128xf32, #tpu.memory_space<vmem_shared>>
        tpu.wait_indirect_dma semaphore(%run_scoped3A_1009 : memref<!tpu.dma_semaphore, #tpu.memory_space<semaphore_mem>>) src(%arg11 : memref<50x128xf32, #tpu.memory_space<vmem>>) dst(%dma_wait3A_1021 : memref<10240x128xf32, #tpu.memory_space<vmem_shared>>)
        tpu.yield
      }) : () -> ()
      %add3A_1002 = arith.constant 4 : i32
      %add3A_1003 = arith.addi %add3A_995, %add3A_1002 : i32
      %lt3A_1004 = arith.constant 40 : i32
      %lt3A_1005 = arith.cmpi slt, %add3A_1003, %lt3A_1004 : i32
      %convert_element_type3A_1006 = arith.extui %lt3A_1005 : i1 to i32
      %cond3A_1007 = arith.constant 0 : i32
      %cond3A_1008 = arith.cmpi ne, %convert_element_type3A_1006, %cond3A_1007 : i32
      scf.if %cond3A_1008 {
        %add3A_1009 = arith.constant 4 : i32
        %add3A_1010 = arith.addi %add3A_995, %add3A_1009 : i32
        %dma_start3A_1011 = arith.constant 0 : i32
        %dma_start3A_1012 = tpu.memref_slice %arg6[%add3A_1010, %dma_start3A_1011] : memref<40x50xi32, #tpu.memory_space<vmem>> -> memref<1x50xi32, #tpu.memory_space<vmem>>
        %dma_start3A_1013 = tpu.memref_squeeze %dma_start3A_1012 : memref<1x50xi32, #tpu.memory_space<vmem>> -> memref<50xi32, #tpu.memory_space<vmem>>
        %dma_start3A_1014 = arith.constant 0 : i32
        %dma_start3A_1015 = arith.constant 0 : i32
        %dma_start3A_1016 = tpu.memref_slice %arg4[%dma_start3A_1014, %dma_start3A_1015] : memref<10000x128xf32, #tpu.memory_space<hbm>> -> memref<10000x128xf32, #tpu.memory_space<hbm>>
        tpu.enqueue_indirect_dma source(%dma_start3A_1016 : memref<10000x128xf32, #tpu.memory_space<hbm>>) target(%arg11 : memref<50x128xf32, #tpu.memory_space<vmem>>) offsets(%dma_start3A_1013 : memref<50xi32, #tpu.memory_space<vmem>>) semaphore(%arg17 : memref<!tpu.dma_semaphore, #tpu.memory_space<semaphore_mem>>)
      } else {
      }
    }
    %scan3A_362 = arith.constant 10 : i32
    %run_scoped3A_363 = arith.constant 2 : i32
    "tpu.region"() ({
      %run_scoped3A_949 = tpu.sem_alloc : memref<!tpu.dma_semaphore, #tpu.memory_space<semaphore_mem>>
      %dma_start3A_950 = arith.constant 0 : i32
      %dma_start3A_951 = arith.constant 0 : i32
      %dma_start3A_952 = tpu.memref_slice %arg2[%add3A, %run_scoped3A_363, %dma_start3A_950, %dma_start3A_951] : memref<32x5x40x50xi32, #tpu.memory_space<hbm>> -> memref<1x1x40x50xi32, #tpu.memory_space<hbm>>
      %dma_start3A_953 = tpu.memref_squeeze %dma_start3A_952 : memref<1x1x40x50xi32, #tpu.memory_space<hbm>> -> memref<40x50xi32, #tpu.memory_space<hbm>>
      %dma_start3A_954 = arith.constant 0 : i32
      %dma_start3A_955 = arith.constant 0 : i32
      %dma_start3A_956 = tpu.memref_slice %arg2[%add3A, %run_scoped3A_363, %dma_start3A_954, %dma_start3A_955] : memref<32x5x40x50xi32, #tpu.memory_space<hbm>> -> memref<1x1x40x50xi32, #tpu.memory_space<hbm>>
      %dma_start3A_957 = tpu.memref_squeeze %dma_start3A_956 : memref<1x1x40x50xi32, #tpu.memory_space<hbm>> -> memref<40x50xi32, #tpu.memory_space<hbm>>
      tpu.enqueue_dma source(%dma_start3A_957 : memref<40x50xi32, #tpu.memory_space<hbm>>) target(%arg6 : memref<40x50xi32, #tpu.memory_space<vmem>>) target_semaphore(%run_scoped3A_949 : memref<!tpu.dma_semaphore, #tpu.memory_space<semaphore_mem>>)
      %dma_wait3A_958 = arith.constant 0 : i32
      %dma_wait3A_959 = arith.constant 0 : i32
      %dma_wait3A_960 = tpu.memref_slice %arg2[%add3A, %run_scoped3A_363, %dma_wait3A_958, %dma_wait3A_959] : memref<32x5x40x50xi32, #tpu.memory_space<hbm>> -> memref<1x1x40x50xi32, #tpu.memory_space<hbm>>
      %dma_wait3A_961 = tpu.memref_squeeze %dma_wait3A_960 : memref<1x1x40x50xi32, #tpu.memory_space<hbm>> -> memref<40x50xi32, #tpu.memory_space<hbm>>
      %dma_wait3A_962 = arith.constant 0 : i32
      %dma_wait3A_963 = arith.constant 0 : i32
      %dma_wait3A_964 = tpu.memref_slice %arg2[%add3A, %run_scoped3A_363, %dma_wait3A_962, %dma_wait3A_963] : memref<32x5x40x50xi32, #tpu.memory_space<hbm>> -> memref<1x1x40x50xi32, #tpu.memory_space<hbm>>
      %dma_wait3A_965 = tpu.memref_squeeze %dma_wait3A_964 : memref<1x1x40x50xi32, #tpu.memory_space<hbm>> -> memref<40x50xi32, #tpu.memory_space<hbm>>
      tpu.wait_dma2 semaphore(%run_scoped3A_949 : memref<!tpu.dma_semaphore, #tpu.memory_space<semaphore_mem>>) src(%dma_wait3A_965 : memref<40x50xi32, #tpu.memory_space<hbm>>) dst(%arg6 : memref<40x50xi32, #tpu.memory_space<vmem>>)
      tpu.yield
    }) : () -> ()
    %run_scoped3A_364 = arith.constant 2 : i32
    "tpu.region"() ({
      %run_scoped3A_949 = tpu.sem_alloc : memref<!tpu.dma_semaphore, #tpu.memory_space<semaphore_mem>>
      %dma_start3A_950 = arith.constant 0 : i32
      %dma_start3A_951 = arith.constant 0 : i32
      %dma_start3A_952 = tpu.memref_slice %arg3[%add3A, %run_scoped3A_364, %dma_start3A_950, %dma_start3A_951] : memref<32x5x40x50xi32, #tpu.memory_space<hbm>> -> memref<1x1x40x50xi32, #tpu.memory_space<hbm>>
      %dma_start3A_953 = tpu.memref_squeeze %dma_start3A_952 : memref<1x1x40x50xi32, #tpu.memory_space<hbm>> -> memref<40x50xi32, #tpu.memory_space<hbm>>
      %dma_start3A_954 = arith.constant 0 : i32
      %dma_start3A_955 = arith.constant 0 : i32
      %dma_start3A_956 = tpu.memref_slice %arg3[%add3A, %run_scoped3A_364, %dma_start3A_954, %dma_start3A_955] : memref<32x5x40x50xi32, #tpu.memory_space<hbm>> -> memref<1x1x40x50xi32, #tpu.memory_space<hbm>>
      %dma_start3A_957 = tpu.memref_squeeze %dma_start3A_956 : memref<1x1x40x50xi32, #tpu.memory_space<hbm>> -> memref<40x50xi32, #tpu.memory_space<hbm>>
      tpu.enqueue_dma source(%dma_start3A_957 : memref<40x50xi32, #tpu.memory_space<hbm>>) target(%arg7 : memref<40x50xi32, #tpu.memory_space<vmem>>) target_semaphore(%run_scoped3A_949 : memref<!tpu.dma_semaphore, #tpu.memory_space<semaphore_mem>>)
      %dma_wait3A_958 = arith.constant 0 : i32
      %dma_wait3A_959 = arith.constant 0 : i32
      %dma_wait3A_960 = tpu.memref_slice %arg3[%add3A, %run_scoped3A_364, %dma_wait3A_958, %dma_wait3A_959] : memref<32x5x40x50xi32, #tpu.memory_space<hbm>> -> memref<1x1x40x50xi32, #tpu.memory_space<hbm>>
      %dma_wait3A_961 = tpu.memref_squeeze %dma_wait3A_960 : memref<1x1x40x50xi32, #tpu.memory_space<hbm>> -> memref<40x50xi32, #tpu.memory_space<hbm>>
      %dma_wait3A_962 = arith.constant 0 : i32
      %dma_wait3A_963 = arith.constant 0 : i32
      %dma_wait3A_964 = tpu.memref_slice %arg3[%add3A, %run_scoped3A_364, %dma_wait3A_962, %dma_wait3A_963] : memref<32x5x40x50xi32, #tpu.memory_space<hbm>> -> memref<1x1x40x50xi32, #tpu.memory_space<hbm>>
      %dma_wait3A_965 = tpu.memref_squeeze %dma_wait3A_964 : memref<1x1x40x50xi32, #tpu.memory_space<hbm>> -> memref<40x50xi32, #tpu.memory_space<hbm>>
      tpu.wait_dma2 semaphore(%run_scoped3A_949 : memref<!tpu.dma_semaphore, #tpu.memory_space<semaphore_mem>>) src(%dma_wait3A_965 : memref<40x50xi32, #tpu.memory_space<hbm>>) dst(%arg7 : memref<40x50xi32, #tpu.memory_space<vmem>>)
      tpu.yield
    }) : () -> ()
    %dma_start3A_365 = arith.constant 0 : i32
    %dma_start3A_366 = arith.constant 0 : i32
    %dma_start3A_367 = tpu.memref_slice %arg6[%dma_start3A_365, %dma_start3A_366] : memref<40x50xi32, #tpu.memory_space<vmem>> -> memref<1x50xi32, #tpu.memory_space<vmem>>
    %dma_start3A_368 = tpu.memref_squeeze %dma_start3A_367 : memref<1x50xi32, #tpu.memory_space<vmem>> -> memref<50xi32, #tpu.memory_space<vmem>>
    %dma_start3A_369 = arith.constant 0 : i32
    %dma_start3A_370 = arith.constant 0 : i32
    %dma_start3A_371 = tpu.memref_slice %arg4[%dma_start3A_369, %dma_start3A_370] : memref<10000x128xf32, #tpu.memory_space<hbm>> -> memref<10000x128xf32, #tpu.memory_space<hbm>>
    tpu.enqueue_indirect_dma source(%dma_start3A_371 : memref<10000x128xf32, #tpu.memory_space<hbm>>) target(%arg8 : memref<50x128xf32, #tpu.memory_space<vmem>>) offsets(%dma_start3A_368 : memref<50xi32, #tpu.memory_space<vmem>>) semaphore(%arg14 : memref<!tpu.dma_semaphore, #tpu.memory_space<semaphore_mem>>)
    %dma_start3A_372 = arith.constant 1 : i32
    %dma_start3A_373 = arith.constant 0 : i32
    %dma_start3A_374 = tpu.memref_slice %arg6[%dma_start3A_372, %dma_start3A_373] : memref<40x50xi32, #tpu.memory_space<vmem>> -> memref<1x50xi32, #tpu.memory_space<vmem>>
    %dma_start3A_375 = tpu.memref_squeeze %dma_start3A_374 : memref<1x50xi32, #tpu.memory_space<vmem>> -> memref<50xi32, #tpu.memory_space<vmem>>
    %dma_start3A_376 = arith.constant 0 : i32
    %dma_start3A_377 = arith.constant 0 : i32
    %dma_start3A_378 = tpu.memref_slice %arg4[%dma_start3A_376, %dma_start3A_377] : memref<10000x128xf32, #tpu.memory_space<hbm>> -> memref<10000x128xf32, #tpu.memory_space<hbm>>
    tpu.enqueue_indirect_dma source(%dma_start3A_378 : memref<10000x128xf32, #tpu.memory_space<hbm>>) target(%arg9 : memref<50x128xf32, #tpu.memory_space<vmem>>) offsets(%dma_start3A_375 : memref<50xi32, #tpu.memory_space<vmem>>) semaphore(%arg15 : memref<!tpu.dma_semaphore, #tpu.memory_space<semaphore_mem>>)
    %dma_start3A_379 = arith.constant 2 : i32
    %dma_start3A_380 = arith.constant 0 : i32
    %dma_start3A_381 = tpu.memref_slice %arg6[%dma_start3A_379, %dma_start3A_380] : memref<40x50xi32, #tpu.memory_space<vmem>> -> memref<1x50xi32, #tpu.memory_space<vmem>>
    %dma_start3A_382 = tpu.memref_squeeze %dma_start3A_381 : memref<1x50xi32, #tpu.memory_space<vmem>> -> memref<50xi32, #tpu.memory_space<vmem>>
    %dma_start3A_383 = arith.constant 0 : i32
    %dma_start3A_384 = arith.constant 0 : i32
    %dma_start3A_385 = tpu.memref_slice %arg4[%dma_start3A_383, %dma_start3A_384] : memref<10000x128xf32, #tpu.memory_space<hbm>> -> memref<10000x128xf32, #tpu.memory_space<hbm>>
    tpu.enqueue_indirect_dma source(%dma_start3A_385 : memref<10000x128xf32, #tpu.memory_space<hbm>>) target(%arg10 : memref<50x128xf32, #tpu.memory_space<vmem>>) offsets(%dma_start3A_382 : memref<50xi32, #tpu.memory_space<vmem>>) semaphore(%arg16 : memref<!tpu.dma_semaphore, #tpu.memory_space<semaphore_mem>>)
    %dma_start3A_386 = arith.constant 3 : i32
    %dma_start3A_387 = arith.constant 0 : i32
    %dma_start3A_388 = tpu.memref_slice %arg6[%dma_start3A_386, %dma_start3A_387] : memref<40x50xi32, #tpu.memory_space<vmem>> -> memref<1x50xi32, #tpu.memory_space<vmem>>
    %dma_start3A_389 = tpu.memref_squeeze %dma_start3A_388 : memref<1x50xi32, #tpu.memory_space<vmem>> -> memref<50xi32, #tpu.memory_space<vmem>>
    %dma_start3A_390 = arith.constant 0 : i32
    %dma_start3A_391 = arith.constant 0 : i32
    %dma_start3A_392 = tpu.memref_slice %arg4[%dma_start3A_390, %dma_start3A_391] : memref<10000x128xf32, #tpu.memory_space<hbm>> -> memref<10000x128xf32, #tpu.memory_space<hbm>>
    tpu.enqueue_indirect_dma source(%dma_start3A_392 : memref<10000x128xf32, #tpu.memory_space<hbm>>) target(%arg11 : memref<50x128xf32, #tpu.memory_space<vmem>>) offsets(%dma_start3A_389 : memref<50xi32, #tpu.memory_space<vmem>>) semaphore(%arg17 : memref<!tpu.dma_semaphore, #tpu.memory_space<semaphore_mem>>)
    %scan3A_393 = arith.constant 0 : i32
    %scan3A_394 = arith.constant 10 : i32
    %scan3A_395 = arith.addi %scan3A_393, %scan3A_394 : i32
    %scan3A_396 = arith.constant 1 : i32
    scf.for %scan3A_949 = %scan3A_393 to %scan3A_395 step %scan3A_396  : i32 {
      %mul3A_950 = arith.constant 4 : i32
      %mul3A_951 = arith.muli %mul3A_950, %scan3A_949 : i32
      %add3A_952 = arith.constant 0 : i32
      %add3A_953 = arith.addi %mul3A_951, %add3A_952 : i32
      %dma_wait3A_954 = arith.constant 0 : i32
      %dma_wait3A_955 = tpu.memref_slice %arg6[%add3A_953, %dma_wait3A_954] : memref<40x50xi32, #tpu.memory_space<vmem>> -> memref<1x50xi32, #tpu.memory_space<vmem>>
      %dma_wait3A_956 = tpu.memref_squeeze %dma_wait3A_955 : memref<1x50xi32, #tpu.memory_space<vmem>> -> memref<50xi32, #tpu.memory_space<vmem>>
      %dma_wait3A_957 = arith.constant 0 : i32
      %dma_wait3A_958 = arith.constant 0 : i32
      %dma_wait3A_959 = tpu.memref_slice %arg4[%dma_wait3A_957, %dma_wait3A_958] : memref<10000x128xf32, #tpu.memory_space<hbm>> -> memref<10000x128xf32, #tpu.memory_space<hbm>>
      tpu.wait_indirect_dma semaphore(%arg14 : memref<!tpu.dma_semaphore, #tpu.memory_space<semaphore_mem>>) src(%dma_wait3A_959 : memref<10000x128xf32, #tpu.memory_space<hbm>>) dst(%arg8 : memref<50x128xf32, #tpu.memory_space<vmem>>)
      "tpu.region"() ({
        %run_scoped3A_1009 = tpu.sem_alloc : memref<!tpu.dma_semaphore, #tpu.memory_space<semaphore_mem>>
        %dma_start3A_1010 = arith.constant 0 : i32
        %dma_start3A_1011 = tpu.memref_slice %arg7[%add3A_953, %dma_start3A_1010] : memref<40x50xi32, #tpu.memory_space<vmem>> -> memref<1x50xi32, #tpu.memory_space<vmem>>
        %dma_start3A_1012 = tpu.memref_squeeze %dma_start3A_1011 : memref<1x50xi32, #tpu.memory_space<vmem>> -> memref<50xi32, #tpu.memory_space<vmem>>
        %dma_start3A_1013 = arith.constant 0 : i32
        %dma_start3A_1014 = arith.constant 0 : i32
        %dma_start3A_1015 = tpu.memref_slice %arg13[%dma_start3A_1013, %dma_start3A_1014] : memref<10240x128xf32, #tpu.memory_space<vmem_shared>> -> memref<10240x128xf32, #tpu.memory_space<vmem_shared>>
        tpu.enqueue_indirect_dma source(%arg8 : memref<50x128xf32, #tpu.memory_space<vmem>>) target(%dma_start3A_1015 : memref<10240x128xf32, #tpu.memory_space<vmem_shared>>) offsets(%dma_start3A_1012 : memref<50xi32, #tpu.memory_space<vmem>>) semaphore(%run_scoped3A_1009 : memref<!tpu.dma_semaphore, #tpu.memory_space<semaphore_mem>>) {add = true}
        %dma_wait3A_1016 = arith.constant 0 : i32
        %dma_wait3A_1017 = tpu.memref_slice %arg7[%add3A_953, %dma_wait3A_1016] : memref<40x50xi32, #tpu.memory_space<vmem>> -> memref<1x50xi32, #tpu.memory_space<vmem>>
        %dma_wait3A_1018 = tpu.memref_squeeze %dma_wait3A_1017 : memref<1x50xi32, #tpu.memory_space<vmem>> -> memref<50xi32, #tpu.memory_space<vmem>>
        %dma_wait3A_1019 = arith.constant 0 : i32
        %dma_wait3A_1020 = arith.constant 0 : i32
        %dma_wait3A_1021 = tpu.memref_slice %arg13[%dma_wait3A_1019, %dma_wait3A_1020] : memref<10240x128xf32, #tpu.memory_space<vmem_shared>> -> memref<10240x128xf32, #tpu.memory_space<vmem_shared>>
        tpu.wait_indirect_dma semaphore(%run_scoped3A_1009 : memref<!tpu.dma_semaphore, #tpu.memory_space<semaphore_mem>>) src(%arg8 : memref<50x128xf32, #tpu.memory_space<vmem>>) dst(%dma_wait3A_1021 : memref<10240x128xf32, #tpu.memory_space<vmem_shared>>)
        tpu.yield
      }) : () -> ()
      %add3A_960 = arith.constant 4 : i32
      %add3A_961 = arith.addi %add3A_953, %add3A_960 : i32
      %lt3A = arith.constant 40 : i32
      %lt3A_962 = arith.cmpi slt, %add3A_961, %lt3A : i32
      %convert_element_type3A = arith.extui %lt3A_962 : i1 to i32
      %cond3A = arith.constant 0 : i32
      %cond3A_963 = arith.cmpi ne, %convert_element_type3A, %cond3A : i32
      scf.if %cond3A_963 {
        %add3A_1009 = arith.constant 4 : i32
        %add3A_1010 = arith.addi %add3A_953, %add3A_1009 : i32
        %dma_start3A_1011 = arith.constant 0 : i32
        %dma_start3A_1012 = tpu.memref_slice %arg6[%add3A_1010, %dma_start3A_1011] : memref<40x50xi32, #tpu.memory_space<vmem>> -> memref<1x50xi32, #tpu.memory_space<vmem>>
        %dma_start3A_1013 = tpu.memref_squeeze %dma_start3A_1012 : memref<1x50xi32, #tpu.memory_space<vmem>> -> memref<50xi32, #tpu.memory_space<vmem>>
        %dma_start3A_1014 = arith.constant 0 : i32
        %dma_start3A_1015 = arith.constant 0 : i32
        %dma_start3A_1016 = tpu.memref_slice %arg4[%dma_start3A_1014, %dma_start3A_1015] : memref<10000x128xf32, #tpu.memory_space<hbm>> -> memref<10000x128xf32, #tpu.memory_space<hbm>>
        tpu.enqueue_indirect_dma source(%dma_start3A_1016 : memref<10000x128xf32, #tpu.memory_space<hbm>>) target(%arg8 : memref<50x128xf32, #tpu.memory_space<vmem>>) offsets(%dma_start3A_1013 : memref<50xi32, #tpu.memory_space<vmem>>) semaphore(%arg14 : memref<!tpu.dma_semaphore, #tpu.memory_space<semaphore_mem>>)
      } else {
      }
      %add3A_964 = arith.constant 1 : i32
      %add3A_965 = arith.addi %mul3A_951, %add3A_964 : i32
      %dma_wait3A_966 = arith.constant 0 : i32
      %dma_wait3A_967 = tpu.memref_slice %arg6[%add3A_965, %dma_wait3A_966] : memref<40x50xi32, #tpu.memory_space<vmem>> -> memref<1x50xi32, #tpu.memory_space<vmem>>
      %dma_wait3A_968 = tpu.memref_squeeze %dma_wait3A_967 : memref<1x50xi32, #tpu.memory_space<vmem>> -> memref<50xi32, #tpu.memory_space<vmem>>
      %dma_wait3A_969 = arith.constant 0 : i32
      %dma_wait3A_970 = arith.constant 0 : i32
      %dma_wait3A_971 = tpu.memref_slice %arg4[%dma_wait3A_969, %dma_wait3A_970] : memref<10000x128xf32, #tpu.memory_space<hbm>> -> memref<10000x128xf32, #tpu.memory_space<hbm>>
      tpu.wait_indirect_dma semaphore(%arg15 : memref<!tpu.dma_semaphore, #tpu.memory_space<semaphore_mem>>) src(%dma_wait3A_971 : memref<10000x128xf32, #tpu.memory_space<hbm>>) dst(%arg9 : memref<50x128xf32, #tpu.memory_space<vmem>>)
      "tpu.region"() ({
        %run_scoped3A_1009 = tpu.sem_alloc : memref<!tpu.dma_semaphore, #tpu.memory_space<semaphore_mem>>
        %dma_start3A_1010 = arith.constant 0 : i32
        %dma_start3A_1011 = tpu.memref_slice %arg7[%add3A_965, %dma_start3A_1010] : memref<40x50xi32, #tpu.memory_space<vmem>> -> memref<1x50xi32, #tpu.memory_space<vmem>>
        %dma_start3A_1012 = tpu.memref_squeeze %dma_start3A_1011 : memref<1x50xi32, #tpu.memory_space<vmem>> -> memref<50xi32, #tpu.memory_space<vmem>>
        %dma_start3A_1013 = arith.constant 0 : i32
        %dma_start3A_1014 = arith.constant 0 : i32
        %dma_start3A_1015 = tpu.memref_slice %arg13[%dma_start3A_1013, %dma_start3A_1014] : memref<10240x128xf32, #tpu.memory_space<vmem_shared>> -> memref<10240x128xf32, #tpu.memory_space<vmem_shared>>
        tpu.enqueue_indirect_dma source(%arg9 : memref<50x128xf32, #tpu.memory_space<vmem>>) target(%dma_start3A_1015 : memref<10240x128xf32, #tpu.memory_space<vmem_shared>>) offsets(%dma_start3A_1012 : memref<50xi32, #tpu.memory_space<vmem>>) semaphore(%run_scoped3A_1009 : memref<!tpu.dma_semaphore, #tpu.memory_space<semaphore_mem>>) {add = true}
        %dma_wait3A_1016 = arith.constant 0 : i32
        %dma_wait3A_1017 = tpu.memref_slice %arg7[%add3A_965, %dma_wait3A_1016] : memref<40x50xi32, #tpu.memory_space<vmem>> -> memref<1x50xi32, #tpu.memory_space<vmem>>
        %dma_wait3A_1018 = tpu.memref_squeeze %dma_wait3A_1017 : memref<1x50xi32, #tpu.memory_space<vmem>> -> memref<50xi32, #tpu.memory_space<vmem>>
        %dma_wait3A_1019 = arith.constant 0 : i32
        %dma_wait3A_1020 = arith.constant 0 : i32
        %dma_wait3A_1021 = tpu.memref_slice %arg13[%dma_wait3A_1019, %dma_wait3A_1020] : memref<10240x128xf32, #tpu.memory_space<vmem_shared>> -> memref<10240x128xf32, #tpu.memory_space<vmem_shared>>
        tpu.wait_indirect_dma semaphore(%run_scoped3A_1009 : memref<!tpu.dma_semaphore, #tpu.memory_space<semaphore_mem>>) src(%arg9 : memref<50x128xf32, #tpu.memory_space<vmem>>) dst(%dma_wait3A_1021 : memref<10240x128xf32, #tpu.memory_space<vmem_shared>>)
        tpu.yield
      }) : () -> ()
      %add3A_972 = arith.constant 4 : i32
      %add3A_973 = arith.addi %add3A_965, %add3A_972 : i32
      %lt3A_974 = arith.constant 40 : i32
      %lt3A_975 = arith.cmpi slt, %add3A_973, %lt3A_974 : i32
      %convert_element_type3A_976 = arith.extui %lt3A_975 : i1 to i32
      %cond3A_977 = arith.constant 0 : i32
      %cond3A_978 = arith.cmpi ne, %convert_element_type3A_976, %cond3A_977 : i32
      scf.if %cond3A_978 {
        %add3A_1009 = arith.constant 4 : i32
        %add3A_1010 = arith.addi %add3A_965, %add3A_1009 : i32
        %dma_start3A_1011 = arith.constant 0 : i32
        %dma_start3A_1012 = tpu.memref_slice %arg6[%add3A_1010, %dma_start3A_1011] : memref<40x50xi32, #tpu.memory_space<vmem>> -> memref<1x50xi32, #tpu.memory_space<vmem>>
        %dma_start3A_1013 = tpu.memref_squeeze %dma_start3A_1012 : memref<1x50xi32, #tpu.memory_space<vmem>> -> memref<50xi32, #tpu.memory_space<vmem>>
        %dma_start3A_1014 = arith.constant 0 : i32
        %dma_start3A_1015 = arith.constant 0 : i32
        %dma_start3A_1016 = tpu.memref_slice %arg4[%dma_start3A_1014, %dma_start3A_1015] : memref<10000x128xf32, #tpu.memory_space<hbm>> -> memref<10000x128xf32, #tpu.memory_space<hbm>>
        tpu.enqueue_indirect_dma source(%dma_start3A_1016 : memref<10000x128xf32, #tpu.memory_space<hbm>>) target(%arg9 : memref<50x128xf32, #tpu.memory_space<vmem>>) offsets(%dma_start3A_1013 : memref<50xi32, #tpu.memory_space<vmem>>) semaphore(%arg15 : memref<!tpu.dma_semaphore, #tpu.memory_space<semaphore_mem>>)
      } else {
      }
      %add3A_979 = arith.constant 2 : i32
      %add3A_980 = arith.addi %mul3A_951, %add3A_979 : i32
      %dma_wait3A_981 = arith.constant 0 : i32
      %dma_wait3A_982 = tpu.memref_slice %arg6[%add3A_980, %dma_wait3A_981] : memref<40x50xi32, #tpu.memory_space<vmem>> -> memref<1x50xi32, #tpu.memory_space<vmem>>
      %dma_wait3A_983 = tpu.memref_squeeze %dma_wait3A_982 : memref<1x50xi32, #tpu.memory_space<vmem>> -> memref<50xi32, #tpu.memory_space<vmem>>
      %dma_wait3A_984 = arith.constant 0 : i32
      %dma_wait3A_985 = arith.constant 0 : i32
      %dma_wait3A_986 = tpu.memref_slice %arg4[%dma_wait3A_984, %dma_wait3A_985] : memref<10000x128xf32, #tpu.memory_space<hbm>> -> memref<10000x128xf32, #tpu.memory_space<hbm>>
      tpu.wait_indirect_dma semaphore(%arg16 : memref<!tpu.dma_semaphore, #tpu.memory_space<semaphore_mem>>) src(%dma_wait3A_986 : memref<10000x128xf32, #tpu.memory_space<hbm>>) dst(%arg10 : memref<50x128xf32, #tpu.memory_space<vmem>>)
      "tpu.region"() ({
        %run_scoped3A_1009 = tpu.sem_alloc : memref<!tpu.dma_semaphore, #tpu.memory_space<semaphore_mem>>
        %dma_start3A_1010 = arith.constant 0 : i32
        %dma_start3A_1011 = tpu.memref_slice %arg7[%add3A_980, %dma_start3A_1010] : memref<40x50xi32, #tpu.memory_space<vmem>> -> memref<1x50xi32, #tpu.memory_space<vmem>>
        %dma_start3A_1012 = tpu.memref_squeeze %dma_start3A_1011 : memref<1x50xi32, #tpu.memory_space<vmem>> -> memref<50xi32, #tpu.memory_space<vmem>>
        %dma_start3A_1013 = arith.constant 0 : i32
        %dma_start3A_1014 = arith.constant 0 : i32
        %dma_start3A_1015 = tpu.memref_slice %arg13[%dma_start3A_1013, %dma_start3A_1014] : memref<10240x128xf32, #tpu.memory_space<vmem_shared>> -> memref<10240x128xf32, #tpu.memory_space<vmem_shared>>
        tpu.enqueue_indirect_dma source(%arg10 : memref<50x128xf32, #tpu.memory_space<vmem>>) target(%dma_start3A_1015 : memref<10240x128xf32, #tpu.memory_space<vmem_shared>>) offsets(%dma_start3A_1012 : memref<50xi32, #tpu.memory_space<vmem>>) semaphore(%run_scoped3A_1009 : memref<!tpu.dma_semaphore, #tpu.memory_space<semaphore_mem>>) {add = true}
        %dma_wait3A_1016 = arith.constant 0 : i32
        %dma_wait3A_1017 = tpu.memref_slice %arg7[%add3A_980, %dma_wait3A_1016] : memref<40x50xi32, #tpu.memory_space<vmem>> -> memref<1x50xi32, #tpu.memory_space<vmem>>
        %dma_wait3A_1018 = tpu.memref_squeeze %dma_wait3A_1017 : memref<1x50xi32, #tpu.memory_space<vmem>> -> memref<50xi32, #tpu.memory_space<vmem>>
        %dma_wait3A_1019 = arith.constant 0 : i32
        %dma_wait3A_1020 = arith.constant 0 : i32
        %dma_wait3A_1021 = tpu.memref_slice %arg13[%dma_wait3A_1019, %dma_wait3A_1020] : memref<10240x128xf32, #tpu.memory_space<vmem_shared>> -> memref<10240x128xf32, #tpu.memory_space<vmem_shared>>
        tpu.wait_indirect_dma semaphore(%run_scoped3A_1009 : memref<!tpu.dma_semaphore, #tpu.memory_space<semaphore_mem>>) src(%arg10 : memref<50x128xf32, #tpu.memory_space<vmem>>) dst(%dma_wait3A_1021 : memref<10240x128xf32, #tpu.memory_space<vmem_shared>>)
        tpu.yield
      }) : () -> ()
      %add3A_987 = arith.constant 4 : i32
      %add3A_988 = arith.addi %add3A_980, %add3A_987 : i32
      %lt3A_989 = arith.constant 40 : i32
      %lt3A_990 = arith.cmpi slt, %add3A_988, %lt3A_989 : i32
      %convert_element_type3A_991 = arith.extui %lt3A_990 : i1 to i32
      %cond3A_992 = arith.constant 0 : i32
      %cond3A_993 = arith.cmpi ne, %convert_element_type3A_991, %cond3A_992 : i32
      scf.if %cond3A_993 {
        %add3A_1009 = arith.constant 4 : i32
        %add3A_1010 = arith.addi %add3A_980, %add3A_1009 : i32
        %dma_start3A_1011 = arith.constant 0 : i32
        %dma_start3A_1012 = tpu.memref_slice %arg6[%add3A_1010, %dma_start3A_1011] : memref<40x50xi32, #tpu.memory_space<vmem>> -> memref<1x50xi32, #tpu.memory_space<vmem>>
        %dma_start3A_1013 = tpu.memref_squeeze %dma_start3A_1012 : memref<1x50xi32, #tpu.memory_space<vmem>> -> memref<50xi32, #tpu.memory_space<vmem>>
        %dma_start3A_1014 = arith.constant 0 : i32
        %dma_start3A_1015 = arith.constant 0 : i32
        %dma_start3A_1016 = tpu.memref_slice %arg4[%dma_start3A_1014, %dma_start3A_1015] : memref<10000x128xf32, #tpu.memory_space<hbm>> -> memref<10000x128xf32, #tpu.memory_space<hbm>>
        tpu.enqueue_indirect_dma source(%dma_start3A_1016 : memref<10000x128xf32, #tpu.memory_space<hbm>>) target(%arg10 : memref<50x128xf32, #tpu.memory_space<vmem>>) offsets(%dma_start3A_1013 : memref<50xi32, #tpu.memory_space<vmem>>) semaphore(%arg16 : memref<!tpu.dma_semaphore, #tpu.memory_space<semaphore_mem>>)
      } else {
      }
      %add3A_994 = arith.constant 3 : i32
      %add3A_995 = arith.addi %mul3A_951, %add3A_994 : i32
      %dma_wait3A_996 = arith.constant 0 : i32
      %dma_wait3A_997 = tpu.memref_slice %arg6[%add3A_995, %dma_wait3A_996] : memref<40x50xi32, #tpu.memory_space<vmem>> -> memref<1x50xi32, #tpu.memory_space<vmem>>
      %dma_wait3A_998 = tpu.memref_squeeze %dma_wait3A_997 : memref<1x50xi32, #tpu.memory_space<vmem>> -> memref<50xi32, #tpu.memory_space<vmem>>
      %dma_wait3A_999 = arith.constant 0 : i32
      %dma_wait3A_1000 = arith.constant 0 : i32
      %dma_wait3A_1001 = tpu.memref_slice %arg4[%dma_wait3A_999, %dma_wait3A_1000] : memref<10000x128xf32, #tpu.memory_space<hbm>> -> memref<10000x128xf32, #tpu.memory_space<hbm>>
      tpu.wait_indirect_dma semaphore(%arg17 : memref<!tpu.dma_semaphore, #tpu.memory_space<semaphore_mem>>) src(%dma_wait3A_1001 : memref<10000x128xf32, #tpu.memory_space<hbm>>) dst(%arg11 : memref<50x128xf32, #tpu.memory_space<vmem>>)
      "tpu.region"() ({
        %run_scoped3A_1009 = tpu.sem_alloc : memref<!tpu.dma_semaphore, #tpu.memory_space<semaphore_mem>>
        %dma_start3A_1010 = arith.constant 0 : i32
        %dma_start3A_1011 = tpu.memref_slice %arg7[%add3A_995, %dma_start3A_1010] : memref<40x50xi32, #tpu.memory_space<vmem>> -> memref<1x50xi32, #tpu.memory_space<vmem>>
        %dma_start3A_1012 = tpu.memref_squeeze %dma_start3A_1011 : memref<1x50xi32, #tpu.memory_space<vmem>> -> memref<50xi32, #tpu.memory_space<vmem>>
        %dma_start3A_1013 = arith.constant 0 : i32
        %dma_start3A_1014 = arith.constant 0 : i32
        %dma_start3A_1015 = tpu.memref_slice %arg13[%dma_start3A_1013, %dma_start3A_1014] : memref<10240x128xf32, #tpu.memory_space<vmem_shared>> -> memref<10240x128xf32, #tpu.memory_space<vmem_shared>>
        tpu.enqueue_indirect_dma source(%arg11 : memref<50x128xf32, #tpu.memory_space<vmem>>) target(%dma_start3A_1015 : memref<10240x128xf32, #tpu.memory_space<vmem_shared>>) offsets(%dma_start3A_1012 : memref<50xi32, #tpu.memory_space<vmem>>) semaphore(%run_scoped3A_1009 : memref<!tpu.dma_semaphore, #tpu.memory_space<semaphore_mem>>) {add = true}
        %dma_wait3A_1016 = arith.constant 0 : i32
        %dma_wait3A_1017 = tpu.memref_slice %arg7[%add3A_995, %dma_wait3A_1016] : memref<40x50xi32, #tpu.memory_space<vmem>> -> memref<1x50xi32, #tpu.memory_space<vmem>>
        %dma_wait3A_1018 = tpu.memref_squeeze %dma_wait3A_1017 : memref<1x50xi32, #tpu.memory_space<vmem>> -> memref<50xi32, #tpu.memory_space<vmem>>
        %dma_wait3A_1019 = arith.constant 0 : i32
        %dma_wait3A_1020 = arith.constant 0 : i32
        %dma_wait3A_1021 = tpu.memref_slice %arg13[%dma_wait3A_1019, %dma_wait3A_1020] : memref<10240x128xf32, #tpu.memory_space<vmem_shared>> -> memref<10240x128xf32, #tpu.memory_space<vmem_shared>>
        tpu.wait_indirect_dma semaphore(%run_scoped3A_1009 : memref<!tpu.dma_semaphore, #tpu.memory_space<semaphore_mem>>) src(%arg11 : memref<50x128xf32, #tpu.memory_space<vmem>>) dst(%dma_wait3A_1021 : memref<10240x128xf32, #tpu.memory_space<vmem_shared>>)
        tpu.yield
      }) : () -> ()
      %add3A_1002 = arith.constant 4 : i32
      %add3A_1003 = arith.addi %add3A_995, %add3A_1002 : i32
      %lt3A_1004 = arith.constant 40 : i32
      %lt3A_1005 = arith.cmpi slt, %add3A_1003, %lt3A_1004 : i32
      %convert_element_type3A_1006 = arith.extui %lt3A_1005 : i1 to i32
      %cond3A_1007 = arith.constant 0 : i32
      %cond3A_1008 = arith.cmpi ne, %convert_element_type3A_1006, %cond3A_1007 : i32
      scf.if %cond3A_1008 {
        %add3A_1009 = arith.constant 4 : i32
        %add3A_1010 = arith.addi %add3A_995, %add3A_1009 : i32
        %dma_start3A_1011 = arith.constant 0 : i32
        %dma_start3A_1012 = tpu.memref_slice %arg6[%add3A_1010, %dma_start3A_1011] : memref<40x50xi32, #tpu.memory_space<vmem>> -> memref<1x50xi32, #tpu.memory_space<vmem>>
        %dma_start3A_1013 = tpu.memref_squeeze %dma_start3A_1012 : memref<1x50xi32, #tpu.memory_space<vmem>> -> memref<50xi32, #tpu.memory_space<vmem>>
        %dma_start3A_1014 = arith.constant 0 : i32
        %dma_start3A_1015 = arith.constant 0 : i32
        %dma_start3A_1016 = tpu.memref_slice %arg4[%dma_start3A_1014, %dma_start3A_1015] : memref<10000x128xf32, #tpu.memory_space<hbm>> -> memref<10000x128xf32, #tpu.memory_space<hbm>>
        tpu.enqueue_indirect_dma source(%dma_start3A_1016 : memref<10000x128xf32, #tpu.memory_space<hbm>>) target(%arg11 : memref<50x128xf32, #tpu.memory_space<vmem>>) offsets(%dma_start3A_1013 : memref<50xi32, #tpu.memory_space<vmem>>) semaphore(%arg17 : memref<!tpu.dma_semaphore, #tpu.memory_space<semaphore_mem>>)
      } else {
      }
    }
    %scan3A_397 = arith.constant 10 : i32
    %run_scoped3A_398 = arith.constant 3 : i32
    "tpu.region"() ({
      %run_scoped3A_949 = tpu.sem_alloc : memref<!tpu.dma_semaphore, #tpu.memory_space<semaphore_mem>>
      %dma_start3A_950 = arith.constant 0 : i32
      %dma_start3A_951 = arith.constant 0 : i32
      %dma_start3A_952 = tpu.memref_slice %arg2[%add3A, %run_scoped3A_398, %dma_start3A_950, %dma_start3A_951] : memref<32x5x40x50xi32, #tpu.memory_space<hbm>> -> memref<1x1x40x50xi32, #tpu.memory_space<hbm>>
      %dma_start3A_953 = tpu.memref_squeeze %dma_start3A_952 : memref<1x1x40x50xi32, #tpu.memory_space<hbm>> -> memref<40x50xi32, #tpu.memory_space<hbm>>
      %dma_start3A_954 = arith.constant 0 : i32
      %dma_start3A_955 = arith.constant 0 : i32
      %dma_start3A_956 = tpu.memref_slice %arg2[%add3A, %run_scoped3A_398, %dma_start3A_954, %dma_start3A_955] : memref<32x5x40x50xi32, #tpu.memory_space<hbm>> -> memref<1x1x40x50xi32, #tpu.memory_space<hbm>>
      %dma_start3A_957 = tpu.memref_squeeze %dma_start3A_956 : memref<1x1x40x50xi32, #tpu.memory_space<hbm>> -> memref<40x50xi32, #tpu.memory_space<hbm>>
      tpu.enqueue_dma source(%dma_start3A_957 : memref<40x50xi32, #tpu.memory_space<hbm>>) target(%arg6 : memref<40x50xi32, #tpu.memory_space<vmem>>) target_semaphore(%run_scoped3A_949 : memref<!tpu.dma_semaphore, #tpu.memory_space<semaphore_mem>>)
      %dma_wait3A_958 = arith.constant 0 : i32
      %dma_wait3A_959 = arith.constant 0 : i32
      %dma_wait3A_960 = tpu.memref_slice %arg2[%add3A, %run_scoped3A_398, %dma_wait3A_958, %dma_wait3A_959] : memref<32x5x40x50xi32, #tpu.memory_space<hbm>> -> memref<1x1x40x50xi32, #tpu.memory_space<hbm>>
      %dma_wait3A_961 = tpu.memref_squeeze %dma_wait3A_960 : memref<1x1x40x50xi32, #tpu.memory_space<hbm>> -> memref<40x50xi32, #tpu.memory_space<hbm>>
      %dma_wait3A_962 = arith.constant 0 : i32
      %dma_wait3A_963 = arith.constant 0 : i32
      %dma_wait3A_964 = tpu.memref_slice %arg2[%add3A, %run_scoped3A_398, %dma_wait3A_962, %dma_wait3A_963] : memref<32x5x40x50xi32, #tpu.memory_space<hbm>> -> memref<1x1x40x50xi32, #tpu.memory_space<hbm>>
      %dma_wait3A_965 = tpu.memref_squeeze %dma_wait3A_964 : memref<1x1x40x50xi32, #tpu.memory_space<hbm>> -> memref<40x50xi32, #tpu.memory_space<hbm>>
      tpu.wait_dma2 semaphore(%run_scoped3A_949 : memref<!tpu.dma_semaphore, #tpu.memory_space<semaphore_mem>>) src(%dma_wait3A_965 : memref<40x50xi32, #tpu.memory_space<hbm>>) dst(%arg6 : memref<40x50xi32, #tpu.memory_space<vmem>>)
      tpu.yield
    }) : () -> ()
    %run_scoped3A_399 = arith.constant 3 : i32
    "tpu.region"() ({
      %run_scoped3A_949 = tpu.sem_alloc : memref<!tpu.dma_semaphore, #tpu.memory_space<semaphore_mem>>
      %dma_start3A_950 = arith.constant 0 : i32
      %dma_start3A_951 = arith.constant 0 : i32
      %dma_start3A_952 = tpu.memref_slice %arg3[%add3A, %run_scoped3A_399, %dma_start3A_950, %dma_start3A_951] : memref<32x5x40x50xi32, #tpu.memory_space<hbm>> -> memref<1x1x40x50xi32, #tpu.memory_space<hbm>>
      %dma_start3A_953 = tpu.memref_squeeze %dma_start3A_952 : memref<1x1x40x50xi32, #tpu.memory_space<hbm>> -> memref<40x50xi32, #tpu.memory_space<hbm>>
      %dma_start3A_954 = arith.constant 0 : i32
      %dma_start3A_955 = arith.constant 0 : i32
      %dma_start3A_956 = tpu.memref_slice %arg3[%add3A, %run_scoped3A_399, %dma_start3A_954, %dma_start3A_955] : memref<32x5x40x50xi32, #tpu.memory_space<hbm>> -> memref<1x1x40x50xi32, #tpu.memory_space<hbm>>
      %dma_start3A_957 = tpu.memref_squeeze %dma_start3A_956 : memref<1x1x40x50xi32, #tpu.memory_space<hbm>> -> memref<40x50xi32, #tpu.memory_space<hbm>>
      tpu.enqueue_dma source(%dma_start3A_957 : memref<40x50xi32, #tpu.memory_space<hbm>>) target(%arg7 : memref<40x50xi32, #tpu.memory_space<vmem>>) target_semaphore(%run_scoped3A_949 : memref<!tpu.dma_semaphore, #tpu.memory_space<semaphore_mem>>)
      %dma_wait3A_958 = arith.constant 0 : i32
      %dma_wait3A_959 = arith.constant 0 : i32
      %dma_wait3A_960 = tpu.memref_slice %arg3[%add3A, %run_scoped3A_399, %dma_wait3A_958, %dma_wait3A_959] : memref<32x5x40x50xi32, #tpu.memory_space<hbm>> -> memref<1x1x40x50xi32, #tpu.memory_space<hbm>>
      %dma_wait3A_961 = tpu.memref_squeeze %dma_wait3A_960 : memref<1x1x40x50xi32, #tpu.memory_space<hbm>> -> memref<40x50xi32, #tpu.memory_space<hbm>>
      %dma_wait3A_962 = arith.constant 0 : i32
      %dma_wait3A_963 = arith.constant 0 : i32
      %dma_wait3A_964 = tpu.memref_slice %arg3[%add3A, %run_scoped3A_399, %dma_wait3A_962, %dma_wait3A_963] : memref<32x5x40x50xi32, #tpu.memory_space<hbm>> -> memref<1x1x40x50xi32, #tpu.memory_space<hbm>>
      %dma_wait3A_965 = tpu.memref_squeeze %dma_wait3A_964 : memref<1x1x40x50xi32, #tpu.memory_space<hbm>> -> memref<40x50xi32, #tpu.memory_space<hbm>>
      tpu.wait_dma2 semaphore(%run_scoped3A_949 : memref<!tpu.dma_semaphore, #tpu.memory_space<semaphore_mem>>) src(%dma_wait3A_965 : memref<40x50xi32, #tpu.memory_space<hbm>>) dst(%arg7 : memref<40x50xi32, #tpu.memory_space<vmem>>)
      tpu.yield
    }) : () -> ()
    %dma_start3A_400 = arith.constant 0 : i32
    %dma_start3A_401 = arith.constant 0 : i32
    %dma_start3A_402 = tpu.memref_slice %arg6[%dma_start3A_400, %dma_start3A_401] : memref<40x50xi32, #tpu.memory_space<vmem>> -> memref<1x50xi32, #tpu.memory_space<vmem>>
    %dma_start3A_403 = tpu.memref_squeeze %dma_start3A_402 : memref<1x50xi32, #tpu.memory_space<vmem>> -> memref<50xi32, #tpu.memory_space<vmem>>
    %dma_start3A_404 = arith.constant 0 : i32
    %dma_start3A_405 = arith.constant 0 : i32
    %dma_start3A_406 = tpu.memref_slice %arg4[%dma_start3A_404, %dma_start3A_405] : memref<10000x128xf32, #tpu.memory_space<hbm>> -> memref<10000x128xf32, #tpu.memory_space<hbm>>
    tpu.enqueue_indirect_dma source(%dma_start3A_406 : memref<10000x128xf32, #tpu.memory_space<hbm>>) target(%arg8 : memref<50x128xf32, #tpu.memory_space<vmem>>) offsets(%dma_start3A_403 : memref<50xi32, #tpu.memory_space<vmem>>) semaphore(%arg14 : memref<!tpu.dma_semaphore, #tpu.memory_space<semaphore_mem>>)
    %dma_start3A_407 = arith.constant 1 : i32
    %dma_start3A_408 = arith.constant 0 : i32
    %dma_start3A_409 = tpu.memref_slice %arg6[%dma_start3A_407, %dma_start3A_408] : memref<40x50xi32, #tpu.memory_space<vmem>> -> memref<1x50xi32, #tpu.memory_space<vmem>>
    %dma_start3A_410 = tpu.memref_squeeze %dma_start3A_409 : memref<1x50xi32, #tpu.memory_space<vmem>> -> memref<50xi32, #tpu.memory_space<vmem>>
    %dma_start3A_411 = arith.constant 0 : i32
    %dma_start3A_412 = arith.constant 0 : i32
    %dma_start3A_413 = tpu.memref_slice %arg4[%dma_start3A_411, %dma_start3A_412] : memref<10000x128xf32, #tpu.memory_space<hbm>> -> memref<10000x128xf32, #tpu.memory_space<hbm>>
    tpu.enqueue_indirect_dma source(%dma_start3A_413 : memref<10000x128xf32, #tpu.memory_space<hbm>>) target(%arg9 : memref<50x128xf32, #tpu.memory_space<vmem>>) offsets(%dma_start3A_410 : memref<50xi32, #tpu.memory_space<vmem>>) semaphore(%arg15 : memref<!tpu.dma_semaphore, #tpu.memory_space<semaphore_mem>>)
    %dma_start3A_414 = arith.constant 2 : i32
    %dma_start3A_415 = arith.constant 0 : i32
    %dma_start3A_416 = tpu.memref_slice %arg6[%dma_start3A_414, %dma_start3A_415] : memref<40x50xi32, #tpu.memory_space<vmem>> -> memref<1x50xi32, #tpu.memory_space<vmem>>
    %dma_start3A_417 = tpu.memref_squeeze %dma_start3A_416 : memref<1x50xi32, #tpu.memory_space<vmem>> -> memref<50xi32, #tpu.memory_space<vmem>>
    %dma_start3A_418 = arith.constant 0 : i32
    %dma_start3A_419 = arith.constant 0 : i32
    %dma_start3A_420 = tpu.memref_slice %arg4[%dma_start3A_418, %dma_start3A_419] : memref<10000x128xf32, #tpu.memory_space<hbm>> -> memref<10000x128xf32, #tpu.memory_space<hbm>>
    tpu.enqueue_indirect_dma source(%dma_start3A_420 : memref<10000x128xf32, #tpu.memory_space<hbm>>) target(%arg10 : memref<50x128xf32, #tpu.memory_space<vmem>>) offsets(%dma_start3A_417 : memref<50xi32, #tpu.memory_space<vmem>>) semaphore(%arg16 : memref<!tpu.dma_semaphore, #tpu.memory_space<semaphore_mem>>)
    %dma_start3A_421 = arith.constant 3 : i32
    %dma_start3A_422 = arith.constant 0 : i32
    %dma_start3A_423 = tpu.memref_slice %arg6[%dma_start3A_421, %dma_start3A_422] : memref<40x50xi32, #tpu.memory_space<vmem>> -> memref<1x50xi32, #tpu.memory_space<vmem>>
    %dma_start3A_424 = tpu.memref_squeeze %dma_start3A_423 : memref<1x50xi32, #tpu.memory_space<vmem>> -> memref<50xi32, #tpu.memory_space<vmem>>
    %dma_start3A_425 = arith.constant 0 : i32
    %dma_start3A_426 = arith.constant 0 : i32
    %dma_start3A_427 = tpu.memref_slice %arg4[%dma_start3A_425, %dma_start3A_426] : memref<10000x128xf32, #tpu.memory_space<hbm>> -> memref<10000x128xf32, #tpu.memory_space<hbm>>
    tpu.enqueue_indirect_dma source(%dma_start3A_427 : memref<10000x128xf32, #tpu.memory_space<hbm>>) target(%arg11 : memref<50x128xf32, #tpu.memory_space<vmem>>) offsets(%dma_start3A_424 : memref<50xi32, #tpu.memory_space<vmem>>) semaphore(%arg17 : memref<!tpu.dma_semaphore, #tpu.memory_space<semaphore_mem>>)
    %scan3A_428 = arith.constant 0 : i32
    %scan3A_429 = arith.constant 10 : i32
    %scan3A_430 = arith.addi %scan3A_428, %scan3A_429 : i32
    %scan3A_431 = arith.constant 1 : i32
    scf.for %scan3A_949 = %scan3A_428 to %scan3A_430 step %scan3A_431  : i32 {
      %mul3A_950 = arith.constant 4 : i32
      %mul3A_951 = arith.muli %mul3A_950, %scan3A_949 : i32
      %add3A_952 = arith.constant 0 : i32
      %add3A_953 = arith.addi %mul3A_951, %add3A_952 : i32
      %dma_wait3A_954 = arith.constant 0 : i32
      %dma_wait3A_955 = tpu.memref_slice %arg6[%add3A_953, %dma_wait3A_954] : memref<40x50xi32, #tpu.memory_space<vmem>> -> memref<1x50xi32, #tpu.memory_space<vmem>>
      %dma_wait3A_956 = tpu.memref_squeeze %dma_wait3A_955 : memref<1x50xi32, #tpu.memory_space<vmem>> -> memref<50xi32, #tpu.memory_space<vmem>>
      %dma_wait3A_957 = arith.constant 0 : i32
      %dma_wait3A_958 = arith.constant 0 : i32
      %dma_wait3A_959 = tpu.memref_slice %arg4[%dma_wait3A_957, %dma_wait3A_958] : memref<10000x128xf32, #tpu.memory_space<hbm>> -> memref<10000x128xf32, #tpu.memory_space<hbm>>
      tpu.wait_indirect_dma semaphore(%arg14 : memref<!tpu.dma_semaphore, #tpu.memory_space<semaphore_mem>>) src(%dma_wait3A_959 : memref<10000x128xf32, #tpu.memory_space<hbm>>) dst(%arg8 : memref<50x128xf32, #tpu.memory_space<vmem>>)
      "tpu.region"() ({
        %run_scoped3A_1009 = tpu.sem_alloc : memref<!tpu.dma_semaphore, #tpu.memory_space<semaphore_mem>>
        %dma_start3A_1010 = arith.constant 0 : i32
        %dma_start3A_1011 = tpu.memref_slice %arg7[%add3A_953, %dma_start3A_1010] : memref<40x50xi32, #tpu.memory_space<vmem>> -> memref<1x50xi32, #tpu.memory_space<vmem>>
        %dma_start3A_1012 = tpu.memref_squeeze %dma_start3A_1011 : memref<1x50xi32, #tpu.memory_space<vmem>> -> memref<50xi32, #tpu.memory_space<vmem>>
        %dma_start3A_1013 = arith.constant 0 : i32
        %dma_start3A_1014 = arith.constant 0 : i32
        %dma_start3A_1015 = tpu.memref_slice %arg13[%dma_start3A_1013, %dma_start3A_1014] : memref<10240x128xf32, #tpu.memory_space<vmem_shared>> -> memref<10240x128xf32, #tpu.memory_space<vmem_shared>>
        tpu.enqueue_indirect_dma source(%arg8 : memref<50x128xf32, #tpu.memory_space<vmem>>) target(%dma_start3A_1015 : memref<10240x128xf32, #tpu.memory_space<vmem_shared>>) offsets(%dma_start3A_1012 : memref<50xi32, #tpu.memory_space<vmem>>) semaphore(%run_scoped3A_1009 : memref<!tpu.dma_semaphore, #tpu.memory_space<semaphore_mem>>) {add = true}
        %dma_wait3A_1016 = arith.constant 0 : i32
        %dma_wait3A_1017 = tpu.memref_slice %arg7[%add3A_953, %dma_wait3A_1016] : memref<40x50xi32, #tpu.memory_space<vmem>> -> memref<1x50xi32, #tpu.memory_space<vmem>>
        %dma_wait3A_1018 = tpu.memref_squeeze %dma_wait3A_1017 : memref<1x50xi32, #tpu.memory_space<vmem>> -> memref<50xi32, #tpu.memory_space<vmem>>
        %dma_wait3A_1019 = arith.constant 0 : i32
        %dma_wait3A_1020 = arith.constant 0 : i32
        %dma_wait3A_1021 = tpu.memref_slice %arg13[%dma_wait3A_1019, %dma_wait3A_1020] : memref<10240x128xf32, #tpu.memory_space<vmem_shared>> -> memref<10240x128xf32, #tpu.memory_space<vmem_shared>>
        tpu.wait_indirect_dma semaphore(%run_scoped3A_1009 : memref<!tpu.dma_semaphore, #tpu.memory_space<semaphore_mem>>) src(%arg8 : memref<50x128xf32, #tpu.memory_space<vmem>>) dst(%dma_wait3A_1021 : memref<10240x128xf32, #tpu.memory_space<vmem_shared>>)
        tpu.yield
      }) : () -> ()
      %add3A_960 = arith.constant 4 : i32
      %add3A_961 = arith.addi %add3A_953, %add3A_960 : i32
      %lt3A = arith.constant 40 : i32
      %lt3A_962 = arith.cmpi slt, %add3A_961, %lt3A : i32
      %convert_element_type3A = arith.extui %lt3A_962 : i1 to i32
      %cond3A = arith.constant 0 : i32
      %cond3A_963 = arith.cmpi ne, %convert_element_type3A, %cond3A : i32
      scf.if %cond3A_963 {
        %add3A_1009 = arith.constant 4 : i32
        %add3A_1010 = arith.addi %add3A_953, %add3A_1009 : i32
        %dma_start3A_1011 = arith.constant 0 : i32
        %dma_start3A_1012 = tpu.memref_slice %arg6[%add3A_1010, %dma_start3A_1011] : memref<40x50xi32, #tpu.memory_space<vmem>> -> memref<1x50xi32, #tpu.memory_space<vmem>>
        %dma_start3A_1013 = tpu.memref_squeeze %dma_start3A_1012 : memref<1x50xi32, #tpu.memory_space<vmem>> -> memref<50xi32, #tpu.memory_space<vmem>>
        %dma_start3A_1014 = arith.constant 0 : i32
        %dma_start3A_1015 = arith.constant 0 : i32
        %dma_start3A_1016 = tpu.memref_slice %arg4[%dma_start3A_1014, %dma_start3A_1015] : memref<10000x128xf32, #tpu.memory_space<hbm>> -> memref<10000x128xf32, #tpu.memory_space<hbm>>
        tpu.enqueue_indirect_dma source(%dma_start3A_1016 : memref<10000x128xf32, #tpu.memory_space<hbm>>) target(%arg8 : memref<50x128xf32, #tpu.memory_space<vmem>>) offsets(%dma_start3A_1013 : memref<50xi32, #tpu.memory_space<vmem>>) semaphore(%arg14 : memref<!tpu.dma_semaphore, #tpu.memory_space<semaphore_mem>>)
      } else {
      }
      %add3A_964 = arith.constant 1 : i32
      %add3A_965 = arith.addi %mul3A_951, %add3A_964 : i32
      %dma_wait3A_966 = arith.constant 0 : i32
      %dma_wait3A_967 = tpu.memref_slice %arg6[%add3A_965, %dma_wait3A_966] : memref<40x50xi32, #tpu.memory_space<vmem>> -> memref<1x50xi32, #tpu.memory_space<vmem>>
      %dma_wait3A_968 = tpu.memref_squeeze %dma_wait3A_967 : memref<1x50xi32, #tpu.memory_space<vmem>> -> memref<50xi32, #tpu.memory_space<vmem>>
      %dma_wait3A_969 = arith.constant 0 : i32
      %dma_wait3A_970 = arith.constant 0 : i32
      %dma_wait3A_971 = tpu.memref_slice %arg4[%dma_wait3A_969, %dma_wait3A_970] : memref<10000x128xf32, #tpu.memory_space<hbm>> -> memref<10000x128xf32, #tpu.memory_space<hbm>>
      tpu.wait_indirect_dma semaphore(%arg15 : memref<!tpu.dma_semaphore, #tpu.memory_space<semaphore_mem>>) src(%dma_wait3A_971 : memref<10000x128xf32, #tpu.memory_space<hbm>>) dst(%arg9 : memref<50x128xf32, #tpu.memory_space<vmem>>)
      "tpu.region"() ({
        %run_scoped3A_1009 = tpu.sem_alloc : memref<!tpu.dma_semaphore, #tpu.memory_space<semaphore_mem>>
        %dma_start3A_1010 = arith.constant 0 : i32
        %dma_start3A_1011 = tpu.memref_slice %arg7[%add3A_965, %dma_start3A_1010] : memref<40x50xi32, #tpu.memory_space<vmem>> -> memref<1x50xi32, #tpu.memory_space<vmem>>
        %dma_start3A_1012 = tpu.memref_squeeze %dma_start3A_1011 : memref<1x50xi32, #tpu.memory_space<vmem>> -> memref<50xi32, #tpu.memory_space<vmem>>
        %dma_start3A_1013 = arith.constant 0 : i32
        %dma_start3A_1014 = arith.constant 0 : i32
        %dma_start3A_1015 = tpu.memref_slice %arg13[%dma_start3A_1013, %dma_start3A_1014] : memref<10240x128xf32, #tpu.memory_space<vmem_shared>> -> memref<10240x128xf32, #tpu.memory_space<vmem_shared>>
        tpu.enqueue_indirect_dma source(%arg9 : memref<50x128xf32, #tpu.memory_space<vmem>>) target(%dma_start3A_1015 : memref<10240x128xf32, #tpu.memory_space<vmem_shared>>) offsets(%dma_start3A_1012 : memref<50xi32, #tpu.memory_space<vmem>>) semaphore(%run_scoped3A_1009 : memref<!tpu.dma_semaphore, #tpu.memory_space<semaphore_mem>>) {add = true}
        %dma_wait3A_1016 = arith.constant 0 : i32
        %dma_wait3A_1017 = tpu.memref_slice %arg7[%add3A_965, %dma_wait3A_1016] : memref<40x50xi32, #tpu.memory_space<vmem>> -> memref<1x50xi32, #tpu.memory_space<vmem>>
        %dma_wait3A_1018 = tpu.memref_squeeze %dma_wait3A_1017 : memref<1x50xi32, #tpu.memory_space<vmem>> -> memref<50xi32, #tpu.memory_space<vmem>>
        %dma_wait3A_1019 = arith.constant 0 : i32
        %dma_wait3A_1020 = arith.constant 0 : i32
        %dma_wait3A_1021 = tpu.memref_slice %arg13[%dma_wait3A_1019, %dma_wait3A_1020] : memref<10240x128xf32, #tpu.memory_space<vmem_shared>> -> memref<10240x128xf32, #tpu.memory_space<vmem_shared>>
        tpu.wait_indirect_dma semaphore(%run_scoped3A_1009 : memref<!tpu.dma_semaphore, #tpu.memory_space<semaphore_mem>>) src(%arg9 : memref<50x128xf32, #tpu.memory_space<vmem>>) dst(%dma_wait3A_1021 : memref<10240x128xf32, #tpu.memory_space<vmem_shared>>)
        tpu.yield
      }) : () -> ()
      %add3A_972 = arith.constant 4 : i32
      %add3A_973 = arith.addi %add3A_965, %add3A_972 : i32
      %lt3A_974 = arith.constant 40 : i32
      %lt3A_975 = arith.cmpi slt, %add3A_973, %lt3A_974 : i32
      %convert_element_type3A_976 = arith.extui %lt3A_975 : i1 to i32
      %cond3A_977 = arith.constant 0 : i32
      %cond3A_978 = arith.cmpi ne, %convert_element_type3A_976, %cond3A_977 : i32
      scf.if %cond3A_978 {
        %add3A_1009 = arith.constant 4 : i32
        %add3A_1010 = arith.addi %add3A_965, %add3A_1009 : i32
        %dma_start3A_1011 = arith.constant 0 : i32
        %dma_start3A_1012 = tpu.memref_slice %arg6[%add3A_1010, %dma_start3A_1011] : memref<40x50xi32, #tpu.memory_space<vmem>> -> memref<1x50xi32, #tpu.memory_space<vmem>>
        %dma_start3A_1013 = tpu.memref_squeeze %dma_start3A_1012 : memref<1x50xi32, #tpu.memory_space<vmem>> -> memref<50xi32, #tpu.memory_space<vmem>>
        %dma_start3A_1014 = arith.constant 0 : i32
        %dma_start3A_1015 = arith.constant 0 : i32
        %dma_start3A_1016 = tpu.memref_slice %arg4[%dma_start3A_1014, %dma_start3A_1015] : memref<10000x128xf32, #tpu.memory_space<hbm>> -> memref<10000x128xf32, #tpu.memory_space<hbm>>
        tpu.enqueue_indirect_dma source(%dma_start3A_1016 : memref<10000x128xf32, #tpu.memory_space<hbm>>) target(%arg9 : memref<50x128xf32, #tpu.memory_space<vmem>>) offsets(%dma_start3A_1013 : memref<50xi32, #tpu.memory_space<vmem>>) semaphore(%arg15 : memref<!tpu.dma_semaphore, #tpu.memory_space<semaphore_mem>>)
      } else {
      }
      %add3A_979 = arith.constant 2 : i32
      %add3A_980 = arith.addi %mul3A_951, %add3A_979 : i32
      %dma_wait3A_981 = arith.constant 0 : i32
      %dma_wait3A_982 = tpu.memref_slice %arg6[%add3A_980, %dma_wait3A_981] : memref<40x50xi32, #tpu.memory_space<vmem>> -> memref<1x50xi32, #tpu.memory_space<vmem>>
      %dma_wait3A_983 = tpu.memref_squeeze %dma_wait3A_982 : memref<1x50xi32, #tpu.memory_space<vmem>> -> memref<50xi32, #tpu.memory_space<vmem>>
      %dma_wait3A_984 = arith.constant 0 : i32
      %dma_wait3A_985 = arith.constant 0 : i32
      %dma_wait3A_986 = tpu.memref_slice %arg4[%dma_wait3A_984, %dma_wait3A_985] : memref<10000x128xf32, #tpu.memory_space<hbm>> -> memref<10000x128xf32, #tpu.memory_space<hbm>>
      tpu.wait_indirect_dma semaphore(%arg16 : memref<!tpu.dma_semaphore, #tpu.memory_space<semaphore_mem>>) src(%dma_wait3A_986 : memref<10000x128xf32, #tpu.memory_space<hbm>>) dst(%arg10 : memref<50x128xf32, #tpu.memory_space<vmem>>)
      "tpu.region"() ({
        %run_scoped3A_1009 = tpu.sem_alloc : memref<!tpu.dma_semaphore, #tpu.memory_space<semaphore_mem>>
        %dma_start3A_1010 = arith.constant 0 : i32
        %dma_start3A_1011 = tpu.memref_slice %arg7[%add3A_980, %dma_start3A_1010] : memref<40x50xi32, #tpu.memory_space<vmem>> -> memref<1x50xi32, #tpu.memory_space<vmem>>
        %dma_start3A_1012 = tpu.memref_squeeze %dma_start3A_1011 : memref<1x50xi32, #tpu.memory_space<vmem>> -> memref<50xi32, #tpu.memory_space<vmem>>
        %dma_start3A_1013 = arith.constant 0 : i32
        %dma_start3A_1014 = arith.constant 0 : i32
        %dma_start3A_1015 = tpu.memref_slice %arg13[%dma_start3A_1013, %dma_start3A_1014] : memref<10240x128xf32, #tpu.memory_space<vmem_shared>> -> memref<10240x128xf32, #tpu.memory_space<vmem_shared>>
        tpu.enqueue_indirect_dma source(%arg10 : memref<50x128xf32, #tpu.memory_space<vmem>>) target(%dma_start3A_1015 : memref<10240x128xf32, #tpu.memory_space<vmem_shared>>) offsets(%dma_start3A_1012 : memref<50xi32, #tpu.memory_space<vmem>>) semaphore(%run_scoped3A_1009 : memref<!tpu.dma_semaphore, #tpu.memory_space<semaphore_mem>>) {add = true}
        %dma_wait3A_1016 = arith.constant 0 : i32
        %dma_wait3A_1017 = tpu.memref_slice %arg7[%add3A_980, %dma_wait3A_1016] : memref<40x50xi32, #tpu.memory_space<vmem>> -> memref<1x50xi32, #tpu.memory_space<vmem>>
        %dma_wait3A_1018 = tpu.memref_squeeze %dma_wait3A_1017 : memref<1x50xi32, #tpu.memory_space<vmem>> -> memref<50xi32, #tpu.memory_space<vmem>>
        %dma_wait3A_1019 = arith.constant 0 : i32
        %dma_wait3A_1020 = arith.constant 0 : i32
        %dma_wait3A_1021 = tpu.memref_slice %arg13[%dma_wait3A_1019, %dma_wait3A_1020] : memref<10240x128xf32, #tpu.memory_space<vmem_shared>> -> memref<10240x128xf32, #tpu.memory_space<vmem_shared>>
        tpu.wait_indirect_dma semaphore(%run_scoped3A_1009 : memref<!tpu.dma_semaphore, #tpu.memory_space<semaphore_mem>>) src(%arg10 : memref<50x128xf32, #tpu.memory_space<vmem>>) dst(%dma_wait3A_1021 : memref<10240x128xf32, #tpu.memory_space<vmem_shared>>)
        tpu.yield
      }) : () -> ()
      %add3A_987 = arith.constant 4 : i32
      %add3A_988 = arith.addi %add3A_980, %add3A_987 : i32
      %lt3A_989 = arith.constant 40 : i32
      %lt3A_990 = arith.cmpi slt, %add3A_988, %lt3A_989 : i32
      %convert_element_type3A_991 = arith.extui %lt3A_990 : i1 to i32
      %cond3A_992 = arith.constant 0 : i32
      %cond3A_993 = arith.cmpi ne, %convert_element_type3A_991, %cond3A_992 : i32
      scf.if %cond3A_993 {
        %add3A_1009 = arith.constant 4 : i32
        %add3A_1010 = arith.addi %add3A_980, %add3A_1009 : i32
        %dma_start3A_1011 = arith.constant 0 : i32
        %dma_start3A_1012 = tpu.memref_slice %arg6[%add3A_1010, %dma_start3A_1011] : memref<40x50xi32, #tpu.memory_space<vmem>> -> memref<1x50xi32, #tpu.memory_space<vmem>>
        %dma_start3A_1013 = tpu.memref_squeeze %dma_start3A_1012 : memref<1x50xi32, #tpu.memory_space<vmem>> -> memref<50xi32, #tpu.memory_space<vmem>>
        %dma_start3A_1014 = arith.constant 0 : i32
        %dma_start3A_1015 = arith.constant 0 : i32
        %dma_start3A_1016 = tpu.memref_slice %arg4[%dma_start3A_1014, %dma_start3A_1015] : memref<10000x128xf32, #tpu.memory_space<hbm>> -> memref<10000x128xf32, #tpu.memory_space<hbm>>
        tpu.enqueue_indirect_dma source(%dma_start3A_1016 : memref<10000x128xf32, #tpu.memory_space<hbm>>) target(%arg10 : memref<50x128xf32, #tpu.memory_space<vmem>>) offsets(%dma_start3A_1013 : memref<50xi32, #tpu.memory_space<vmem>>) semaphore(%arg16 : memref<!tpu.dma_semaphore, #tpu.memory_space<semaphore_mem>>)
      } else {
      }
      %add3A_994 = arith.constant 3 : i32
      %add3A_995 = arith.addi %mul3A_951, %add3A_994 : i32
      %dma_wait3A_996 = arith.constant 0 : i32
      %dma_wait3A_997 = tpu.memref_slice %arg6[%add3A_995, %dma_wait3A_996] : memref<40x50xi32, #tpu.memory_space<vmem>> -> memref<1x50xi32, #tpu.memory_space<vmem>>
      %dma_wait3A_998 = tpu.memref_squeeze %dma_wait3A_997 : memref<1x50xi32, #tpu.memory_space<vmem>> -> memref<50xi32, #tpu.memory_space<vmem>>
      %dma_wait3A_999 = arith.constant 0 : i32
      %dma_wait3A_1000 = arith.constant 0 : i32
      %dma_wait3A_1001 = tpu.memref_slice %arg4[%dma_wait3A_999, %dma_wait3A_1000] : memref<10000x128xf32, #tpu.memory_space<hbm>> -> memref<10000x128xf32, #tpu.memory_space<hbm>>
      tpu.wait_indirect_dma semaphore(%arg17 : memref<!tpu.dma_semaphore, #tpu.memory_space<semaphore_mem>>) src(%dma_wait3A_1001 : memref<10000x128xf32, #tpu.memory_space<hbm>>) dst(%arg11 : memref<50x128xf32, #tpu.memory_space<vmem>>)
      "tpu.region"() ({
        %run_scoped3A_1009 = tpu.sem_alloc : memref<!tpu.dma_semaphore, #tpu.memory_space<semaphore_mem>>
        %dma_start3A_1010 = arith.constant 0 : i32
        %dma_start3A_1011 = tpu.memref_slice %arg7[%add3A_995, %dma_start3A_1010] : memref<40x50xi32, #tpu.memory_space<vmem>> -> memref<1x50xi32, #tpu.memory_space<vmem>>
        %dma_start3A_1012 = tpu.memref_squeeze %dma_start3A_1011 : memref<1x50xi32, #tpu.memory_space<vmem>> -> memref<50xi32, #tpu.memory_space<vmem>>
        %dma_start3A_1013 = arith.constant 0 : i32
        %dma_start3A_1014 = arith.constant 0 : i32
        %dma_start3A_1015 = tpu.memref_slice %arg13[%dma_start3A_1013, %dma_start3A_1014] : memref<10240x128xf32, #tpu.memory_space<vmem_shared>> -> memref<10240x128xf32, #tpu.memory_space<vmem_shared>>
        tpu.enqueue_indirect_dma source(%arg11 : memref<50x128xf32, #tpu.memory_space<vmem>>) target(%dma_start3A_1015 : memref<10240x128xf32, #tpu.memory_space<vmem_shared>>) offsets(%dma_start3A_1012 : memref<50xi32, #tpu.memory_space<vmem>>) semaphore(%run_scoped3A_1009 : memref<!tpu.dma_semaphore, #tpu.memory_space<semaphore_mem>>) {add = true}
        %dma_wait3A_1016 = arith.constant 0 : i32
        %dma_wait3A_1017 = tpu.memref_slice %arg7[%add3A_995, %dma_wait3A_1016] : memref<40x50xi32, #tpu.memory_space<vmem>> -> memref<1x50xi32, #tpu.memory_space<vmem>>
        %dma_wait3A_1018 = tpu.memref_squeeze %dma_wait3A_1017 : memref<1x50xi32, #tpu.memory_space<vmem>> -> memref<50xi32, #tpu.memory_space<vmem>>
        %dma_wait3A_1019 = arith.constant 0 : i32
        %dma_wait3A_1020 = arith.constant 0 : i32
        %dma_wait3A_1021 = tpu.memref_slice %arg13[%dma_wait3A_1019, %dma_wait3A_1020] : memref<10240x128xf32, #tpu.memory_space<vmem_shared>> -> memref<10240x128xf32, #tpu.memory_space<vmem_shared>>
        tpu.wait_indirect_dma semaphore(%run_scoped3A_1009 : memref<!tpu.dma_semaphore, #tpu.memory_space<semaphore_mem>>) src(%arg11 : memref<50x128xf32, #tpu.memory_space<vmem>>) dst(%dma_wait3A_1021 : memref<10240x128xf32, #tpu.memory_space<vmem_shared>>)
        tpu.yield
      }) : () -> ()
      %add3A_1002 = arith.constant 4 : i32
      %add3A_1003 = arith.addi %add3A_995, %add3A_1002 : i32
      %lt3A_1004 = arith.constant 40 : i32
      %lt3A_1005 = arith.cmpi slt, %add3A_1003, %lt3A_1004 : i32
      %convert_element_type3A_1006 = arith.extui %lt3A_1005 : i1 to i32
      %cond3A_1007 = arith.constant 0 : i32
      %cond3A_1008 = arith.cmpi ne, %convert_element_type3A_1006, %cond3A_1007 : i32
      scf.if %cond3A_1008 {
        %add3A_1009 = arith.constant 4 : i32
        %add3A_1010 = arith.addi %add3A_995, %add3A_1009 : i32
        %dma_start3A_1011 = arith.constant 0 : i32
        %dma_start3A_1012 = tpu.memref_slice %arg6[%add3A_1010, %dma_start3A_1011] : memref<40x50xi32, #tpu.memory_space<vmem>> -> memref<1x50xi32, #tpu.memory_space<vmem>>
        %dma_start3A_1013 = tpu.memref_squeeze %dma_start3A_1012 : memref<1x50xi32, #tpu.memory_space<vmem>> -> memref<50xi32, #tpu.memory_space<vmem>>
        %dma_start3A_1014 = arith.constant 0 : i32
        %dma_start3A_1015 = arith.constant 0 : i32
        %dma_start3A_1016 = tpu.memref_slice %arg4[%dma_start3A_1014, %dma_start3A_1015] : memref<10000x128xf32, #tpu.memory_space<hbm>> -> memref<10000x128xf32, #tpu.memory_space<hbm>>
        tpu.enqueue_indirect_dma source(%dma_start3A_1016 : memref<10000x128xf32, #tpu.memory_space<hbm>>) target(%arg11 : memref<50x128xf32, #tpu.memory_space<vmem>>) offsets(%dma_start3A_1013 : memref<50xi32, #tpu.memory_space<vmem>>) semaphore(%arg17 : memref<!tpu.dma_semaphore, #tpu.memory_space<semaphore_mem>>)
      } else {
      }
    }
    %scan3A_432 = arith.constant 10 : i32
    %run_scoped3A_433 = arith.constant 4 : i32
    "tpu.region"() ({
      %run_scoped3A_949 = tpu.sem_alloc : memref<!tpu.dma_semaphore, #tpu.memory_space<semaphore_mem>>
      %dma_start3A_950 = arith.constant 0 : i32
      %dma_start3A_951 = arith.constant 0 : i32
      %dma_start3A_952 = tpu.memref_slice %arg2[%add3A, %run_scoped3A_433, %dma_start3A_950, %dma_start3A_951] : memref<32x5x40x50xi32, #tpu.memory_space<hbm>> -> memref<1x1x40x50xi32, #tpu.memory_space<hbm>>
      %dma_start3A_953 = tpu.memref_squeeze %dma_start3A_952 : memref<1x1x40x50xi32, #tpu.memory_space<hbm>> -> memref<40x50xi32, #tpu.memory_space<hbm>>
      %dma_start3A_954 = arith.constant 0 : i32
      %dma_start3A_955 = arith.constant 0 : i32
      %dma_start3A_956 = tpu.memref_slice %arg2[%add3A, %run_scoped3A_433, %dma_start3A_954, %dma_start3A_955] : memref<32x5x40x50xi32, #tpu.memory_space<hbm>> -> memref<1x1x40x50xi32, #tpu.memory_space<hbm>>
      %dma_start3A_957 = tpu.memref_squeeze %dma_start3A_956 : memref<1x1x40x50xi32, #tpu.memory_space<hbm>> -> memref<40x50xi32, #tpu.memory_space<hbm>>
      tpu.enqueue_dma source(%dma_start3A_957 : memref<40x50xi32, #tpu.memory_space<hbm>>) target(%arg6 : memref<40x50xi32, #tpu.memory_space<vmem>>) target_semaphore(%run_scoped3A_949 : memref<!tpu.dma_semaphore, #tpu.memory_space<semaphore_mem>>)
      %dma_wait3A_958 = arith.constant 0 : i32
      %dma_wait3A_959 = arith.constant 0 : i32
      %dma_wait3A_960 = tpu.memref_slice %arg2[%add3A, %run_scoped3A_433, %dma_wait3A_958, %dma_wait3A_959] : memref<32x5x40x50xi32, #tpu.memory_space<hbm>> -> memref<1x1x40x50xi32, #tpu.memory_space<hbm>>
      %dma_wait3A_961 = tpu.memref_squeeze %dma_wait3A_960 : memref<1x1x40x50xi32, #tpu.memory_space<hbm>> -> memref<40x50xi32, #tpu.memory_space<hbm>>
      %dma_wait3A_962 = arith.constant 0 : i32
      %dma_wait3A_963 = arith.constant 0 : i32
      %dma_wait3A_964 = tpu.memref_slice %arg2[%add3A, %run_scoped3A_433, %dma_wait3A_962, %dma_wait3A_963] : memref<32x5x40x50xi32, #tpu.memory_space<hbm>> -> memref<1x1x40x50xi32, #tpu.memory_space<hbm>>
      %dma_wait3A_965 = tpu.memref_squeeze %dma_wait3A_964 : memref<1x1x40x50xi32, #tpu.memory_space<hbm>> -> memref<40x50xi32, #tpu.memory_space<hbm>>
      tpu.wait_dma2 semaphore(%run_scoped3A_949 : memref<!tpu.dma_semaphore, #tpu.memory_space<semaphore_mem>>) src(%dma_wait3A_965 : memref<40x50xi32, #tpu.memory_space<hbm>>) dst(%arg6 : memref<40x50xi32, #tpu.memory_space<vmem>>)
      tpu.yield
    }) : () -> ()
    %run_scoped3A_434 = arith.constant 4 : i32
    "tpu.region"() ({
      %run_scoped3A_949 = tpu.sem_alloc : memref<!tpu.dma_semaphore, #tpu.memory_space<semaphore_mem>>
      %dma_start3A_950 = arith.constant 0 : i32
      %dma_start3A_951 = arith.constant 0 : i32
      %dma_start3A_952 = tpu.memref_slice %arg3[%add3A, %run_scoped3A_434, %dma_start3A_950, %dma_start3A_951] : memref<32x5x40x50xi32, #tpu.memory_space<hbm>> -> memref<1x1x40x50xi32, #tpu.memory_space<hbm>>
      %dma_start3A_953 = tpu.memref_squeeze %dma_start3A_952 : memref<1x1x40x50xi32, #tpu.memory_space<hbm>> -> memref<40x50xi32, #tpu.memory_space<hbm>>
      %dma_start3A_954 = arith.constant 0 : i32
      %dma_start3A_955 = arith.constant 0 : i32
      %dma_start3A_956 = tpu.memref_slice %arg3[%add3A, %run_scoped3A_434, %dma_start3A_954, %dma_start3A_955] : memref<32x5x40x50xi32, #tpu.memory_space<hbm>> -> memref<1x1x40x50xi32, #tpu.memory_space<hbm>>
      %dma_start3A_957 = tpu.memref_squeeze %dma_start3A_956 : memref<1x1x40x50xi32, #tpu.memory_space<hbm>> -> memref<40x50xi32, #tpu.memory_space<hbm>>
      tpu.enqueue_dma source(%dma_start3A_957 : memref<40x50xi32, #tpu.memory_space<hbm>>) target(%arg7 : memref<40x50xi32, #tpu.memory_space<vmem>>) target_semaphore(%run_scoped3A_949 : memref<!tpu.dma_semaphore, #tpu.memory_space<semaphore_mem>>)
      %dma_wait3A_958 = arith.constant 0 : i32
      %dma_wait3A_959 = arith.constant 0 : i32
      %dma_wait3A_960 = tpu.memref_slice %arg3[%add3A, %run_scoped3A_434, %dma_wait3A_958, %dma_wait3A_959] : memref<32x5x40x50xi32, #tpu.memory_space<hbm>> -> memref<1x1x40x50xi32, #tpu.memory_space<hbm>>
      %dma_wait3A_961 = tpu.memref_squeeze %dma_wait3A_960 : memref<1x1x40x50xi32, #tpu.memory_space<hbm>> -> memref<40x50xi32, #tpu.memory_space<hbm>>
      %dma_wait3A_962 = arith.constant 0 : i32
      %dma_wait3A_963 = arith.constant 0 : i32
      %dma_wait3A_964 = tpu.memref_slice %arg3[%add3A, %run_scoped3A_434, %dma_wait3A_962, %dma_wait3A_963] : memref<32x5x40x50xi32, #tpu.memory_space<hbm>> -> memref<1x1x40x50xi32, #tpu.memory_space<hbm>>
      %dma_wait3A_965 = tpu.memref_squeeze %dma_wait3A_964 : memref<1x1x40x50xi32, #tpu.memory_space<hbm>> -> memref<40x50xi32, #tpu.memory_space<hbm>>
      tpu.wait_dma2 semaphore(%run_scoped3A_949 : memref<!tpu.dma_semaphore, #tpu.memory_space<semaphore_mem>>) src(%dma_wait3A_965 : memref<40x50xi32, #tpu.memory_space<hbm>>) dst(%arg7 : memref<40x50xi32, #tpu.memory_space<vmem>>)
      tpu.yield
    }) : () -> ()
    %dma_start3A_435 = arith.constant 0 : i32
    %dma_start3A_436 = arith.constant 0 : i32
    %dma_start3A_437 = tpu.memref_slice %arg6[%dma_start3A_435, %dma_start3A_436] : memref<40x50xi32, #tpu.memory_space<vmem>> -> memref<1x50xi32, #tpu.memory_space<vmem>>
    %dma_start3A_438 = tpu.memref_squeeze %dma_start3A_437 : memref<1x50xi32, #tpu.memory_space<vmem>> -> memref<50xi32, #tpu.memory_space<vmem>>
    %dma_start3A_439 = arith.constant 0 : i32
    %dma_start3A_440 = arith.constant 0 : i32
    %dma_start3A_441 = tpu.memref_slice %arg4[%dma_start3A_439, %dma_start3A_440] : memref<10000x128xf32, #tpu.memory_space<hbm>> -> memref<10000x128xf32, #tpu.memory_space<hbm>>
    tpu.enqueue_indirect_dma source(%dma_start3A_441 : memref<10000x128xf32, #tpu.memory_space<hbm>>) target(%arg8 : memref<50x128xf32, #tpu.memory_space<vmem>>) offsets(%dma_start3A_438 : memref<50xi32, #tpu.memory_space<vmem>>) semaphore(%arg14 : memref<!tpu.dma_semaphore, #tpu.memory_space<semaphore_mem>>)
    %dma_start3A_442 = arith.constant 1 : i32
    %dma_start3A_443 = arith.constant 0 : i32
    %dma_start3A_444 = tpu.memref_slice %arg6[%dma_start3A_442, %dma_start3A_443] : memref<40x50xi32, #tpu.memory_space<vmem>> -> memref<1x50xi32, #tpu.memory_space<vmem>>
    %dma_start3A_445 = tpu.memref_squeeze %dma_start3A_444 : memref<1x50xi32, #tpu.memory_space<vmem>> -> memref<50xi32, #tpu.memory_space<vmem>>
    %dma_start3A_446 = arith.constant 0 : i32
    %dma_start3A_447 = arith.constant 0 : i32
    %dma_start3A_448 = tpu.memref_slice %arg4[%dma_start3A_446, %dma_start3A_447] : memref<10000x128xf32, #tpu.memory_space<hbm>> -> memref<10000x128xf32, #tpu.memory_space<hbm>>
    tpu.enqueue_indirect_dma source(%dma_start3A_448 : memref<10000x128xf32, #tpu.memory_space<hbm>>) target(%arg9 : memref<50x128xf32, #tpu.memory_space<vmem>>) offsets(%dma_start3A_445 : memref<50xi32, #tpu.memory_space<vmem>>) semaphore(%arg15 : memref<!tpu.dma_semaphore, #tpu.memory_space<semaphore_mem>>)
    %dma_start3A_449 = arith.constant 2 : i32
    %dma_start3A_450 = arith.constant 0 : i32
    %dma_start3A_451 = tpu.memref_slice %arg6[%dma_start3A_449, %dma_start3A_450] : memref<40x50xi32, #tpu.memory_space<vmem>> -> memref<1x50xi32, #tpu.memory_space<vmem>>
    %dma_start3A_452 = tpu.memref_squeeze %dma_start3A_451 : memref<1x50xi32, #tpu.memory_space<vmem>> -> memref<50xi32, #tpu.memory_space<vmem>>
    %dma_start3A_453 = arith.constant 0 : i32
    %dma_start3A_454 = arith.constant 0 : i32
    %dma_start3A_455 = tpu.memref_slice %arg4[%dma_start3A_453, %dma_start3A_454] : memref<10000x128xf32, #tpu.memory_space<hbm>> -> memref<10000x128xf32, #tpu.memory_space<hbm>>
    tpu.enqueue_indirect_dma source(%dma_start3A_455 : memref<10000x128xf32, #tpu.memory_space<hbm>>) target(%arg10 : memref<50x128xf32, #tpu.memory_space<vmem>>) offsets(%dma_start3A_452 : memref<50xi32, #tpu.memory_space<vmem>>) semaphore(%arg16 : memref<!tpu.dma_semaphore, #tpu.memory_space<semaphore_mem>>)
    %dma_start3A_456 = arith.constant 3 : i32
    %dma_start3A_457 = arith.constant 0 : i32
    %dma_start3A_458 = tpu.memref_slice %arg6[%dma_start3A_456, %dma_start3A_457] : memref<40x50xi32, #tpu.memory_space<vmem>> -> memref<1x50xi32, #tpu.memory_space<vmem>>
    %dma_start3A_459 = tpu.memref_squeeze %dma_start3A_458 : memref<1x50xi32, #tpu.memory_space<vmem>> -> memref<50xi32, #tpu.memory_space<vmem>>
    %dma_start3A_460 = arith.constant 0 : i32
    %dma_start3A_461 = arith.constant 0 : i32
    %dma_start3A_462 = tpu.memref_slice %arg4[%dma_start3A_460, %dma_start3A_461] : memref<10000x128xf32, #tpu.memory_space<hbm>> -> memref<10000x128xf32, #tpu.memory_space<hbm>>
    tpu.enqueue_indirect_dma source(%dma_start3A_462 : memref<10000x128xf32, #tpu.memory_space<hbm>>) target(%arg11 : memref<50x128xf32, #tpu.memory_space<vmem>>) offsets(%dma_start3A_459 : memref<50xi32, #tpu.memory_space<vmem>>) semaphore(%arg17 : memref<!tpu.dma_semaphore, #tpu.memory_space<semaphore_mem>>)
    %scan3A_463 = arith.constant 0 : i32
    %scan3A_464 = arith.constant 10 : i32
    %scan3A_465 = arith.addi %scan3A_463, %scan3A_464 : i32
    %scan3A_466 = arith.constant 1 : i32
    scf.for %scan3A_949 = %scan3A_463 to %scan3A_465 step %scan3A_466  : i32 {
      %mul3A_950 = arith.constant 4 : i32
      %mul3A_951 = arith.muli %mul3A_950, %scan3A_949 : i32
      %add3A_952 = arith.constant 0 : i32
      %add3A_953 = arith.addi %mul3A_951, %add3A_952 : i32
      %dma_wait3A_954 = arith.constant 0 : i32
      %dma_wait3A_955 = tpu.memref_slice %arg6[%add3A_953, %dma_wait3A_954] : memref<40x50xi32, #tpu.memory_space<vmem>> -> memref<1x50xi32, #tpu.memory_space<vmem>>
      %dma_wait3A_956 = tpu.memref_squeeze %dma_wait3A_955 : memref<1x50xi32, #tpu.memory_space<vmem>> -> memref<50xi32, #tpu.memory_space<vmem>>
      %dma_wait3A_957 = arith.constant 0 : i32
      %dma_wait3A_958 = arith.constant 0 : i32
      %dma_wait3A_959 = tpu.memref_slice %arg4[%dma_wait3A_957, %dma_wait3A_958] : memref<10000x128xf32, #tpu.memory_space<hbm>> -> memref<10000x128xf32, #tpu.memory_space<hbm>>
      tpu.wait_indirect_dma semaphore(%arg14 : memref<!tpu.dma_semaphore, #tpu.memory_space<semaphore_mem>>) src(%dma_wait3A_959 : memref<10000x128xf32, #tpu.memory_space<hbm>>) dst(%arg8 : memref<50x128xf32, #tpu.memory_space<vmem>>)
      "tpu.region"() ({
        %run_scoped3A_1009 = tpu.sem_alloc : memref<!tpu.dma_semaphore, #tpu.memory_space<semaphore_mem>>
        %dma_start3A_1010 = arith.constant 0 : i32
        %dma_start3A_1011 = tpu.memref_slice %arg7[%add3A_953, %dma_start3A_1010] : memref<40x50xi32, #tpu.memory_space<vmem>> -> memref<1x50xi32, #tpu.memory_space<vmem>>
        %dma_start3A_1012 = tpu.memref_squeeze %dma_start3A_1011 : memref<1x50xi32, #tpu.memory_space<vmem>> -> memref<50xi32, #tpu.memory_space<vmem>>
        %dma_start3A_1013 = arith.constant 0 : i32
        %dma_start3A_1014 = arith.constant 0 : i32
        %dma_start3A_1015 = tpu.memref_slice %arg13[%dma_start3A_1013, %dma_start3A_1014] : memref<10240x128xf32, #tpu.memory_space<vmem_shared>> -> memref<10240x128xf32, #tpu.memory_space<vmem_shared>>
        tpu.enqueue_indirect_dma source(%arg8 : memref<50x128xf32, #tpu.memory_space<vmem>>) target(%dma_start3A_1015 : memref<10240x128xf32, #tpu.memory_space<vmem_shared>>) offsets(%dma_start3A_1012 : memref<50xi32, #tpu.memory_space<vmem>>) semaphore(%run_scoped3A_1009 : memref<!tpu.dma_semaphore, #tpu.memory_space<semaphore_mem>>) {add = true}
        %dma_wait3A_1016 = arith.constant 0 : i32
        %dma_wait3A_1017 = tpu.memref_slice %arg7[%add3A_953, %dma_wait3A_1016] : memref<40x50xi32, #tpu.memory_space<vmem>> -> memref<1x50xi32, #tpu.memory_space<vmem>>
        %dma_wait3A_1018 = tpu.memref_squeeze %dma_wait3A_1017 : memref<1x50xi32, #tpu.memory_space<vmem>> -> memref<50xi32, #tpu.memory_space<vmem>>
        %dma_wait3A_1019 = arith.constant 0 : i32
        %dma_wait3A_1020 = arith.constant 0 : i32
        %dma_wait3A_1021 = tpu.memref_slice %arg13[%dma_wait3A_1019, %dma_wait3A_1020] : memref<10240x128xf32, #tpu.memory_space<vmem_shared>> -> memref<10240x128xf32, #tpu.memory_space<vmem_shared>>
        tpu.wait_indirect_dma semaphore(%run_scoped3A_1009 : memref<!tpu.dma_semaphore, #tpu.memory_space<semaphore_mem>>) src(%arg8 : memref<50x128xf32, #tpu.memory_space<vmem>>) dst(%dma_wait3A_1021 : memref<10240x128xf32, #tpu.memory_space<vmem_shared>>)
        tpu.yield
      }) : () -> ()
      %add3A_960 = arith.constant 4 : i32
      %add3A_961 = arith.addi %add3A_953, %add3A_960 : i32
      %lt3A = arith.constant 40 : i32
      %lt3A_962 = arith.cmpi slt, %add3A_961, %lt3A : i32
      %convert_element_type3A = arith.extui %lt3A_962 : i1 to i32
      %cond3A = arith.constant 0 : i32
      %cond3A_963 = arith.cmpi ne, %convert_element_type3A, %cond3A : i32
      scf.if %cond3A_963 {
        %add3A_1009 = arith.constant 4 : i32
        %add3A_1010 = arith.addi %add3A_953, %add3A_1009 : i32
        %dma_start3A_1011 = arith.constant 0 : i32
        %dma_start3A_1012 = tpu.memref_slice %arg6[%add3A_1010, %dma_start3A_1011] : memref<40x50xi32, #tpu.memory_space<vmem>> -> memref<1x50xi32, #tpu.memory_space<vmem>>
        %dma_start3A_1013 = tpu.memref_squeeze %dma_start3A_1012 : memref<1x50xi32, #tpu.memory_space<vmem>> -> memref<50xi32, #tpu.memory_space<vmem>>
        %dma_start3A_1014 = arith.constant 0 : i32
        %dma_start3A_1015 = arith.constant 0 : i32
        %dma_start3A_1016 = tpu.memref_slice %arg4[%dma_start3A_1014, %dma_start3A_1015] : memref<10000x128xf32, #tpu.memory_space<hbm>> -> memref<10000x128xf32, #tpu.memory_space<hbm>>
        tpu.enqueue_indirect_dma source(%dma_start3A_1016 : memref<10000x128xf32, #tpu.memory_space<hbm>>) target(%arg8 : memref<50x128xf32, #tpu.memory_space<vmem>>) offsets(%dma_start3A_1013 : memref<50xi32, #tpu.memory_space<vmem>>) semaphore(%arg14 : memref<!tpu.dma_semaphore, #tpu.memory_space<semaphore_mem>>)
      } else {
      }
      %add3A_964 = arith.constant 1 : i32
      %add3A_965 = arith.addi %mul3A_951, %add3A_964 : i32
      %dma_wait3A_966 = arith.constant 0 : i32
      %dma_wait3A_967 = tpu.memref_slice %arg6[%add3A_965, %dma_wait3A_966] : memref<40x50xi32, #tpu.memory_space<vmem>> -> memref<1x50xi32, #tpu.memory_space<vmem>>
      %dma_wait3A_968 = tpu.memref_squeeze %dma_wait3A_967 : memref<1x50xi32, #tpu.memory_space<vmem>> -> memref<50xi32, #tpu.memory_space<vmem>>
      %dma_wait3A_969 = arith.constant 0 : i32
      %dma_wait3A_970 = arith.constant 0 : i32
      %dma_wait3A_971 = tpu.memref_slice %arg4[%dma_wait3A_969, %dma_wait3A_970] : memref<10000x128xf32, #tpu.memory_space<hbm>> -> memref<10000x128xf32, #tpu.memory_space<hbm>>
      tpu.wait_indirect_dma semaphore(%arg15 : memref<!tpu.dma_semaphore, #tpu.memory_space<semaphore_mem>>) src(%dma_wait3A_971 : memref<10000x128xf32, #tpu.memory_space<hbm>>) dst(%arg9 : memref<50x128xf32, #tpu.memory_space<vmem>>)
      "tpu.region"() ({
        %run_scoped3A_1009 = tpu.sem_alloc : memref<!tpu.dma_semaphore, #tpu.memory_space<semaphore_mem>>
        %dma_start3A_1010 = arith.constant 0 : i32
        %dma_start3A_1011 = tpu.memref_slice %arg7[%add3A_965, %dma_start3A_1010] : memref<40x50xi32, #tpu.memory_space<vmem>> -> memref<1x50xi32, #tpu.memory_space<vmem>>
        %dma_start3A_1012 = tpu.memref_squeeze %dma_start3A_1011 : memref<1x50xi32, #tpu.memory_space<vmem>> -> memref<50xi32, #tpu.memory_space<vmem>>
        %dma_start3A_1013 = arith.constant 0 : i32
        %dma_start3A_1014 = arith.constant 0 : i32
        %dma_start3A_1015 = tpu.memref_slice %arg13[%dma_start3A_1013, %dma_start3A_1014] : memref<10240x128xf32, #tpu.memory_space<vmem_shared>> -> memref<10240x128xf32, #tpu.memory_space<vmem_shared>>
        tpu.enqueue_indirect_dma source(%arg9 : memref<50x128xf32, #tpu.memory_space<vmem>>) target(%dma_start3A_1015 : memref<10240x128xf32, #tpu.memory_space<vmem_shared>>) offsets(%dma_start3A_1012 : memref<50xi32, #tpu.memory_space<vmem>>) semaphore(%run_scoped3A_1009 : memref<!tpu.dma_semaphore, #tpu.memory_space<semaphore_mem>>) {add = true}
        %dma_wait3A_1016 = arith.constant 0 : i32
        %dma_wait3A_1017 = tpu.memref_slice %arg7[%add3A_965, %dma_wait3A_1016] : memref<40x50xi32, #tpu.memory_space<vmem>> -> memref<1x50xi32, #tpu.memory_space<vmem>>
        %dma_wait3A_1018 = tpu.memref_squeeze %dma_wait3A_1017 : memref<1x50xi32, #tpu.memory_space<vmem>> -> memref<50xi32, #tpu.memory_space<vmem>>
        %dma_wait3A_1019 = arith.constant 0 : i32
        %dma_wait3A_1020 = arith.constant 0 : i32
        %dma_wait3A_1021 = tpu.memref_slice %arg13[%dma_wait3A_1019, %dma_wait3A_1020] : memref<10240x128xf32, #tpu.memory_space<vmem_shared>> -> memref<10240x128xf32, #tpu.memory_space<vmem_shared>>
        tpu.wait_indirect_dma semaphore(%run_scoped3A_1009 : memref<!tpu.dma_semaphore, #tpu.memory_space<semaphore_mem>>) src(%arg9 : memref<50x128xf32, #tpu.memory_space<vmem>>) dst(%dma_wait3A_1021 : memref<10240x128xf32, #tpu.memory_space<vmem_shared>>)
        tpu.yield
      }) : () -> ()
      %add3A_972 = arith.constant 4 : i32
      %add3A_973 = arith.addi %add3A_965, %add3A_972 : i32
      %lt3A_974 = arith.constant 40 : i32
      %lt3A_975 = arith.cmpi slt, %add3A_973, %lt3A_974 : i32
      %convert_element_type3A_976 = arith.extui %lt3A_975 : i1 to i32
      %cond3A_977 = arith.constant 0 : i32
      %cond3A_978 = arith.cmpi ne, %convert_element_type3A_976, %cond3A_977 : i32
      scf.if %cond3A_978 {
        %add3A_1009 = arith.constant 4 : i32
        %add3A_1010 = arith.addi %add3A_965, %add3A_1009 : i32
        %dma_start3A_1011 = arith.constant 0 : i32
        %dma_start3A_1012 = tpu.memref_slice %arg6[%add3A_1010, %dma_start3A_1011] : memref<40x50xi32, #tpu.memory_space<vmem>> -> memref<1x50xi32, #tpu.memory_space<vmem>>
        %dma_start3A_1013 = tpu.memref_squeeze %dma_start3A_1012 : memref<1x50xi32, #tpu.memory_space<vmem>> -> memref<50xi32, #tpu.memory_space<vmem>>
        %dma_start3A_1014 = arith.constant 0 : i32
        %dma_start3A_1015 = arith.constant 0 : i32
        %dma_start3A_1016 = tpu.memref_slice %arg4[%dma_start3A_1014, %dma_start3A_1015] : memref<10000x128xf32, #tpu.memory_space<hbm>> -> memref<10000x128xf32, #tpu.memory_space<hbm>>
        tpu.enqueue_indirect_dma source(%dma_start3A_1016 : memref<10000x128xf32, #tpu.memory_space<hbm>>) target(%arg9 : memref<50x128xf32, #tpu.memory_space<vmem>>) offsets(%dma_start3A_1013 : memref<50xi32, #tpu.memory_space<vmem>>) semaphore(%arg15 : memref<!tpu.dma_semaphore, #tpu.memory_space<semaphore_mem>>)
      } else {
      }
      %add3A_979 = arith.constant 2 : i32
      %add3A_980 = arith.addi %mul3A_951, %add3A_979 : i32
      %dma_wait3A_981 = arith.constant 0 : i32
      %dma_wait3A_982 = tpu.memref_slice %arg6[%add3A_980, %dma_wait3A_981] : memref<40x50xi32, #tpu.memory_space<vmem>> -> memref<1x50xi32, #tpu.memory_space<vmem>>
      %dma_wait3A_983 = tpu.memref_squeeze %dma_wait3A_982 : memref<1x50xi32, #tpu.memory_space<vmem>> -> memref<50xi32, #tpu.memory_space<vmem>>
      %dma_wait3A_984 = arith.constant 0 : i32
      %dma_wait3A_985 = arith.constant 0 : i32
      %dma_wait3A_986 = tpu.memref_slice %arg4[%dma_wait3A_984, %dma_wait3A_985] : memref<10000x128xf32, #tpu.memory_space<hbm>> -> memref<10000x128xf32, #tpu.memory_space<hbm>>
      tpu.wait_indirect_dma semaphore(%arg16 : memref<!tpu.dma_semaphore, #tpu.memory_space<semaphore_mem>>) src(%dma_wait3A_986 : memref<10000x128xf32, #tpu.memory_space<hbm>>) dst(%arg10 : memref<50x128xf32, #tpu.memory_space<vmem>>)
      "tpu.region"() ({
        %run_scoped3A_1009 = tpu.sem_alloc : memref<!tpu.dma_semaphore, #tpu.memory_space<semaphore_mem>>
        %dma_start3A_1010 = arith.constant 0 : i32
        %dma_start3A_1011 = tpu.memref_slice %arg7[%add3A_980, %dma_start3A_1010] : memref<40x50xi32, #tpu.memory_space<vmem>> -> memref<1x50xi32, #tpu.memory_space<vmem>>
        %dma_start3A_1012 = tpu.memref_squeeze %dma_start3A_1011 : memref<1x50xi32, #tpu.memory_space<vmem>> -> memref<50xi32, #tpu.memory_space<vmem>>
        %dma_start3A_1013 = arith.constant 0 : i32
        %dma_start3A_1014 = arith.constant 0 : i32
        %dma_start3A_1015 = tpu.memref_slice %arg13[%dma_start3A_1013, %dma_start3A_1014] : memref<10240x128xf32, #tpu.memory_space<vmem_shared>> -> memref<10240x128xf32, #tpu.memory_space<vmem_shared>>
        tpu.enqueue_indirect_dma source(%arg10 : memref<50x128xf32, #tpu.memory_space<vmem>>) target(%dma_start3A_1015 : memref<10240x128xf32, #tpu.memory_space<vmem_shared>>) offsets(%dma_start3A_1012 : memref<50xi32, #tpu.memory_space<vmem>>) semaphore(%run_scoped3A_1009 : memref<!tpu.dma_semaphore, #tpu.memory_space<semaphore_mem>>) {add = true}
        %dma_wait3A_1016 = arith.constant 0 : i32
        %dma_wait3A_1017 = tpu.memref_slice %arg7[%add3A_980, %dma_wait3A_1016] : memref<40x50xi32, #tpu.memory_space<vmem>> -> memref<1x50xi32, #tpu.memory_space<vmem>>
        %dma_wait3A_1018 = tpu.memref_squeeze %dma_wait3A_1017 : memref<1x50xi32, #tpu.memory_space<vmem>> -> memref<50xi32, #tpu.memory_space<vmem>>
        %dma_wait3A_1019 = arith.constant 0 : i32
        %dma_wait3A_1020 = arith.constant 0 : i32
        %dma_wait3A_1021 = tpu.memref_slice %arg13[%dma_wait3A_1019, %dma_wait3A_1020] : memref<10240x128xf32, #tpu.memory_space<vmem_shared>> -> memref<10240x128xf32, #tpu.memory_space<vmem_shared>>
        tpu.wait_indirect_dma semaphore(%run_scoped3A_1009 : memref<!tpu.dma_semaphore, #tpu.memory_space<semaphore_mem>>) src(%arg10 : memref<50x128xf32, #tpu.memory_space<vmem>>) dst(%dma_wait3A_1021 : memref<10240x128xf32, #tpu.memory_space<vmem_shared>>)
        tpu.yield
      }) : () -> ()
      %add3A_987 = arith.constant 4 : i32
      %add3A_988 = arith.addi %add3A_980, %add3A_987 : i32
      %lt3A_989 = arith.constant 40 : i32
      %lt3A_990 = arith.cmpi slt, %add3A_988, %lt3A_989 : i32
      %convert_element_type3A_991 = arith.extui %lt3A_990 : i1 to i32
      %cond3A_992 = arith.constant 0 : i32
      %cond3A_993 = arith.cmpi ne, %convert_element_type3A_991, %cond3A_992 : i32
      scf.if %cond3A_993 {
        %add3A_1009 = arith.constant 4 : i32
        %add3A_1010 = arith.addi %add3A_980, %add3A_1009 : i32
        %dma_start3A_1011 = arith.constant 0 : i32
        %dma_start3A_1012 = tpu.memref_slice %arg6[%add3A_1010, %dma_start3A_1011] : memref<40x50xi32, #tpu.memory_space<vmem>> -> memref<1x50xi32, #tpu.memory_space<vmem>>
        %dma_start3A_1013 = tpu.memref_squeeze %dma_start3A_1012 : memref<1x50xi32, #tpu.memory_space<vmem>> -> memref<50xi32, #tpu.memory_space<vmem>>
        %dma_start3A_1014 = arith.constant 0 : i32
        %dma_start3A_1015 = arith.constant 0 : i32
        %dma_start3A_1016 = tpu.memref_slice %arg4[%dma_start3A_1014, %dma_start3A_1015] : memref<10000x128xf32, #tpu.memory_space<hbm>> -> memref<10000x128xf32, #tpu.memory_space<hbm>>
        tpu.enqueue_indirect_dma source(%dma_start3A_1016 : memref<10000x128xf32, #tpu.memory_space<hbm>>) target(%arg10 : memref<50x128xf32, #tpu.memory_space<vmem>>) offsets(%dma_start3A_1013 : memref<50xi32, #tpu.memory_space<vmem>>) semaphore(%arg16 : memref<!tpu.dma_semaphore, #tpu.memory_space<semaphore_mem>>)
      } else {
      }
      %add3A_994 = arith.constant 3 : i32
      %add3A_995 = arith.addi %mul3A_951, %add3A_994 : i32
      %dma_wait3A_996 = arith.constant 0 : i32
      %dma_wait3A_997 = tpu.memref_slice %arg6[%add3A_995, %dma_wait3A_996] : memref<40x50xi32, #tpu.memory_space<vmem>> -> memref<1x50xi32, #tpu.memory_space<vmem>>
      %dma_wait3A_998 = tpu.memref_squeeze %dma_wait3A_997 : memref<1x50xi32, #tpu.memory_space<vmem>> -> memref<50xi32, #tpu.memory_space<vmem>>
      %dma_wait3A_999 = arith.constant 0 : i32
      %dma_wait3A_1000 = arith.constant 0 : i32
      %dma_wait3A_1001 = tpu.memref_slice %arg4[%dma_wait3A_999, %dma_wait3A_1000] : memref<10000x128xf32, #tpu.memory_space<hbm>> -> memref<10000x128xf32, #tpu.memory_space<hbm>>
      tpu.wait_indirect_dma semaphore(%arg17 : memref<!tpu.dma_semaphore, #tpu.memory_space<semaphore_mem>>) src(%dma_wait3A_1001 : memref<10000x128xf32, #tpu.memory_space<hbm>>) dst(%arg11 : memref<50x128xf32, #tpu.memory_space<vmem>>)
      "tpu.region"() ({
        %run_scoped3A_1009 = tpu.sem_alloc : memref<!tpu.dma_semaphore, #tpu.memory_space<semaphore_mem>>
        %dma_start3A_1010 = arith.constant 0 : i32
        %dma_start3A_1011 = tpu.memref_slice %arg7[%add3A_995, %dma_start3A_1010] : memref<40x50xi32, #tpu.memory_space<vmem>> -> memref<1x50xi32, #tpu.memory_space<vmem>>
        %dma_start3A_1012 = tpu.memref_squeeze %dma_start3A_1011 : memref<1x50xi32, #tpu.memory_space<vmem>> -> memref<50xi32, #tpu.memory_space<vmem>>
        %dma_start3A_1013 = arith.constant 0 : i32
        %dma_start3A_1014 = arith.constant 0 : i32
        %dma_start3A_1015 = tpu.memref_slice %arg13[%dma_start3A_1013, %dma_start3A_1014] : memref<10240x128xf32, #tpu.memory_space<vmem_shared>> -> memref<10240x128xf32, #tpu.memory_space<vmem_shared>>
        tpu.enqueue_indirect_dma source(%arg11 : memref<50x128xf32, #tpu.memory_space<vmem>>) target(%dma_start3A_1015 : memref<10240x128xf32, #tpu.memory_space<vmem_shared>>) offsets(%dma_start3A_1012 : memref<50xi32, #tpu.memory_space<vmem>>) semaphore(%run_scoped3A_1009 : memref<!tpu.dma_semaphore, #tpu.memory_space<semaphore_mem>>) {add = true}
        %dma_wait3A_1016 = arith.constant 0 : i32
        %dma_wait3A_1017 = tpu.memref_slice %arg7[%add3A_995, %dma_wait3A_1016] : memref<40x50xi32, #tpu.memory_space<vmem>> -> memref<1x50xi32, #tpu.memory_space<vmem>>
        %dma_wait3A_1018 = tpu.memref_squeeze %dma_wait3A_1017 : memref<1x50xi32, #tpu.memory_space<vmem>> -> memref<50xi32, #tpu.memory_space<vmem>>
        %dma_wait3A_1019 = arith.constant 0 : i32
        %dma_wait3A_1020 = arith.constant 0 : i32
        %dma_wait3A_1021 = tpu.memref_slice %arg13[%dma_wait3A_1019, %dma_wait3A_1020] : memref<10240x128xf32, #tpu.memory_space<vmem_shared>> -> memref<10240x128xf32, #tpu.memory_space<vmem_shared>>
        tpu.wait_indirect_dma semaphore(%run_scoped3A_1009 : memref<!tpu.dma_semaphore, #tpu.memory_space<semaphore_mem>>) src(%arg11 : memref<50x128xf32, #tpu.memory_space<vmem>>) dst(%dma_wait3A_1021 : memref<10240x128xf32, #tpu.memory_space<vmem_shared>>)
        tpu.yield
      }) : () -> ()
      %add3A_1002 = arith.constant 4 : i32
      %add3A_1003 = arith.addi %add3A_995, %add3A_1002 : i32
      %lt3A_1004 = arith.constant 40 : i32
      %lt3A_1005 = arith.cmpi slt, %add3A_1003, %lt3A_1004 : i32
      %convert_element_type3A_1006 = arith.extui %lt3A_1005 : i1 to i32
      %cond3A_1007 = arith.constant 0 : i32
      %cond3A_1008 = arith.cmpi ne, %convert_element_type3A_1006, %cond3A_1007 : i32
      scf.if %cond3A_1008 {
        %add3A_1009 = arith.constant 4 : i32
        %add3A_1010 = arith.addi %add3A_995, %add3A_1009 : i32
        %dma_start3A_1011 = arith.constant 0 : i32
        %dma_start3A_1012 = tpu.memref_slice %arg6[%add3A_1010, %dma_start3A_1011] : memref<40x50xi32, #tpu.memory_space<vmem>> -> memref<1x50xi32, #tpu.memory_space<vmem>>
        %dma_start3A_1013 = tpu.memref_squeeze %dma_start3A_1012 : memref<1x50xi32, #tpu.memory_space<vmem>> -> memref<50xi32, #tpu.memory_space<vmem>>
        %dma_start3A_1014 = arith.constant 0 : i32
        %dma_start3A_1015 = arith.constant 0 : i32
        %dma_start3A_1016 = tpu.memref_slice %arg4[%dma_start3A_1014, %dma_start3A_1015] : memref<10000x128xf32, #tpu.memory_space<hbm>> -> memref<10000x128xf32, #tpu.memory_space<hbm>>
        tpu.enqueue_indirect_dma source(%dma_start3A_1016 : memref<10000x128xf32, #tpu.memory_space<hbm>>) target(%arg11 : memref<50x128xf32, #tpu.memory_space<vmem>>) offsets(%dma_start3A_1013 : memref<50xi32, #tpu.memory_space<vmem>>) semaphore(%arg17 : memref<!tpu.dma_semaphore, #tpu.memory_space<semaphore_mem>>)
      } else {
      }
    }
    %scan3A_467 = arith.constant 10 : i32
    %barrier3A_468 = arith.constant 0 : index
    tpu.barrier barrier_id(%barrier3A_468)
    %mul3A_469 = arith.constant 640 : i32
    %mul3A_470 = arith.muli %arg1, %mul3A_469 : i32
    %add3A_471 = arith.constant 0 : i32
    %add3A_472 = arith.addi %mul3A_470, %add3A_471 : i32
    %mul3A_473 = arith.constant 10240 : i32
    %mul3A_474 = arith.muli %arg0, %mul3A_473 : i32
    %mul3A_475 = arith.constant 640 : i32
    %mul3A_476 = arith.muli %arg1, %mul3A_475 : i32
    %add3A_477 = arith.addi %mul3A_474, %mul3A_476 : i32
    %add3A_478 = arith.constant 0 : i32
    %add3A_479 = arith.addi %add3A_477, %add3A_478 : i32
    %dma_start3A_480 = arith.constant 0 : i32
    %dma_start3A_481 = tpu.memref_slice %arg5[%add3A_479, %dma_start3A_480] : memref<20480x128xf32, #tpu.memory_space<hbm>> -> memref<40x128xf32, #tpu.memory_space<hbm>>
    %dma_start3A_482 = arith.constant 0 : i32
    %dma_start3A_483 = tpu.memref_slice %arg13[%add3A_472, %dma_start3A_482] : memref<10240x128xf32, #tpu.memory_space<vmem_shared>> -> memref<40x128xf32, #tpu.memory_space<vmem_shared>>
    tpu.enqueue_dma source(%dma_start3A_483 : memref<40x128xf32, #tpu.memory_space<vmem_shared>>) target(%dma_start3A_481 : memref<40x128xf32, #tpu.memory_space<hbm>>) target_semaphore(%arg18 : memref<!tpu.dma_semaphore, #tpu.memory_space<semaphore_mem>>)
    %mul3A_484 = arith.constant 640 : i32
    %mul3A_485 = arith.muli %arg1, %mul3A_484 : i32
    %add3A_486 = arith.constant 40 : i32
    %add3A_487 = arith.addi %mul3A_485, %add3A_486 : i32
    %mul3A_488 = arith.constant 10240 : i32
    %mul3A_489 = arith.muli %arg0, %mul3A_488 : i32
    %mul3A_490 = arith.constant 640 : i32
    %mul3A_491 = arith.muli %arg1, %mul3A_490 : i32
    %add3A_492 = arith.addi %mul3A_489, %mul3A_491 : i32
    %add3A_493 = arith.constant 40 : i32
    %add3A_494 = arith.addi %add3A_492, %add3A_493 : i32
    %dma_start3A_495 = arith.constant 0 : i32
    %dma_start3A_496 = tpu.memref_slice %arg5[%add3A_494, %dma_start3A_495] : memref<20480x128xf32, #tpu.memory_space<hbm>> -> memref<40x128xf32, #tpu.memory_space<hbm>>
    %dma_start3A_497 = arith.constant 0 : i32
    %dma_start3A_498 = tpu.memref_slice %arg13[%add3A_487, %dma_start3A_497] : memref<10240x128xf32, #tpu.memory_space<vmem_shared>> -> memref<40x128xf32, #tpu.memory_space<vmem_shared>>
    tpu.enqueue_dma source(%dma_start3A_498 : memref<40x128xf32, #tpu.memory_space<vmem_shared>>) target(%dma_start3A_496 : memref<40x128xf32, #tpu.memory_space<hbm>>) target_semaphore(%arg18 : memref<!tpu.dma_semaphore, #tpu.memory_space<semaphore_mem>>)
    %mul3A_499 = arith.constant 640 : i32
    %mul3A_500 = arith.muli %arg1, %mul3A_499 : i32
    %add3A_501 = arith.constant 80 : i32
    %add3A_502 = arith.addi %mul3A_500, %add3A_501 : i32
    %mul3A_503 = arith.constant 10240 : i32
    %mul3A_504 = arith.muli %arg0, %mul3A_503 : i32
    %mul3A_505 = arith.constant 640 : i32
    %mul3A_506 = arith.muli %arg1, %mul3A_505 : i32
    %add3A_507 = arith.addi %mul3A_504, %mul3A_506 : i32
    %add3A_508 = arith.constant 80 : i32
    %add3A_509 = arith.addi %add3A_507, %add3A_508 : i32
    %dma_start3A_510 = arith.constant 0 : i32
    %dma_start3A_511 = tpu.memref_slice %arg5[%add3A_509, %dma_start3A_510] : memref<20480x128xf32, #tpu.memory_space<hbm>> -> memref<40x128xf32, #tpu.memory_space<hbm>>
    %dma_start3A_512 = arith.constant 0 : i32
    %dma_start3A_513 = tpu.memref_slice %arg13[%add3A_502, %dma_start3A_512] : memref<10240x128xf32, #tpu.memory_space<vmem_shared>> -> memref<40x128xf32, #tpu.memory_space<vmem_shared>>
    tpu.enqueue_dma source(%dma_start3A_513 : memref<40x128xf32, #tpu.memory_space<vmem_shared>>) target(%dma_start3A_511 : memref<40x128xf32, #tpu.memory_space<hbm>>) target_semaphore(%arg18 : memref<!tpu.dma_semaphore, #tpu.memory_space<semaphore_mem>>)
    %mul3A_514 = arith.constant 640 : i32
    %mul3A_515 = arith.muli %arg1, %mul3A_514 : i32
    %add3A_516 = arith.constant 120 : i32
    %add3A_517 = arith.addi %mul3A_515, %add3A_516 : i32
    %mul3A_518 = arith.constant 10240 : i32
    %mul3A_519 = arith.muli %arg0, %mul3A_518 : i32
    %mul3A_520 = arith.constant 640 : i32
    %mul3A_521 = arith.muli %arg1, %mul3A_520 : i32
    %add3A_522 = arith.addi %mul3A_519, %mul3A_521 : i32
    %add3A_523 = arith.constant 120 : i32
    %add3A_524 = arith.addi %add3A_522, %add3A_523 : i32
    %dma_start3A_525 = arith.constant 0 : i32
    %dma_start3A_526 = tpu.memref_slice %arg5[%add3A_524, %dma_start3A_525] : memref<20480x128xf32, #tpu.memory_space<hbm>> -> memref<40x128xf32, #tpu.memory_space<hbm>>
    %dma_start3A_527 = arith.constant 0 : i32
    %dma_start3A_528 = tpu.memref_slice %arg13[%add3A_517, %dma_start3A_527] : memref<10240x128xf32, #tpu.memory_space<vmem_shared>> -> memref<40x128xf32, #tpu.memory_space<vmem_shared>>
    tpu.enqueue_dma source(%dma_start3A_528 : memref<40x128xf32, #tpu.memory_space<vmem_shared>>) target(%dma_start3A_526 : memref<40x128xf32, #tpu.memory_space<hbm>>) target_semaphore(%arg18 : memref<!tpu.dma_semaphore, #tpu.memory_space<semaphore_mem>>)
    %mul3A_529 = arith.constant 640 : i32
    %mul3A_530 = arith.muli %arg1, %mul3A_529 : i32
    %add3A_531 = arith.constant 160 : i32
    %add3A_532 = arith.addi %mul3A_530, %add3A_531 : i32
    %mul3A_533 = arith.constant 10240 : i32
    %mul3A_534 = arith.muli %arg0, %mul3A_533 : i32
    %mul3A_535 = arith.constant 640 : i32
    %mul3A_536 = arith.muli %arg1, %mul3A_535 : i32
    %add3A_537 = arith.addi %mul3A_534, %mul3A_536 : i32
    %add3A_538 = arith.constant 160 : i32
    %add3A_539 = arith.addi %add3A_537, %add3A_538 : i32
    %dma_start3A_540 = arith.constant 0 : i32
    %dma_start3A_541 = tpu.memref_slice %arg5[%add3A_539, %dma_start3A_540] : memref<20480x128xf32, #tpu.memory_space<hbm>> -> memref<40x128xf32, #tpu.memory_space<hbm>>
    %dma_start3A_542 = arith.constant 0 : i32
    %dma_start3A_543 = tpu.memref_slice %arg13[%add3A_532, %dma_start3A_542] : memref<10240x128xf32, #tpu.memory_space<vmem_shared>> -> memref<40x128xf32, #tpu.memory_space<vmem_shared>>
    tpu.enqueue_dma source(%dma_start3A_543 : memref<40x128xf32, #tpu.memory_space<vmem_shared>>) target(%dma_start3A_541 : memref<40x128xf32, #tpu.memory_space<hbm>>) target_semaphore(%arg18 : memref<!tpu.dma_semaphore, #tpu.memory_space<semaphore_mem>>)
    %mul3A_544 = arith.constant 640 : i32
    %mul3A_545 = arith.muli %arg1, %mul3A_544 : i32
    %add3A_546 = arith.constant 200 : i32
    %add3A_547 = arith.addi %mul3A_545, %add3A_546 : i32
    %mul3A_548 = arith.constant 10240 : i32
    %mul3A_549 = arith.muli %arg0, %mul3A_548 : i32
    %mul3A_550 = arith.constant 640 : i32
    %mul3A_551 = arith.muli %arg1, %mul3A_550 : i32
    %add3A_552 = arith.addi %mul3A_549, %mul3A_551 : i32
    %add3A_553 = arith.constant 200 : i32
    %add3A_554 = arith.addi %add3A_552, %add3A_553 : i32
    %dma_start3A_555 = arith.constant 0 : i32
    %dma_start3A_556 = tpu.memref_slice %arg5[%add3A_554, %dma_start3A_555] : memref<20480x128xf32, #tpu.memory_space<hbm>> -> memref<40x128xf32, #tpu.memory_space<hbm>>
    %dma_start3A_557 = arith.constant 0 : i32
    %dma_start3A_558 = tpu.memref_slice %arg13[%add3A_547, %dma_start3A_557] : memref<10240x128xf32, #tpu.memory_space<vmem_shared>> -> memref<40x128xf32, #tpu.memory_space<vmem_shared>>
    tpu.enqueue_dma source(%dma_start3A_558 : memref<40x128xf32, #tpu.memory_space<vmem_shared>>) target(%dma_start3A_556 : memref<40x128xf32, #tpu.memory_space<hbm>>) target_semaphore(%arg18 : memref<!tpu.dma_semaphore, #tpu.memory_space<semaphore_mem>>)
    %mul3A_559 = arith.constant 640 : i32
    %mul3A_560 = arith.muli %arg1, %mul3A_559 : i32
    %add3A_561 = arith.constant 240 : i32
    %add3A_562 = arith.addi %mul3A_560, %add3A_561 : i32
    %mul3A_563 = arith.constant 10240 : i32
    %mul3A_564 = arith.muli %arg0, %mul3A_563 : i32
    %mul3A_565 = arith.constant 640 : i32
    %mul3A_566 = arith.muli %arg1, %mul3A_565 : i32
    %add3A_567 = arith.addi %mul3A_564, %mul3A_566 : i32
    %add3A_568 = arith.constant 240 : i32
    %add3A_569 = arith.addi %add3A_567, %add3A_568 : i32
    %dma_start3A_570 = arith.constant 0 : i32
    %dma_start3A_571 = tpu.memref_slice %arg5[%add3A_569, %dma_start3A_570] : memref<20480x128xf32, #tpu.memory_space<hbm>> -> memref<40x128xf32, #tpu.memory_space<hbm>>
    %dma_start3A_572 = arith.constant 0 : i32
    %dma_start3A_573 = tpu.memref_slice %arg13[%add3A_562, %dma_start3A_572] : memref<10240x128xf32, #tpu.memory_space<vmem_shared>> -> memref<40x128xf32, #tpu.memory_space<vmem_shared>>
    tpu.enqueue_dma source(%dma_start3A_573 : memref<40x128xf32, #tpu.memory_space<vmem_shared>>) target(%dma_start3A_571 : memref<40x128xf32, #tpu.memory_space<hbm>>) target_semaphore(%arg18 : memref<!tpu.dma_semaphore, #tpu.memory_space<semaphore_mem>>)
    %mul3A_574 = arith.constant 640 : i32
    %mul3A_575 = arith.muli %arg1, %mul3A_574 : i32
    %add3A_576 = arith.constant 280 : i32
    %add3A_577 = arith.addi %mul3A_575, %add3A_576 : i32
    %mul3A_578 = arith.constant 10240 : i32
    %mul3A_579 = arith.muli %arg0, %mul3A_578 : i32
    %mul3A_580 = arith.constant 640 : i32
    %mul3A_581 = arith.muli %arg1, %mul3A_580 : i32
    %add3A_582 = arith.addi %mul3A_579, %mul3A_581 : i32
    %add3A_583 = arith.constant 280 : i32
    %add3A_584 = arith.addi %add3A_582, %add3A_583 : i32
    %dma_start3A_585 = arith.constant 0 : i32
    %dma_start3A_586 = tpu.memref_slice %arg5[%add3A_584, %dma_start3A_585] : memref<20480x128xf32, #tpu.memory_space<hbm>> -> memref<40x128xf32, #tpu.memory_space<hbm>>
    %dma_start3A_587 = arith.constant 0 : i32
    %dma_start3A_588 = tpu.memref_slice %arg13[%add3A_577, %dma_start3A_587] : memref<10240x128xf32, #tpu.memory_space<vmem_shared>> -> memref<40x128xf32, #tpu.memory_space<vmem_shared>>
    tpu.enqueue_dma source(%dma_start3A_588 : memref<40x128xf32, #tpu.memory_space<vmem_shared>>) target(%dma_start3A_586 : memref<40x128xf32, #tpu.memory_space<hbm>>) target_semaphore(%arg18 : memref<!tpu.dma_semaphore, #tpu.memory_space<semaphore_mem>>)
    %mul3A_589 = arith.constant 640 : i32
    %mul3A_590 = arith.muli %arg1, %mul3A_589 : i32
    %add3A_591 = arith.constant 320 : i32
    %add3A_592 = arith.addi %mul3A_590, %add3A_591 : i32
    %mul3A_593 = arith.constant 10240 : i32
    %mul3A_594 = arith.muli %arg0, %mul3A_593 : i32
    %mul3A_595 = arith.constant 640 : i32
    %mul3A_596 = arith.muli %arg1, %mul3A_595 : i32
    %add3A_597 = arith.addi %mul3A_594, %mul3A_596 : i32
    %add3A_598 = arith.constant 320 : i32
    %add3A_599 = arith.addi %add3A_597, %add3A_598 : i32
    %dma_start3A_600 = arith.constant 0 : i32
    %dma_start3A_601 = tpu.memref_slice %arg5[%add3A_599, %dma_start3A_600] : memref<20480x128xf32, #tpu.memory_space<hbm>> -> memref<40x128xf32, #tpu.memory_space<hbm>>
    %dma_start3A_602 = arith.constant 0 : i32
    %dma_start3A_603 = tpu.memref_slice %arg13[%add3A_592, %dma_start3A_602] : memref<10240x128xf32, #tpu.memory_space<vmem_shared>> -> memref<40x128xf32, #tpu.memory_space<vmem_shared>>
    tpu.enqueue_dma source(%dma_start3A_603 : memref<40x128xf32, #tpu.memory_space<vmem_shared>>) target(%dma_start3A_601 : memref<40x128xf32, #tpu.memory_space<hbm>>) target_semaphore(%arg18 : memref<!tpu.dma_semaphore, #tpu.memory_space<semaphore_mem>>)
    %mul3A_604 = arith.constant 640 : i32
    %mul3A_605 = arith.muli %arg1, %mul3A_604 : i32
    %add3A_606 = arith.constant 360 : i32
    %add3A_607 = arith.addi %mul3A_605, %add3A_606 : i32
    %mul3A_608 = arith.constant 10240 : i32
    %mul3A_609 = arith.muli %arg0, %mul3A_608 : i32
    %mul3A_610 = arith.constant 640 : i32
    %mul3A_611 = arith.muli %arg1, %mul3A_610 : i32
    %add3A_612 = arith.addi %mul3A_609, %mul3A_611 : i32
    %add3A_613 = arith.constant 360 : i32
    %add3A_614 = arith.addi %add3A_612, %add3A_613 : i32
    %dma_start3A_615 = arith.constant 0 : i32
    %dma_start3A_616 = tpu.memref_slice %arg5[%add3A_614, %dma_start3A_615] : memref<20480x128xf32, #tpu.memory_space<hbm>> -> memref<40x128xf32, #tpu.memory_space<hbm>>
    %dma_start3A_617 = arith.constant 0 : i32
    %dma_start3A_618 = tpu.memref_slice %arg13[%add3A_607, %dma_start3A_617] : memref<10240x128xf32, #tpu.memory_space<vmem_shared>> -> memref<40x128xf32, #tpu.memory_space<vmem_shared>>
    tpu.enqueue_dma source(%dma_start3A_618 : memref<40x128xf32, #tpu.memory_space<vmem_shared>>) target(%dma_start3A_616 : memref<40x128xf32, #tpu.memory_space<hbm>>) target_semaphore(%arg18 : memref<!tpu.dma_semaphore, #tpu.memory_space<semaphore_mem>>)
    %mul3A_619 = arith.constant 640 : i32
    %mul3A_620 = arith.muli %arg1, %mul3A_619 : i32
    %add3A_621 = arith.constant 400 : i32
    %add3A_622 = arith.addi %mul3A_620, %add3A_621 : i32
    %mul3A_623 = arith.constant 10240 : i32
    %mul3A_624 = arith.muli %arg0, %mul3A_623 : i32
    %mul3A_625 = arith.constant 640 : i32
    %mul3A_626 = arith.muli %arg1, %mul3A_625 : i32
    %add3A_627 = arith.addi %mul3A_624, %mul3A_626 : i32
    %add3A_628 = arith.constant 400 : i32
    %add3A_629 = arith.addi %add3A_627, %add3A_628 : i32
    %dma_start3A_630 = arith.constant 0 : i32
    %dma_start3A_631 = tpu.memref_slice %arg5[%add3A_629, %dma_start3A_630] : memref<20480x128xf32, #tpu.memory_space<hbm>> -> memref<40x128xf32, #tpu.memory_space<hbm>>
    %dma_start3A_632 = arith.constant 0 : i32
    %dma_start3A_633 = tpu.memref_slice %arg13[%add3A_622, %dma_start3A_632] : memref<10240x128xf32, #tpu.memory_space<vmem_shared>> -> memref<40x128xf32, #tpu.memory_space<vmem_shared>>
    tpu.enqueue_dma source(%dma_start3A_633 : memref<40x128xf32, #tpu.memory_space<vmem_shared>>) target(%dma_start3A_631 : memref<40x128xf32, #tpu.memory_space<hbm>>) target_semaphore(%arg18 : memref<!tpu.dma_semaphore, #tpu.memory_space<semaphore_mem>>)
    %mul3A_634 = arith.constant 640 : i32
    %mul3A_635 = arith.muli %arg1, %mul3A_634 : i32
    %add3A_636 = arith.constant 440 : i32
    %add3A_637 = arith.addi %mul3A_635, %add3A_636 : i32
    %mul3A_638 = arith.constant 10240 : i32
    %mul3A_639 = arith.muli %arg0, %mul3A_638 : i32
    %mul3A_640 = arith.constant 640 : i32
    %mul3A_641 = arith.muli %arg1, %mul3A_640 : i32
    %add3A_642 = arith.addi %mul3A_639, %mul3A_641 : i32
    %add3A_643 = arith.constant 440 : i32
    %add3A_644 = arith.addi %add3A_642, %add3A_643 : i32
    %dma_start3A_645 = arith.constant 0 : i32
    %dma_start3A_646 = tpu.memref_slice %arg5[%add3A_644, %dma_start3A_645] : memref<20480x128xf32, #tpu.memory_space<hbm>> -> memref<40x128xf32, #tpu.memory_space<hbm>>
    %dma_start3A_647 = arith.constant 0 : i32
    %dma_start3A_648 = tpu.memref_slice %arg13[%add3A_637, %dma_start3A_647] : memref<10240x128xf32, #tpu.memory_space<vmem_shared>> -> memref<40x128xf32, #tpu.memory_space<vmem_shared>>
    tpu.enqueue_dma source(%dma_start3A_648 : memref<40x128xf32, #tpu.memory_space<vmem_shared>>) target(%dma_start3A_646 : memref<40x128xf32, #tpu.memory_space<hbm>>) target_semaphore(%arg18 : memref<!tpu.dma_semaphore, #tpu.memory_space<semaphore_mem>>)
    %mul3A_649 = arith.constant 640 : i32
    %mul3A_650 = arith.muli %arg1, %mul3A_649 : i32
    %add3A_651 = arith.constant 480 : i32
    %add3A_652 = arith.addi %mul3A_650, %add3A_651 : i32
    %mul3A_653 = arith.constant 10240 : i32
    %mul3A_654 = arith.muli %arg0, %mul3A_653 : i32
    %mul3A_655 = arith.constant 640 : i32
    %mul3A_656 = arith.muli %arg1, %mul3A_655 : i32
    %add3A_657 = arith.addi %mul3A_654, %mul3A_656 : i32
    %add3A_658 = arith.constant 480 : i32
    %add3A_659 = arith.addi %add3A_657, %add3A_658 : i32
    %dma_start3A_660 = arith.constant 0 : i32
    %dma_start3A_661 = tpu.memref_slice %arg5[%add3A_659, %dma_start3A_660] : memref<20480x128xf32, #tpu.memory_space<hbm>> -> memref<40x128xf32, #tpu.memory_space<hbm>>
    %dma_start3A_662 = arith.constant 0 : i32
    %dma_start3A_663 = tpu.memref_slice %arg13[%add3A_652, %dma_start3A_662] : memref<10240x128xf32, #tpu.memory_space<vmem_shared>> -> memref<40x128xf32, #tpu.memory_space<vmem_shared>>
    tpu.enqueue_dma source(%dma_start3A_663 : memref<40x128xf32, #tpu.memory_space<vmem_shared>>) target(%dma_start3A_661 : memref<40x128xf32, #tpu.memory_space<hbm>>) target_semaphore(%arg18 : memref<!tpu.dma_semaphore, #tpu.memory_space<semaphore_mem>>)
    %mul3A_664 = arith.constant 640 : i32
    %mul3A_665 = arith.muli %arg1, %mul3A_664 : i32
    %add3A_666 = arith.constant 520 : i32
    %add3A_667 = arith.addi %mul3A_665, %add3A_666 : i32
    %mul3A_668 = arith.constant 10240 : i32
    %mul3A_669 = arith.muli %arg0, %mul3A_668 : i32
    %mul3A_670 = arith.constant 640 : i32
    %mul3A_671 = arith.muli %arg1, %mul3A_670 : i32
    %add3A_672 = arith.addi %mul3A_669, %mul3A_671 : i32
    %add3A_673 = arith.constant 520 : i32
    %add3A_674 = arith.addi %add3A_672, %add3A_673 : i32
    %dma_start3A_675 = arith.constant 0 : i32
    %dma_start3A_676 = tpu.memref_slice %arg5[%add3A_674, %dma_start3A_675] : memref<20480x128xf32, #tpu.memory_space<hbm>> -> memref<40x128xf32, #tpu.memory_space<hbm>>
    %dma_start3A_677 = arith.constant 0 : i32
    %dma_start3A_678 = tpu.memref_slice %arg13[%add3A_667, %dma_start3A_677] : memref<10240x128xf32, #tpu.memory_space<vmem_shared>> -> memref<40x128xf32, #tpu.memory_space<vmem_shared>>
    tpu.enqueue_dma source(%dma_start3A_678 : memref<40x128xf32, #tpu.memory_space<vmem_shared>>) target(%dma_start3A_676 : memref<40x128xf32, #tpu.memory_space<hbm>>) target_semaphore(%arg18 : memref<!tpu.dma_semaphore, #tpu.memory_space<semaphore_mem>>)
    %mul3A_679 = arith.constant 640 : i32
    %mul3A_680 = arith.muli %arg1, %mul3A_679 : i32
    %add3A_681 = arith.constant 560 : i32
    %add3A_682 = arith.addi %mul3A_680, %add3A_681 : i32
    %mul3A_683 = arith.constant 10240 : i32
    %mul3A_684 = arith.muli %arg0, %mul3A_683 : i32
    %mul3A_685 = arith.constant 640 : i32
    %mul3A_686 = arith.muli %arg1, %mul3A_685 : i32
    %add3A_687 = arith.addi %mul3A_684, %mul3A_686 : i32
    %add3A_688 = arith.constant 560 : i32
    %add3A_689 = arith.addi %add3A_687, %add3A_688 : i32
    %dma_start3A_690 = arith.constant 0 : i32
    %dma_start3A_691 = tpu.memref_slice %arg5[%add3A_689, %dma_start3A_690] : memref<20480x128xf32, #tpu.memory_space<hbm>> -> memref<40x128xf32, #tpu.memory_space<hbm>>
    %dma_start3A_692 = arith.constant 0 : i32
    %dma_start3A_693 = tpu.memref_slice %arg13[%add3A_682, %dma_start3A_692] : memref<10240x128xf32, #tpu.memory_space<vmem_shared>> -> memref<40x128xf32, #tpu.memory_space<vmem_shared>>
    tpu.enqueue_dma source(%dma_start3A_693 : memref<40x128xf32, #tpu.memory_space<vmem_shared>>) target(%dma_start3A_691 : memref<40x128xf32, #tpu.memory_space<hbm>>) target_semaphore(%arg18 : memref<!tpu.dma_semaphore, #tpu.memory_space<semaphore_mem>>)
    %mul3A_694 = arith.constant 640 : i32
    %mul3A_695 = arith.muli %arg1, %mul3A_694 : i32
    %add3A_696 = arith.constant 600 : i32
    %add3A_697 = arith.addi %mul3A_695, %add3A_696 : i32
    %mul3A_698 = arith.constant 10240 : i32
    %mul3A_699 = arith.muli %arg0, %mul3A_698 : i32
    %mul3A_700 = arith.constant 640 : i32
    %mul3A_701 = arith.muli %arg1, %mul3A_700 : i32
    %add3A_702 = arith.addi %mul3A_699, %mul3A_701 : i32
    %add3A_703 = arith.constant 600 : i32
    %add3A_704 = arith.addi %add3A_702, %add3A_703 : i32
    %dma_start3A_705 = arith.constant 0 : i32
    %dma_start3A_706 = tpu.memref_slice %arg5[%add3A_704, %dma_start3A_705] : memref<20480x128xf32, #tpu.memory_space<hbm>> -> memref<40x128xf32, #tpu.memory_space<hbm>>
    %dma_start3A_707 = arith.constant 0 : i32
    %dma_start3A_708 = tpu.memref_slice %arg13[%add3A_697, %dma_start3A_707] : memref<10240x128xf32, #tpu.memory_space<vmem_shared>> -> memref<40x128xf32, #tpu.memory_space<vmem_shared>>
    tpu.enqueue_dma source(%dma_start3A_708 : memref<40x128xf32, #tpu.memory_space<vmem_shared>>) target(%dma_start3A_706 : memref<40x128xf32, #tpu.memory_space<hbm>>) target_semaphore(%arg18 : memref<!tpu.dma_semaphore, #tpu.memory_space<semaphore_mem>>)
    %mul3A_709 = arith.constant 640 : i32
    %mul3A_710 = arith.muli %arg1, %mul3A_709 : i32
    %add3A_711 = arith.constant 0 : i32
    %add3A_712 = arith.addi %mul3A_710, %add3A_711 : i32
    %mul3A_713 = arith.constant 10240 : i32
    %mul3A_714 = arith.muli %arg0, %mul3A_713 : i32
    %mul3A_715 = arith.constant 640 : i32
    %mul3A_716 = arith.muli %arg1, %mul3A_715 : i32
    %add3A_717 = arith.addi %mul3A_714, %mul3A_716 : i32
    %add3A_718 = arith.constant 0 : i32
    %add3A_719 = arith.addi %add3A_717, %add3A_718 : i32
    %dma_wait3A_720 = arith.constant 0 : i32
    %dma_wait3A_721 = tpu.memref_slice %arg5[%add3A_719, %dma_wait3A_720] : memref<20480x128xf32, #tpu.memory_space<hbm>> -> memref<40x128xf32, #tpu.memory_space<hbm>>
    %dma_wait3A_722 = arith.constant 0 : i32
    %dma_wait3A_723 = tpu.memref_slice %arg13[%add3A_712, %dma_wait3A_722] : memref<10240x128xf32, #tpu.memory_space<vmem_shared>> -> memref<40x128xf32, #tpu.memory_space<vmem_shared>>
    tpu.wait_dma2 semaphore(%arg18 : memref<!tpu.dma_semaphore, #tpu.memory_space<semaphore_mem>>) src(%dma_wait3A_723 : memref<40x128xf32, #tpu.memory_space<vmem_shared>>) dst(%dma_wait3A_721 : memref<40x128xf32, #tpu.memory_space<hbm>>)
    %mul3A_724 = arith.constant 640 : i32
    %mul3A_725 = arith.muli %arg1, %mul3A_724 : i32
    %add3A_726 = arith.constant 40 : i32
    %add3A_727 = arith.addi %mul3A_725, %add3A_726 : i32
    %mul3A_728 = arith.constant 10240 : i32
    %mul3A_729 = arith.muli %arg0, %mul3A_728 : i32
    %mul3A_730 = arith.constant 640 : i32
    %mul3A_731 = arith.muli %arg1, %mul3A_730 : i32
    %add3A_732 = arith.addi %mul3A_729, %mul3A_731 : i32
    %add3A_733 = arith.constant 40 : i32
    %add3A_734 = arith.addi %add3A_732, %add3A_733 : i32
    %dma_wait3A_735 = arith.constant 0 : i32
    %dma_wait3A_736 = tpu.memref_slice %arg5[%add3A_734, %dma_wait3A_735] : memref<20480x128xf32, #tpu.memory_space<hbm>> -> memref<40x128xf32, #tpu.memory_space<hbm>>
    %dma_wait3A_737 = arith.constant 0 : i32
    %dma_wait3A_738 = tpu.memref_slice %arg13[%add3A_727, %dma_wait3A_737] : memref<10240x128xf32, #tpu.memory_space<vmem_shared>> -> memref<40x128xf32, #tpu.memory_space<vmem_shared>>
    tpu.wait_dma2 semaphore(%arg18 : memref<!tpu.dma_semaphore, #tpu.memory_space<semaphore_mem>>) src(%dma_wait3A_738 : memref<40x128xf32, #tpu.memory_space<vmem_shared>>) dst(%dma_wait3A_736 : memref<40x128xf32, #tpu.memory_space<hbm>>)
    %mul3A_739 = arith.constant 640 : i32
    %mul3A_740 = arith.muli %arg1, %mul3A_739 : i32
    %add3A_741 = arith.constant 80 : i32
    %add3A_742 = arith.addi %mul3A_740, %add3A_741 : i32
    %mul3A_743 = arith.constant 10240 : i32
    %mul3A_744 = arith.muli %arg0, %mul3A_743 : i32
    %mul3A_745 = arith.constant 640 : i32
    %mul3A_746 = arith.muli %arg1, %mul3A_745 : i32
    %add3A_747 = arith.addi %mul3A_744, %mul3A_746 : i32
    %add3A_748 = arith.constant 80 : i32
    %add3A_749 = arith.addi %add3A_747, %add3A_748 : i32
    %dma_wait3A_750 = arith.constant 0 : i32
    %dma_wait3A_751 = tpu.memref_slice %arg5[%add3A_749, %dma_wait3A_750] : memref<20480x128xf32, #tpu.memory_space<hbm>> -> memref<40x128xf32, #tpu.memory_space<hbm>>
    %dma_wait3A_752 = arith.constant 0 : i32
    %dma_wait3A_753 = tpu.memref_slice %arg13[%add3A_742, %dma_wait3A_752] : memref<10240x128xf32, #tpu.memory_space<vmem_shared>> -> memref<40x128xf32, #tpu.memory_space<vmem_shared>>
    tpu.wait_dma2 semaphore(%arg18 : memref<!tpu.dma_semaphore, #tpu.memory_space<semaphore_mem>>) src(%dma_wait3A_753 : memref<40x128xf32, #tpu.memory_space<vmem_shared>>) dst(%dma_wait3A_751 : memref<40x128xf32, #tpu.memory_space<hbm>>)
    %mul3A_754 = arith.constant 640 : i32
    %mul3A_755 = arith.muli %arg1, %mul3A_754 : i32
    %add3A_756 = arith.constant 120 : i32
    %add3A_757 = arith.addi %mul3A_755, %add3A_756 : i32
    %mul3A_758 = arith.constant 10240 : i32
    %mul3A_759 = arith.muli %arg0, %mul3A_758 : i32
    %mul3A_760 = arith.constant 640 : i32
    %mul3A_761 = arith.muli %arg1, %mul3A_760 : i32
    %add3A_762 = arith.addi %mul3A_759, %mul3A_761 : i32
    %add3A_763 = arith.constant 120 : i32
    %add3A_764 = arith.addi %add3A_762, %add3A_763 : i32
    %dma_wait3A_765 = arith.constant 0 : i32
    %dma_wait3A_766 = tpu.memref_slice %arg5[%add3A_764, %dma_wait3A_765] : memref<20480x128xf32, #tpu.memory_space<hbm>> -> memref<40x128xf32, #tpu.memory_space<hbm>>
    %dma_wait3A_767 = arith.constant 0 : i32
    %dma_wait3A_768 = tpu.memref_slice %arg13[%add3A_757, %dma_wait3A_767] : memref<10240x128xf32, #tpu.memory_space<vmem_shared>> -> memref<40x128xf32, #tpu.memory_space<vmem_shared>>
    tpu.wait_dma2 semaphore(%arg18 : memref<!tpu.dma_semaphore, #tpu.memory_space<semaphore_mem>>) src(%dma_wait3A_768 : memref<40x128xf32, #tpu.memory_space<vmem_shared>>) dst(%dma_wait3A_766 : memref<40x128xf32, #tpu.memory_space<hbm>>)
    %mul3A_769 = arith.constant 640 : i32
    %mul3A_770 = arith.muli %arg1, %mul3A_769 : i32
    %add3A_771 = arith.constant 160 : i32
    %add3A_772 = arith.addi %mul3A_770, %add3A_771 : i32
    %mul3A_773 = arith.constant 10240 : i32
    %mul3A_774 = arith.muli %arg0, %mul3A_773 : i32
    %mul3A_775 = arith.constant 640 : i32
    %mul3A_776 = arith.muli %arg1, %mul3A_775 : i32
    %add3A_777 = arith.addi %mul3A_774, %mul3A_776 : i32
    %add3A_778 = arith.constant 160 : i32
    %add3A_779 = arith.addi %add3A_777, %add3A_778 : i32
    %dma_wait3A_780 = arith.constant 0 : i32
    %dma_wait3A_781 = tpu.memref_slice %arg5[%add3A_779, %dma_wait3A_780] : memref<20480x128xf32, #tpu.memory_space<hbm>> -> memref<40x128xf32, #tpu.memory_space<hbm>>
    %dma_wait3A_782 = arith.constant 0 : i32
    %dma_wait3A_783 = tpu.memref_slice %arg13[%add3A_772, %dma_wait3A_782] : memref<10240x128xf32, #tpu.memory_space<vmem_shared>> -> memref<40x128xf32, #tpu.memory_space<vmem_shared>>
    tpu.wait_dma2 semaphore(%arg18 : memref<!tpu.dma_semaphore, #tpu.memory_space<semaphore_mem>>) src(%dma_wait3A_783 : memref<40x128xf32, #tpu.memory_space<vmem_shared>>) dst(%dma_wait3A_781 : memref<40x128xf32, #tpu.memory_space<hbm>>)
    %mul3A_784 = arith.constant 640 : i32
    %mul3A_785 = arith.muli %arg1, %mul3A_784 : i32
    %add3A_786 = arith.constant 200 : i32
    %add3A_787 = arith.addi %mul3A_785, %add3A_786 : i32
    %mul3A_788 = arith.constant 10240 : i32
    %mul3A_789 = arith.muli %arg0, %mul3A_788 : i32
    %mul3A_790 = arith.constant 640 : i32
    %mul3A_791 = arith.muli %arg1, %mul3A_790 : i32
    %add3A_792 = arith.addi %mul3A_789, %mul3A_791 : i32
    %add3A_793 = arith.constant 200 : i32
    %add3A_794 = arith.addi %add3A_792, %add3A_793 : i32
    %dma_wait3A_795 = arith.constant 0 : i32
    %dma_wait3A_796 = tpu.memref_slice %arg5[%add3A_794, %dma_wait3A_795] : memref<20480x128xf32, #tpu.memory_space<hbm>> -> memref<40x128xf32, #tpu.memory_space<hbm>>
    %dma_wait3A_797 = arith.constant 0 : i32
    %dma_wait3A_798 = tpu.memref_slice %arg13[%add3A_787, %dma_wait3A_797] : memref<10240x128xf32, #tpu.memory_space<vmem_shared>> -> memref<40x128xf32, #tpu.memory_space<vmem_shared>>
    tpu.wait_dma2 semaphore(%arg18 : memref<!tpu.dma_semaphore, #tpu.memory_space<semaphore_mem>>) src(%dma_wait3A_798 : memref<40x128xf32, #tpu.memory_space<vmem_shared>>) dst(%dma_wait3A_796 : memref<40x128xf32, #tpu.memory_space<hbm>>)
    %mul3A_799 = arith.constant 640 : i32
    %mul3A_800 = arith.muli %arg1, %mul3A_799 : i32
    %add3A_801 = arith.constant 240 : i32
    %add3A_802 = arith.addi %mul3A_800, %add3A_801 : i32
    %mul3A_803 = arith.constant 10240 : i32
    %mul3A_804 = arith.muli %arg0, %mul3A_803 : i32
    %mul3A_805 = arith.constant 640 : i32
    %mul3A_806 = arith.muli %arg1, %mul3A_805 : i32
    %add3A_807 = arith.addi %mul3A_804, %mul3A_806 : i32
    %add3A_808 = arith.constant 240 : i32
    %add3A_809 = arith.addi %add3A_807, %add3A_808 : i32
    %dma_wait3A_810 = arith.constant 0 : i32
    %dma_wait3A_811 = tpu.memref_slice %arg5[%add3A_809, %dma_wait3A_810] : memref<20480x128xf32, #tpu.memory_space<hbm>> -> memref<40x128xf32, #tpu.memory_space<hbm>>
    %dma_wait3A_812 = arith.constant 0 : i32
    %dma_wait3A_813 = tpu.memref_slice %arg13[%add3A_802, %dma_wait3A_812] : memref<10240x128xf32, #tpu.memory_space<vmem_shared>> -> memref<40x128xf32, #tpu.memory_space<vmem_shared>>
    tpu.wait_dma2 semaphore(%arg18 : memref<!tpu.dma_semaphore, #tpu.memory_space<semaphore_mem>>) src(%dma_wait3A_813 : memref<40x128xf32, #tpu.memory_space<vmem_shared>>) dst(%dma_wait3A_811 : memref<40x128xf32, #tpu.memory_space<hbm>>)
    %mul3A_814 = arith.constant 640 : i32
    %mul3A_815 = arith.muli %arg1, %mul3A_814 : i32
    %add3A_816 = arith.constant 280 : i32
    %add3A_817 = arith.addi %mul3A_815, %add3A_816 : i32
    %mul3A_818 = arith.constant 10240 : i32
    %mul3A_819 = arith.muli %arg0, %mul3A_818 : i32
    %mul3A_820 = arith.constant 640 : i32
    %mul3A_821 = arith.muli %arg1, %mul3A_820 : i32
    %add3A_822 = arith.addi %mul3A_819, %mul3A_821 : i32
    %add3A_823 = arith.constant 280 : i32
    %add3A_824 = arith.addi %add3A_822, %add3A_823 : i32
    %dma_wait3A_825 = arith.constant 0 : i32
    %dma_wait3A_826 = tpu.memref_slice %arg5[%add3A_824, %dma_wait3A_825] : memref<20480x128xf32, #tpu.memory_space<hbm>> -> memref<40x128xf32, #tpu.memory_space<hbm>>
    %dma_wait3A_827 = arith.constant 0 : i32
    %dma_wait3A_828 = tpu.memref_slice %arg13[%add3A_817, %dma_wait3A_827] : memref<10240x128xf32, #tpu.memory_space<vmem_shared>> -> memref<40x128xf32, #tpu.memory_space<vmem_shared>>
    tpu.wait_dma2 semaphore(%arg18 : memref<!tpu.dma_semaphore, #tpu.memory_space<semaphore_mem>>) src(%dma_wait3A_828 : memref<40x128xf32, #tpu.memory_space<vmem_shared>>) dst(%dma_wait3A_826 : memref<40x128xf32, #tpu.memory_space<hbm>>)
    %mul3A_829 = arith.constant 640 : i32
    %mul3A_830 = arith.muli %arg1, %mul3A_829 : i32
    %add3A_831 = arith.constant 320 : i32
    %add3A_832 = arith.addi %mul3A_830, %add3A_831 : i32
    %mul3A_833 = arith.constant 10240 : i32
    %mul3A_834 = arith.muli %arg0, %mul3A_833 : i32
    %mul3A_835 = arith.constant 640 : i32
    %mul3A_836 = arith.muli %arg1, %mul3A_835 : i32
    %add3A_837 = arith.addi %mul3A_834, %mul3A_836 : i32
    %add3A_838 = arith.constant 320 : i32
    %add3A_839 = arith.addi %add3A_837, %add3A_838 : i32
    %dma_wait3A_840 = arith.constant 0 : i32
    %dma_wait3A_841 = tpu.memref_slice %arg5[%add3A_839, %dma_wait3A_840] : memref<20480x128xf32, #tpu.memory_space<hbm>> -> memref<40x128xf32, #tpu.memory_space<hbm>>
    %dma_wait3A_842 = arith.constant 0 : i32
    %dma_wait3A_843 = tpu.memref_slice %arg13[%add3A_832, %dma_wait3A_842] : memref<10240x128xf32, #tpu.memory_space<vmem_shared>> -> memref<40x128xf32, #tpu.memory_space<vmem_shared>>
    tpu.wait_dma2 semaphore(%arg18 : memref<!tpu.dma_semaphore, #tpu.memory_space<semaphore_mem>>) src(%dma_wait3A_843 : memref<40x128xf32, #tpu.memory_space<vmem_shared>>) dst(%dma_wait3A_841 : memref<40x128xf32, #tpu.memory_space<hbm>>)
    %mul3A_844 = arith.constant 640 : i32
    %mul3A_845 = arith.muli %arg1, %mul3A_844 : i32
    %add3A_846 = arith.constant 360 : i32
    %add3A_847 = arith.addi %mul3A_845, %add3A_846 : i32
    %mul3A_848 = arith.constant 10240 : i32
    %mul3A_849 = arith.muli %arg0, %mul3A_848 : i32
    %mul3A_850 = arith.constant 640 : i32
    %mul3A_851 = arith.muli %arg1, %mul3A_850 : i32
    %add3A_852 = arith.addi %mul3A_849, %mul3A_851 : i32
    %add3A_853 = arith.constant 360 : i32
    %add3A_854 = arith.addi %add3A_852, %add3A_853 : i32
    %dma_wait3A_855 = arith.constant 0 : i32
    %dma_wait3A_856 = tpu.memref_slice %arg5[%add3A_854, %dma_wait3A_855] : memref<20480x128xf32, #tpu.memory_space<hbm>> -> memref<40x128xf32, #tpu.memory_space<hbm>>
    %dma_wait3A_857 = arith.constant 0 : i32
    %dma_wait3A_858 = tpu.memref_slice %arg13[%add3A_847, %dma_wait3A_857] : memref<10240x128xf32, #tpu.memory_space<vmem_shared>> -> memref<40x128xf32, #tpu.memory_space<vmem_shared>>
    tpu.wait_dma2 semaphore(%arg18 : memref<!tpu.dma_semaphore, #tpu.memory_space<semaphore_mem>>) src(%dma_wait3A_858 : memref<40x128xf32, #tpu.memory_space<vmem_shared>>) dst(%dma_wait3A_856 : memref<40x128xf32, #tpu.memory_space<hbm>>)
    %mul3A_859 = arith.constant 640 : i32
    %mul3A_860 = arith.muli %arg1, %mul3A_859 : i32
    %add3A_861 = arith.constant 400 : i32
    %add3A_862 = arith.addi %mul3A_860, %add3A_861 : i32
    %mul3A_863 = arith.constant 10240 : i32
    %mul3A_864 = arith.muli %arg0, %mul3A_863 : i32
    %mul3A_865 = arith.constant 640 : i32
    %mul3A_866 = arith.muli %arg1, %mul3A_865 : i32
    %add3A_867 = arith.addi %mul3A_864, %mul3A_866 : i32
    %add3A_868 = arith.constant 400 : i32
    %add3A_869 = arith.addi %add3A_867, %add3A_868 : i32
    %dma_wait3A_870 = arith.constant 0 : i32
    %dma_wait3A_871 = tpu.memref_slice %arg5[%add3A_869, %dma_wait3A_870] : memref<20480x128xf32, #tpu.memory_space<hbm>> -> memref<40x128xf32, #tpu.memory_space<hbm>>
    %dma_wait3A_872 = arith.constant 0 : i32
    %dma_wait3A_873 = tpu.memref_slice %arg13[%add3A_862, %dma_wait3A_872] : memref<10240x128xf32, #tpu.memory_space<vmem_shared>> -> memref<40x128xf32, #tpu.memory_space<vmem_shared>>
    tpu.wait_dma2 semaphore(%arg18 : memref<!tpu.dma_semaphore, #tpu.memory_space<semaphore_mem>>) src(%dma_wait3A_873 : memref<40x128xf32, #tpu.memory_space<vmem_shared>>) dst(%dma_wait3A_871 : memref<40x128xf32, #tpu.memory_space<hbm>>)
    %mul3A_874 = arith.constant 640 : i32
    %mul3A_875 = arith.muli %arg1, %mul3A_874 : i32
    %add3A_876 = arith.constant 440 : i32
    %add3A_877 = arith.addi %mul3A_875, %add3A_876 : i32
    %mul3A_878 = arith.constant 10240 : i32
    %mul3A_879 = arith.muli %arg0, %mul3A_878 : i32
    %mul3A_880 = arith.constant 640 : i32
    %mul3A_881 = arith.muli %arg1, %mul3A_880 : i32
    %add3A_882 = arith.addi %mul3A_879, %mul3A_881 : i32
    %add3A_883 = arith.constant 440 : i32
    %add3A_884 = arith.addi %add3A_882, %add3A_883 : i32
    %dma_wait3A_885 = arith.constant 0 : i32
    %dma_wait3A_886 = tpu.memref_slice %arg5[%add3A_884, %dma_wait3A_885] : memref<20480x128xf32, #tpu.memory_space<hbm>> -> memref<40x128xf32, #tpu.memory_space<hbm>>
    %dma_wait3A_887 = arith.constant 0 : i32
    %dma_wait3A_888 = tpu.memref_slice %arg13[%add3A_877, %dma_wait3A_887] : memref<10240x128xf32, #tpu.memory_space<vmem_shared>> -> memref<40x128xf32, #tpu.memory_space<vmem_shared>>
    tpu.wait_dma2 semaphore(%arg18 : memref<!tpu.dma_semaphore, #tpu.memory_space<semaphore_mem>>) src(%dma_wait3A_888 : memref<40x128xf32, #tpu.memory_space<vmem_shared>>) dst(%dma_wait3A_886 : memref<40x128xf32, #tpu.memory_space<hbm>>)
    %mul3A_889 = arith.constant 640 : i32
    %mul3A_890 = arith.muli %arg1, %mul3A_889 : i32
    %add3A_891 = arith.constant 480 : i32
    %add3A_892 = arith.addi %mul3A_890, %add3A_891 : i32
    %mul3A_893 = arith.constant 10240 : i32
    %mul3A_894 = arith.muli %arg0, %mul3A_893 : i32
    %mul3A_895 = arith.constant 640 : i32
    %mul3A_896 = arith.muli %arg1, %mul3A_895 : i32
    %add3A_897 = arith.addi %mul3A_894, %mul3A_896 : i32
    %add3A_898 = arith.constant 480 : i32
    %add3A_899 = arith.addi %add3A_897, %add3A_898 : i32
    %dma_wait3A_900 = arith.constant 0 : i32
    %dma_wait3A_901 = tpu.memref_slice %arg5[%add3A_899, %dma_wait3A_900] : memref<20480x128xf32, #tpu.memory_space<hbm>> -> memref<40x128xf32, #tpu.memory_space<hbm>>
    %dma_wait3A_902 = arith.constant 0 : i32
    %dma_wait3A_903 = tpu.memref_slice %arg13[%add3A_892, %dma_wait3A_902] : memref<10240x128xf32, #tpu.memory_space<vmem_shared>> -> memref<40x128xf32, #tpu.memory_space<vmem_shared>>
    tpu.wait_dma2 semaphore(%arg18 : memref<!tpu.dma_semaphore, #tpu.memory_space<semaphore_mem>>) src(%dma_wait3A_903 : memref<40x128xf32, #tpu.memory_space<vmem_shared>>) dst(%dma_wait3A_901 : memref<40x128xf32, #tpu.memory_space<hbm>>)
    %mul3A_904 = arith.constant 640 : i32
    %mul3A_905 = arith.muli %arg1, %mul3A_904 : i32
    %add3A_906 = arith.constant 520 : i32
    %add3A_907 = arith.addi %mul3A_905, %add3A_906 : i32
    %mul3A_908 = arith.constant 10240 : i32
    %mul3A_909 = arith.muli %arg0, %mul3A_908 : i32
    %mul3A_910 = arith.constant 640 : i32
    %mul3A_911 = arith.muli %arg1, %mul3A_910 : i32
    %add3A_912 = arith.addi %mul3A_909, %mul3A_911 : i32
    %add3A_913 = arith.constant 520 : i32
    %add3A_914 = arith.addi %add3A_912, %add3A_913 : i32
    %dma_wait3A_915 = arith.constant 0 : i32
    %dma_wait3A_916 = tpu.memref_slice %arg5[%add3A_914, %dma_wait3A_915] : memref<20480x128xf32, #tpu.memory_space<hbm>> -> memref<40x128xf32, #tpu.memory_space<hbm>>
    %dma_wait3A_917 = arith.constant 0 : i32
    %dma_wait3A_918 = tpu.memref_slice %arg13[%add3A_907, %dma_wait3A_917] : memref<10240x128xf32, #tpu.memory_space<vmem_shared>> -> memref<40x128xf32, #tpu.memory_space<vmem_shared>>
    tpu.wait_dma2 semaphore(%arg18 : memref<!tpu.dma_semaphore, #tpu.memory_space<semaphore_mem>>) src(%dma_wait3A_918 : memref<40x128xf32, #tpu.memory_space<vmem_shared>>) dst(%dma_wait3A_916 : memref<40x128xf32, #tpu.memory_space<hbm>>)
    %mul3A_919 = arith.constant 640 : i32
    %mul3A_920 = arith.muli %arg1, %mul3A_919 : i32
    %add3A_921 = arith.constant 560 : i32
    %add3A_922 = arith.addi %mul3A_920, %add3A_921 : i32
    %mul3A_923 = arith.constant 10240 : i32
    %mul3A_924 = arith.muli %arg0, %mul3A_923 : i32
    %mul3A_925 = arith.constant 640 : i32
    %mul3A_926 = arith.muli %arg1, %mul3A_925 : i32
    %add3A_927 = arith.addi %mul3A_924, %mul3A_926 : i32
    %add3A_928 = arith.constant 560 : i32
    %add3A_929 = arith.addi %add3A_927, %add3A_928 : i32
    %dma_wait3A_930 = arith.constant 0 : i32
    %dma_wait3A_931 = tpu.memref_slice %arg5[%add3A_929, %dma_wait3A_930] : memref<20480x128xf32, #tpu.memory_space<hbm>> -> memref<40x128xf32, #tpu.memory_space<hbm>>
    %dma_wait3A_932 = arith.constant 0 : i32
    %dma_wait3A_933 = tpu.memref_slice %arg13[%add3A_922, %dma_wait3A_932] : memref<10240x128xf32, #tpu.memory_space<vmem_shared>> -> memref<40x128xf32, #tpu.memory_space<vmem_shared>>
    tpu.wait_dma2 semaphore(%arg18 : memref<!tpu.dma_semaphore, #tpu.memory_space<semaphore_mem>>) src(%dma_wait3A_933 : memref<40x128xf32, #tpu.memory_space<vmem_shared>>) dst(%dma_wait3A_931 : memref<40x128xf32, #tpu.memory_space<hbm>>)
    %mul3A_934 = arith.constant 640 : i32
    %mul3A_935 = arith.muli %arg1, %mul3A_934 : i32
    %add3A_936 = arith.constant 600 : i32
    %add3A_937 = arith.addi %mul3A_935, %add3A_936 : i32
    %mul3A_938 = arith.constant 10240 : i32
    %mul3A_939 = arith.muli %arg0, %mul3A_938 : i32
    %mul3A_940 = arith.constant 640 : i32
    %mul3A_941 = arith.muli %arg1, %mul3A_940 : i32
    %add3A_942 = arith.addi %mul3A_939, %mul3A_941 : i32
    %add3A_943 = arith.constant 600 : i32
    %add3A_944 = arith.addi %add3A_942, %add3A_943 : i32
    %dma_wait3A_945 = arith.constant 0 : i32
    %dma_wait3A_946 = tpu.memref_slice %arg5[%add3A_944, %dma_wait3A_945] : memref<20480x128xf32, #tpu.memory_space<hbm>> -> memref<40x128xf32, #tpu.memory_space<hbm>>
    %dma_wait3A_947 = arith.constant 0 : i32
    %dma_wait3A_948 = tpu.memref_slice %arg13[%add3A_937, %dma_wait3A_947] : memref<10240x128xf32, #tpu.memory_space<vmem_shared>> -> memref<40x128xf32, #tpu.memory_space<vmem_shared>>
    tpu.wait_dma2 semaphore(%arg18 : memref<!tpu.dma_semaphore, #tpu.memory_space<semaphore_mem>>) src(%dma_wait3A_948 : memref<40x128xf32, #tpu.memory_space<vmem_shared>>) dst(%dma_wait3A_946 : memref<40x128xf32, #tpu.memory_space<hbm>>)
    return
  }
}

module attributes {stable_mosaic.version = 14 : i64} {
  func.func @_combine_body(%arg0: i32, %arg1: memref<1xf32, #tpu.memory_space<smem>>, %arg2: memref<80x128xf32, #tpu.memory_space<vmem>>, %arg3: memref<80x128xf32, #tpu.memory_space<vmem>>, %arg4: memref<80x128xf32, #tpu.memory_space<vmem>>, %arg5: memref<80x128xf32, #tpu.memory_space<vmem>>) attributes {dimension_semantics = [#tpu.dimension_semantics<arbitrary>], iteration_bounds = array<i64: 125>, scalar_prefetch = 0 : i64, scratch_operands = 0 : i64, tpu.core_type = #tpu.core_type<tc>, window_params = [{transform_indices = @transform_0, window_bounds = array<i64: 1>}, {transform_indices = @transform_1, window_bounds = array<i64: 80, 128>}, {transform_indices = @transform_2, window_bounds = array<i64: 80, 128>}, {transform_indices = @transform_3, window_bounds = array<i64: 80, 128>}, {transform_indices = @transform_4, window_bounds = array<i64: 80, 128>}]} {
    %get3A = arith.constant 0 : index
    %get3A_0 = memref.load %arg1[%get3A] : memref<1xf32, #tpu.memory_space<smem>>
    %add3A = arith.constant 1.000000e+00 : f32
    %add3A_1 = arith.addf %add3A, %get3A_0 : f32
    %get3A_2 = arith.constant 0 : index
    %get3A_3 = arith.constant 0 : index
    %get3A_4 = vector.load %arg2[%get3A_2, %get3A_3] : memref<80x128xf32, #tpu.memory_space<vmem>>, vector<80x128xf32>
    %mul3A = vector.broadcast %add3A_1 : f32 to vector<80x128xf32>
    %mul3A_5 = arith.mulf %mul3A, %get3A_4 : vector<80x128xf32>
    %get3A_6 = arith.constant 0 : index
    %get3A_7 = arith.constant 0 : index
    %get3A_8 = vector.load %arg3[%get3A_6, %get3A_7] : memref<80x128xf32, #tpu.memory_space<vmem>>, vector<80x128xf32>
    %add3A_9 = arith.addf %mul3A_5, %get3A_8 : vector<80x128xf32>
    %get3A_10 = arith.constant 0 : index
    %get3A_11 = arith.constant 0 : index
    %get3A_12 = vector.load %arg4[%get3A_10, %get3A_11] : memref<80x128xf32, #tpu.memory_space<vmem>>, vector<80x128xf32>
    %add3A_13 = arith.addf %add3A_9, %get3A_12 : vector<80x128xf32>
    %swap3A = arith.constant 0 : index
    %swap3A_14 = arith.constant 0 : index
    %swap3A_15 = vector.load %arg5[%swap3A, %swap3A_14] : memref<80x128xf32, #tpu.memory_space<vmem>>, vector<80x128xf32>
    tpu.vector_store %arg5[%swap3A, %swap3A_14], %add3A_13 {strides = array<i32>} : memref<80x128xf32, #tpu.memory_space<vmem>>, vector<80x128xf32>,
    return
  }
  func.func @transform_0(%arg0: i32) -> i32 {
    %c0_i32 = arith.constant 0 : i32
    %c0_i32_0 = arith.constant 0 : i32
    return %c0_i32 : i32
  }
  func.func @transform_1(%arg0: i32) -> (i32, i32) {
    %c0_i32 = arith.constant 0 : i32
    %c0_i32_0 = arith.constant 0 : i32
    return %arg0, %c0_i32 : i32, i32
  }
  func.func @transform_2(%arg0: i32) -> (i32, i32) {
    %c0_i32 = arith.constant 0 : i32
    %c0_i32_0 = arith.constant 0 : i32
    return %arg0, %c0_i32 : i32, i32
  }
  func.func @transform_3(%arg0: i32) -> (i32, i32) {
    %add3A = arith.constant 128 : i32
    %add3A_0 = arith.addi %arg0, %add3A : i32
    %c0_i32 = arith.constant 0 : i32
    %c0_i32_1 = arith.constant 0 : i32
    return %add3A_0, %c0_i32 : i32, i32
  }
  func.func @transform_4(%arg0: i32) -> (i32, i32) {
    %c0_i32 = arith.constant 0 : i32
    %c0_i32_0 = arith.constant 0 : i32
    return %arg0, %c0_i32 : i32, i32
  }
}

</mosaic_0001>

<sc_bundles>
// kernel: kernel.4.cloned.1.call-start
scs
__scs_entry_jumppad:
0x0: {  	(pc) =	sbr.rel $0x88, $3  }
0x1: {  	(tag) =	ssettag $0x0;
	lr =	simm.s32 $0x1  }
0x2: {  	[smem:$0x3F9E] =	sst lr;
	_ =	strace $0xD0000000  }
0x3: {  	_ = 	snop  }
0x4: {  	_ = 	snop  }
0x5: {  	_ = 	snop  }
0x6: {  	_ = 	snop  }
0x7: {  	_ = 	snop  }
__scs_overlays_trampoline_lowered:
0x8: {  	[smem:$0x3FAD] =	sst s0  }
0x9: {  	[smem:$0x3FAE] =	sst s1  }
0xa: {  	[smem:$0x3FAF] =	sst s2  }
0xb: {  	[smem:$0x3FB0] =	sst s3  }
0xc: {  	[smem:$0x3FB1] =	sst s4  }
0xd: {  	[smem:$0x3FB2] =	sst s5  }
0xe: {  	[smem:$0x3FB3] =	sst s6  }
0xf: {  	[smem:$0x3FB4] =	sst s7  }
0x10: {  	[smem:$0x3FB5] =	sst s8  }
0x11: {  	[smem:$0x3FB6] =	sst s9;
	s0 =	simm.s32 @!p0 $0x0  }
0x12: {  	s1 =	sld [smem:$0x3F9C];
	s0 =	simm.s32 @p0 $0x1  }
0x13: {  	[smem:$0x3FB7] =	sst s0;
	s0 =	simm.s32 @!p1 $0x0  }
0x14: {  	s2 =	sld [smem:$0x3F9B];
	s0 =	simm.s32 @p1 $0x1  }
0x15: {  	[smem:$0x3FB8] =	sst s0;
	s0 =	simm.s32 @!p2 $0x0  }
0x16: {  	s3 =	sld [smem:$0x3FDB];
	s0 =	simm.s32 @p2 $0x1  }
0x17: {  	s4 =	simm.s32 $0x1BF5;
	[smem:$0x3FBA] =	sst s0  }
0x18: {  	s0 =	sld [smem:$0x3F9D];
	_ =	swait.ge [sflag:s4], $0x0  }
0x19: {  	s7 =	sld [smem:$0x3F9E]  }
0x1a: {  	s8 =	sadd.s32 $0xFFFFE003, lr  }
0x1b: {  	s9 =	sadd.s32 $0xFFFFFEF7, lr;
	s5 =	simm.s32 $0xFFFFFFFF;
	p2 =	slt.u32 s8, $0xFFFFF086  }
0x1c: {  	p1 =	slt.u32 s9, $0xF7A;
	s5 =	simm.s32 @!p2 $0x0  }
0x1d: {  	s5 =	simm.s32 @p1 $0x1;
	p0 =	seq.s32 s7, s2  }
0x1e: {  	s7 =	smul.u32 @!p0 $0xF7A, s2;
	p2 =	seq.s32 @!p0 s5, $0x0  }
0x1f: {  	s9 =	smul.u32 $0xF7A, s1;
	s8 =	simm.s32 @!p0 $0x1BF5;
	p2 =	por !p2, p0  }
0x20: {  	[sflag:s8] =	ssyncset.s32 @!p0 $0xFFFFF086;
	s6 =	sadd.s32 @!p0 s3, s7;
	s7 =	simm.s32 @!p0 $0x108  }
0x21: {  	s3 =	sadd.s32 s3, s9;
	s6 =	sadd.s32 @!p0 $0x88, s6;
	s7 =	simm.s32 @p2 $0x1082  }
0x22: {  	[simem:s7], [sflag:s8] =	dma.local @!p0 [hbm:s6], $0xF7A  }
0x23: {  	s9 =	sor.u32 $0xD0000000, s2;
	s6 =	simm.s32 $0x108;
	_ =	swait.ge @!p0 [sflag:s8], $0x0  }
0x24: {  	s3 =	sadd.s32 $0x88, s3;
	s6 =	simm.s32 @!p1 $0x1082;
	[sflag:s4] =	ssyncset.s32 $0xFFFFF086  }
0x25: {  	[simem:s6], [sflag:s4] =	dma.local [hbm:s3], $0xF7A  }
0x26: {  	[smem:$0x3F9E] =	sst s1;
	(tag) =	ssettag s2;
	_ =	strace s9  }
0x27: {  	s1 =	sld [smem:$0x3FAE]  }
0x28: {  	s2 =	sld [smem:$0x3FAF]  }
0x29: {  	s4 =	sld [smem:$0x3FB1]  }
0x2a: {  	p0 =	seq.s32 s5, $0x0;
	s5 =	sld [smem:$0x3FB2]  }
0x2b: {  	s6 =	sld [smem:$0x3FB3]  }
0x2c: {  	s7 =	sld [smem:$0x3FB4]  }
0x2d: {  	s3 =	simm.s32 $0x108;
	s8 =	sld [smem:$0x3FB5]  }
0x2e: {  	s3 =	simm.s32 @!p0 $0x1082;
	s9 =	sld [smem:$0x3FB6]  }
0x2f: {  	lr =	sadd.s32 s0, s3;
	s0 =	sld [smem:$0x3FAD]  }
0x30: {  	s3 =	sld [smem:$0x3FB0]  }
0x31: {  	[smem:$0x3FB9] =	sst s10  }
0x32: {  	s10 =	sld [smem:$0x3FB7];
	_ =	sdelay $0x3  }
0x33: {  	p0 =	seq.s32 s10, $0x1;
	s10 =	sld [smem:$0x3FB9];
	_ =	sdelay $0x3  }
0x34: {  	[smem:$0x3FB9] =	sst s10  }
0x35: {  	s10 =	sld [smem:$0x3FB8];
	_ =	sdelay $0x3  }
0x36: {  	p1 =	seq.s32 s10, $0x1;
	s10 =	sld [smem:$0x3FB9];
	_ =	sdelay $0x3  }
0x37: {  	[smem:$0x3FB9] =	sst s10  }
0x38: {  	s10 =	sld [smem:$0x3FBA]  }
0x39: {  	_ = 	snop;
	(pc) =	sbr.ind lr, $3  }
0x3a: {  	_ = 	snop  }
0x3b: {  	_ = 	snop  }
0x3c: {  	p2 =	seq.s32 s10, $0x1;
	s10 =	sld [smem:$0x3FB9]  }
0x3d: {  	_ =	shalt  }
0x3e: {  	_ =	shalt  }
0x3f: {  	_ =	shalt  }
0x40: {  	_ =	shalt  }
0x41: {  	_ =	shalt  }
0x42: {  	_ =	shalt  }
0x43: {  	_ =	shalt  }
0x44: {  	_ =	shalt  }
0x45: {  	_ =	shalt  }
0x46: {  	_ =	shalt  }
0x47: {  	_ =	shalt  }
0x48: {  	_ =	shalt  }
0x49: {  	_ =	shalt  }
0x4a: {  	_ =	shalt  }
0x4b: {  	_ =	shalt  }
0x4c: {  	_ =	shalt  }
0x4d: {  	_ =	shalt  }
0x4e: {  	_ =	shalt  }
0x4f: {  	_ =	shalt  }
0x50: {  	_ =	shalt  }
0x51: {  	_ =	shalt  }
0x52: {  	_ =	shalt  }
0x53: {  	_ =	shalt  }
0x54: {  	_ =	shalt  }
0x55: {  	_ =	shalt  }
0x56: {  	_ =	shalt  }
0x57: {  	_ =	shalt  }
0x58: {  	_ =	shalt  }
0x59: {  	_ =	shalt  }
0x5a: {  	_ =	shalt  }
0x5b: {  	_ =	shalt  }
0x5c: {  	_ =	shalt  }
0x5d: {  	_ =	shalt  }
0x5e: {  	_ =	shalt  }
0x5f: {  	_ =	shalt  }
0x60: {  	_ =	shalt  }
0x61: {  	_ =	shalt  }
0x62: {  	_ =	shalt  }
0x63: {  	_ =	shalt  }
0x64: {  	_ =	shalt  }
0x65: {  	_ =	shalt  }
0x66: {  	_ =	shalt  }
0x67: {  	_ =	shalt  }
0x68: {  	_ =	shalt  }
0x69: {  	_ =	shalt  }
0x6a: {  	_ =	shalt  }
0x6b: {  	_ =	shalt  }
0x6c: {  	_ =	shalt  }
0x6d: {  	_ =	shalt  }
0x6e: {  	_ =	shalt  }
0x6f: {  	_ =	shalt  }
0x70: {  	_ =	shalt  }
0x71: {  	_ =	shalt  }
0x72: {  	_ =	shalt  }
0x73: {  	_ =	shalt  }
0x74: {  	_ =	shalt  }
0x75: {  	_ =	shalt  }
0x76: {  	_ =	shalt  }
0x77: {  	_ =	shalt  }
0x78: {  	_ =	shalt  }
0x79: {  	_ =	shalt  }
0x7a: {  	_ =	shalt  }
0x7b: {  	_ =	shalt  }
0x7c: {  	_ =	shalt  }
0x7d: {  	_ =	shalt  }
0x7e: {  	_ =	shalt  }
0x7f: {  	_ =	shalt  }
0x80: {  	_ =	shalt  }
0x81: {  	_ =	shalt  }
0x82: {  	_ =	shalt  }
0x83: {  	_ =	shalt  }
0x84: {  	_ =	shalt  }
0x85: {  	_ =	shalt  }
0x86: {  	_ =	shalt  }
0x87: {  	_ =	shalt  }
.Lfunc_end0:
.L_simem_size_0:
called_computation_lowered:
.L_overlay_start_0:
0x88: {  	s2 =	sld [smem:$0x3FD9]  }
0x89: {  	s3 =	sld [smem:$0x3FFE];
	_ =	sdelay $0x1  }
0x8a: {  	s1 =	srdreg.scid  }
0x8b: {  	s0 =	sand.u32 $0x1, s1  }
0x8c: {  	s17 =	sshll.u32 s0, $0xA;
	s2 =	sadd.s32 s3, s2  }
0x8d: {  	s2 =	sadd.s32 s2, s17  }
0x8e: {  	[smem:$0x3FC5] =	sst s2  }
0x8f: {  	_ = 	snop  }
0x90: {  	s2 =	sld [smem:$0x3FC8]  }
0x91: {  	s18 =	sld [smem:$0x3FD0];
	(tm) =	ssettm $0x1  }
0x92: {  	s4 =	sld [smem:$0x3FFB];
	_ =	sdelay $0x3  }
0x93: {  	_ =	strace s4  }
0x94: {  	s4 =	sld [smem:$0x3FFC];
	_ =	sdelay $0x3  }
0x95: {  	_ =	strace s4  }
0x96: {  	s4 =	sld [smem:$0x3FFD];
	_ =	sdelay $0x3  }
0x97: {  	_ =	strace s4  }
0x98: {  	_ =	strace $0x8FFFFFFF  }
0x99: {  	s19 =	sld [smem:$0x3FDB];
	_ =	sdelay $0x1  }
0x9a: {  	s5 =	simm.s32 $_scs_section_size  }
0x9b: {  	s6 =	simm.s32 $_size__tile_overlayer_lowered;
	s7 =	simm.s32 $_tile_overlayer_lowered  }
0x9c: {  	s22 =	simm.s32 $0x1BFF;
	s21 =	sshll.u32 s7, $0x1;
	s4 =	sadd.s32 s5, s19  }
0x9d: {  	s8 =	simm.s32 $0x0;
	s20 =	sshll.u32 s6, $0x1;
	s6 =	sadd.s32 s21, s4  }
0x9e: {  	[timem:s8], [sflag:s22] =	dma.local [hbm:s6], s20  }
0x9f: {  	_ =	swait.ge [sflag:s22], s20  }
0xa0: {  	s5 =	ssub.s32 $0x0, s20;
	[sflag:s22] =	ssyncset.done $0x0  }
0xa1: {  	[sflag:s22] =	ssyncadd.s32 s5;
	_ =	sdelay $0x1  }
0xa2: {  	s23 =	simm.s32 $0x1B8B  }
0xa3: {  	_ =	swait.ge [sflag:s23], $0x1  }
0xa4: {  	[sflag:s23] =	ssyncset.done $0x0  }
0xa5: {  	s25 =	simm.s32 $0x1B8E;
	s24 =	sld [smem:$0x3FFE];
	[sflag:s23] =	ssyncadd.s32 $0xFFFFFFFF  }
0xa6: {  	s26 =	simm.s32 $execute0_lowered;
	[smem:$0x3FD2] =	sst s25  }
0xa7: {  	s6 =	sshll.u32 s26, $0x1;
	_ =	strace $0x80000046;
	[dreg:$0x1] =	wrdreg $0xFFFFFFFF  }
0xa8: {  	s28 =	simm.s32 $_size_execute0_lowered;
	s4 =	sadd.s32 s4, s6;
	[dreg:$0x0] =	wrdreg $0x0  }
0xa9: {  	s6 =	sshll.u32 s28, $0x1;
	[dreg:$0x2] =	wrdreg s4  }
0xaa: {  	[dreg:$0x3] =	wrdreg s6  }
0xab: {  	[dreg:$0x4] =	wrdreg $0xC0  }
0xac: {  	_ =	task [dreg:s8], $0x5FFFF  }
0xad: {  	[dreg:$0x1] =	wrdreg $0xFFFFFFFF  }
0xae: {  	[dreg:$0x0] =	wrdreg $0x60  }
0xaf: {  	[dreg:$0x2] =	wrdreg s18  }
0xb0: {  	[dreg:$0x3] =	wrdreg s24  }
0xb1: {  	[dreg:$0x4] =	wrdreg s2  }
0xb2: {  	[dreg:$0x5] =	wrdreg $0xAC000  }
0xb3: {  	[dreg:$0x6] =	wrdreg $0x9  }
0xb4: {  	_ =	task.clear_ibuf [dreg:s8], $0x7FFFF;
	_ =	strace $0x90000046  }
0xb5: {  	s29 =	simm.s32 $0x9;
	_ =	strace $0x80000048  }
0xb6: {  	_ =	swait.ge [sflag:s29], $0x1  }
0xb7: {  	[sflag:s29] =	ssyncadd.s32 $0xFFFFFFFF  }
0xb8: {  	_ =	strace $0x90000048  }
0xb9: {  	_ =	sfence  }
0xba: {  	s30 =	sld [smem:$0x0];
	_ =	sdelay $0x2  }
0xbb: {  	s31 =	sshll.u32 s1, $0xD;
	s1 =	sshrl.u32 s1, $0x2  }
0xbc: {  	s3 =	sand.u32 $0x4000, s31;
	s1 =	sadd.s32 s1, s30  }
0xbd: {  	s0 =	sor.u32 s3, s0;
	s1 =	sshll.u32 s1, $0x11  }
0xbe: {  	s0 =	sor.u32 s1, s0  }
0xbf: {  	s0 =	sadd.s32 $0x8F2B, s0  }
0xc0: {  	[sflag:s0] =	ssyncadd.remote.s32 $0x1  }
0xc1: {  	_ =	sfence.sel $0xFFFF  }
0xc2: {  	[dreg:$0x0] =	wrdreg $0xFFFFFFFF;
	(pc) =	sbr.abs _section_cstart, $3  }
0xc3: {  	[dreg:$0x1] =	wrdreg $0xFFFFFFFF  }
0xc4: {  	_ =	task.clear_ibuf [dreg:s8], $0x2FFFF;
	_ =	strace $0x9FFFFFFF  }
0xc5: {  	(tm) =	ssettm $0x7FFFFFFF  }
tec
execute0_lowered:
.L_overlay_start_1:
0x0: {  	(tag) =	ssettag $0x1  }
0x1: {  	s4 =	srdreg.scid  }
0x2: {  	s0 =	rddreg [dreg:$0x0];
	s9 =	stileid.u32;
	s4 =	sand.u32 $0x1, s4  }
0x3: {  	s1 =	rddreg [dreg:$0x1];
	s5 =	smul.u32 $0x280, s9;
	s7 =	sshll.u32 s4, $0x4  }
0x4: {  	s2 =	rddreg [dreg:$0x2];
	s23 =	smul.u32 $0x2800, s4;
	s7 =	sor.u32 s9, s7  }
0x5: {  	s3 =	rddreg [dreg:$0x3];
	s6 =	simm.s32 $0x0;
	s24 =	smul.u32 $0x6400, s7  }
0x6: {  	[smem:$0x7FF] =	sst s6;
	s8 =	sadd.s32 $0x600, s1  }
0x7: {  	_ =	strace $0x80000047;
	s5 =	sadd.s32 s5, s23;
	s26 =	sshrl.u32 s24, $0x3  }
0x8: {  	s4 =	ssub.s32 $0x2, s4;
	s5 =	sshll.u32 s5, $0x4;
	s6 =	sadd.s32 s0, s26  }
0x9: {  	s1 =	sadd.s32 s5, s1;
	s11 =	sadd.s32 s8, s26;
	[dreg:$0x5] =	wrdreg s6  }
0xa: {  	s25 =	sshrl.u32 s4, $0x1;
	s20 =	sadd.s32 $0x19600, s1;
	[dreg:$0x6] =	wrdreg s11  }
0xb: {  	s9 =	smul.u32 $0x50000, s9;
	s21 =	sadd.s32 $0x19880, s1;
	[dreg:$0xf] =	wrdreg s20  }
0xc: {  	s4 =	ssub.s32 s4, s25;
	s22 =	sadd.s32 $0x19B00, s1;
	[dreg:$0x10] =	wrdreg s21  }
0xd: {  	s13 =	sadd.s32 $0x280, s26;
	s23 =	sadd.s32 $0x19D80, s1;
	[dreg:$0x11] =	wrdreg s22  }
0xe: {  	s14 =	sadd.s32 $0x500, s26;
	s24 =	sadd.s32 $0x1A000, s1;
	[dreg:$0x12] =	wrdreg s23  }
0xf: {  	s17 =	sadd.s32 $0x780, s26;
	s25 =	sadd.s32 $0x1A280, s1;
	[dreg:$0x13] =	wrdreg s24  }
0x10: {  	s5 =	sadd.s32 $0xA00, s26;
	s26 =	sadd.s32 $0x1A500, s1;
	[dreg:$0x14] =	wrdreg s25  }
0x11: {  	s12 =	sshrl.u32 s9, $0x2;
	s9 =	sadd.s32 $0x1AF00, s1;
	[dreg:$0x15] =	wrdreg s26  }
0x12: {  	s7 =	sadd.s32 s12, s3;
	s12 =	sadd.s32 $0x1B680, s1;
	[dreg:$0x19] =	wrdreg s9  }
0x13: {  	s10 =	sadd.s32 s0, s13;
	[dreg:$0x1c] =	wrdreg s12  }
0x14: {  	s6 =	sadd.s32 s8, s13;
	[dreg:$0x7] =	wrdreg s10  }
0x15: {  	s15 =	sadd.s32 s0, s14;
	[dreg:$0x8] =	wrdreg s6  }
0x16: {  	s16 =	sadd.s32 s8, s14;
	[dreg:$0x9] =	wrdreg s15  }
0x17: {  	s18 =	sadd.s32 s0, s17;
	[dreg:$0xa] =	wrdreg s16  }
0x18: {  	s0 =	sadd.s32 s0, s5;
	[dreg:$0xb] =	wrdreg s18  }
0x19: {  	s19 =	sadd.s32 s8, s5;
	[dreg:$0xd] =	wrdreg s0  }
0x1a: {  	s5 =	sadd.s32 $0x1A780, s1;
	[dreg:$0xe] =	wrdreg s19  }
0x1b: {  	s11 =	sadd.s32 $0x1B400, s1;
	[dreg:$0x16] =	wrdreg s5  }
0x1c: {  	s13 =	sadd.s32 $0x1B900, s1;
	[dreg:$0x1b] =	wrdreg s11  }
0x1d: {  	s28 =	simm.s32 $0x4400;
	s14 =	sadd.s32 $0x1BB80, s1;
	[dreg:$0x1d] =	wrdreg s13  }
0x1e: {  	s29 =	simm.s32 $0x100;
	s20 =	sadd.s32 $0x6400, s7;
	[dreg:$0x1e] =	wrdreg s14  }
0x1f: {  	s30 =	simm.s32 $0x6000;
	s21 =	sadd.s32 $0x7800, s7;
	[smem:$0x7F7] =	sst s20  }
0x20: {  	s31 =	simm.s32 $0x180;
	s22 =	sadd.s32 $0x8C00, s7;
	[smem:$0x7F8] =	sst s21  }
0x21: {  	s23 =	sadd.s32 $0xA000, s7;
	s24 =	sadd.s32 $0xB400, s7;
	[smem:$0x7F9] =	sst s22  }
0x22: {  	s25 =	sadd.s32 $0xC800, s7;
	s26 =	sadd.s32 $0xDC00, s7;
	[smem:$0x7FA] =	sst s23  }
0x23: {  	s9 =	simm.s32 $0x2680;
	s12 =	simm.s32 $0x0;
	[smem:$0x7FB] =	sst s24  }
0x24: {  	s6 =	sadd.s32 s8, s17;
	s8 =	sadd.s32 $0x1AC80, s1;
	[smem:$0x7FC] =	sst s25  }
0x25: {  	s10 =	sadd.s32 $0x1B180, s1;
	s15 =	smax.u32 s4, $0x1;
	[smem:$0x7FD] =	sst s26  }
0x26: {  	s16 =	sadd.s32 $0x1400, s7;
	s17 =	sadd.s32 $0x2800, s7;
	[dreg:$0xc] =	wrdreg s6  }
0x27: {  	s18 =	sadd.s32 $0x3C00, s7;
	s19 =	sadd.s32 $0x5000, s7;
	[dreg:$0x18] =	wrdreg s8  }
0x28: {  	s20 =	simm.s32 $0x1400;
	s21 =	simm.s32 $0x9800;
	[dreg:$0x1a] =	wrdreg s10  }
0x29: {  	s22 =	simm.s32 $0x1;
	s23 =	simm.s32 $0x2;
	[dreg:$0x1f] =	wrdreg s15  }
0x2a: {  	s24 =	simm.s32 $0x32;
	s25 =	simm.s32 $0x2800;
	[smem:$0x7F3] =	sst s16  }
0x2b: {  	s26 =	simm.s32 $0x80;
	s0 =	simm.s32 $0x7C00;
	[smem:$0x7F4] =	sst s17  }
0x2c: {  	s4 =	simm.s32 $0x6;
	s5 =	simm.s32 $0x3;
	[smem:$0x7F5] =	sst s18  }
0x2d: {  	s11 =	simm.s32 $0x2780;
	s6 =	sadd.s32 $0x1AA00, s1;
	[smem:$0x7F6] =	sst s19  }
0x2e: {  	s16 =	sadd.s32 $0xF000, s7;
	s17 =	sadd.s32 $0x10400, s7;
	s18 =	sadd.s32 $0x11800, s7  }
0x2f: {  	s19 =	sadd.s32 $0x12C00, s7;
	s1 =	simm.s32 $0x5;
	s8 =	simm.s32 $0x2600  }
0x30: {  	v0 =	vimm.f32 $0.0e+00;
	s10 =	simm.s32 $0x2700;
	[dreg:$0x17] =	wrdreg s6;
	s6 =	simm.s32 $0x4  }
.LBB2_1:
0x31: {  	s13 =	simm.s32 $0x0;
	s14 =	rddreg [dreg:$0x5]  }
0x32: {  	[tilespmem:s13], [sflag:$0x1] =	stream.linear.gather [hbm4b:s14+s13], $0x1400, $0x38;
	[tilespmem:$0x1EC00] =	vst v63  }
0x33: {  	s15 =	rddreg [dreg:$0x6]  }
0x34: {  	[tilespmem:s20], [sflag:$0x2] =	stream.linear.gather [hbm4b:s15+s13], $0x1400, $0x38;
	[tilespmem:$0x1EC00] =	vst v63  }
0x35: {  	s14 =	simm.s32 $0x3C0;
	s13 =	simm.s32 $0x70  }
.LBB2_2:
0x36: {  	p0 =	sne.s32 s14, $0x4FC0;
	[tilespmem:s13+$0x9800] =	vst v0  }
0x37: {  	[tilespmem:s13+$0x9790] =	vst v0  }
0x38: {  	[tilespmem:s13+$0x97A0] =	vst v0  }
.Ltmp0:
0x39: {  	[tilespmem:s13+$0x97B0] =	vst v0;
	(pc) =	sbr.rel @p0 .LBB2_2-.Ltmp0, $4  }
0x3a: {  	[tilespmem:s13+$0x97C0] =	vst v0  }
0x3b: {  	[tilespmem:s13+$0x97D0] =	vst v0  }
0x3c: {  	[tilespmem:s13+$0x97E0] =	vst v0  }
0x3d: {  	[tilespmem:s13+$0x97F0] =	vst v0;
	s13 =	sshra.s32 s14, $0x2;
	s14 =	sadd.s32 $0x200, s14  }
0x3e: {  	[tilespmem:s13+$0x9800] =	vst v0  }
0x3f: {  	[tilespmem:s13+$0x9790] =	vst v0  }
0x40: {  	[tilespmem:s13+$0x97A0] =	vst v0  }
0x41: {  	[tilespmem:s13+$0x97B0] =	vst v0  }
0x42: {  	[tilespmem:s13+$0x97C0] =	vst v0  }
0x43: {  	[tilespmem:s13+$0x97D0] =	vst v0  }
0x44: {  	[tilespmem:s13+$0x97E0] =	vst v0  }
0x45: {  	[tilespmem:s13+$0x97F0] =	vst v0;
	s15 =	sld [smem:$0x7F3]  }
0x46: {  	[spmem:s7] =	stream.linear.scatter [tilespmem:s21], [sflag:$0x5], $0x1400, $0x38;
	[tilespmem:$0x1EC00] =	vst v63  }
0x47: {  	s14 =	sld [smem:$0x7F4]  }
0x48: {  	[spmem:s15] =	stream.linear.scatter [tilespmem:s21], [sflag:$0x5], $0x1400, $0x38;
	[tilespmem:$0x1EC00] =	vst v63  }
0x49: {  	s15 =	sld [smem:$0x7F5]  }
0x4a: {  	[spmem:s14] =	stream.linear.scatter [tilespmem:s21], [sflag:$0x5], $0x1400, $0x38;
	[tilespmem:$0x1EC00] =	vst v63  }
0x4b: {  	s14 =	sld [smem:$0x7F6]  }
0x4c: {  	[spmem:s15] =	stream.linear.scatter [tilespmem:s21], [sflag:$0x5], $0x1400, $0x38;
	[tilespmem:$0x1EC00] =	vst v63  }
0x4d: {  	s15 =	sld [smem:$0x7F7]  }
0x4e: {  	[spmem:s14] =	stream.linear.scatter [tilespmem:s21], [sflag:$0x5], $0x1400, $0x38;
	[tilespmem:$0x1EC00] =	vst v63  }
0x4f: {  	s14 =	sld [smem:$0x7F8]  }
0x50: {  	[spmem:s15] =	stream.linear.scatter [tilespmem:s21], [sflag:$0x5], $0x1400, $0x38;
	[tilespmem:$0x1EC00] =	vst v63  }
0x51: {  	s15 =	sld [smem:$0x7F9]  }
0x52: {  	[spmem:s14] =	stream.linear.scatter [tilespmem:s21], [sflag:$0x5], $0x1400, $0x38;
	[tilespmem:$0x1EC00] =	vst v63  }
0x53: {  	s14 =	sld [smem:$0x7FA]  }
0x54: {  	[spmem:s15] =	stream.linear.scatter [tilespmem:s21], [sflag:$0x5], $0x1400, $0x38;
	[tilespmem:$0x1EC00] =	vst v63  }
0x55: {  	s15 =	sld [smem:$0x7FB]  }
0x56: {  	[spmem:s14] =	stream.linear.scatter [tilespmem:s21], [sflag:$0x5], $0x1400, $0x38;
	[tilespmem:$0x1EC00] =	vst v63  }
0x57: {  	s14 =	sld [smem:$0x7FC]  }
0x58: {  	[spmem:s15] =	stream.linear.scatter [tilespmem:s21], [sflag:$0x5], $0x1400, $0x38;
	[tilespmem:$0x1EC00] =	vst v63  }
0x59: {  	s15 =	sld [smem:$0x7FD]  }
0x5a: {  	[spmem:s14] =	stream.linear.scatter [tilespmem:s21], [sflag:$0x5], $0x1400, $0x38;
	[tilespmem:$0x1EC00] =	vst v63  }
0x5b: {  	_ = 	snop  }
0x5c: {  	[spmem:s15] =	stream.linear.scatter [tilespmem:s21], [sflag:$0x5], $0x1400, $0x38;
	[tilespmem:$0x1EC00] =	vst v63  }
0x5d: {  	_ = 	snop  }
0x5e: {  	[spmem:s16] =	stream.linear.scatter [tilespmem:s21], [sflag:$0x5], $0x1400, $0x38;
	[tilespmem:$0x1EC00] =	vst v63  }
0x5f: {  	_ = 	snop  }
0x60: {  	[spmem:s17] =	stream.linear.scatter [tilespmem:s21], [sflag:$0x5], $0x1400, $0x38;
	[tilespmem:$0x1EC00] =	vst v63  }
0x61: {  	_ = 	snop  }
0x62: {  	[spmem:s18] =	stream.linear.scatter [tilespmem:s21], [sflag:$0x5], $0x1400, $0x38;
	[tilespmem:$0x1EC00] =	vst v63  }
0x63: {  	_ = 	snop  }
0x64: {  	[spmem:s19] =	stream.linear.scatter [tilespmem:s21], [sflag:$0x5], $0x1400, $0x38;
	[tilespmem:$0x1EC00] =	vst v63  }
0x65: {  	_ =	swait.ge [sflag:s22], $0x1400  }
0x66: {  	[sflag:s22] =	ssyncset.done $0x0  }
0x67: {  	[sflag:s22] =	ssyncadd.s32 $0xFFFFEC00  }
0x68: {  	_ =	swait.ge [sflag:s23], $0x1400  }
0x69: {  	[sflag:s23] =	ssyncset.done $0x0  }
0x6a: {  	s14 =	simm.s32 $0x0;
	[sflag:s23] =	ssyncadd.s32 $0xFFFFEC00  }
0x6b: {  	[tilespmem:s25], [sflag:$0x1] =	stream.indirect.gather [hbm4b:s2+s24], $0x80, s14, s24, $0xb8;
	[tilespmem:$0x1EC00] =	vst v63  }
0x6c: {  	_ = 	snop  }
0x6d: {  	[tilespmem:s28], [sflag:$0x2] =	stream.indirect.gather [hbm4b:s2+s24], $0x80, s26, s24, $0xb8;
	[tilespmem:$0x1EC00] =	vst v63  }
0x6e: {  	_ = 	snop  }
0x6f: {  	[tilespmem:s30], [sflag:$0x3] =	stream.indirect.gather [hbm4b:s2+s24], $0x80, s29, s24, $0xb8;
	[tilespmem:$0x1EC00] =	vst v63  }
0x70: {  	_ = 	snop  }
0x71: {  	[tilespmem:s0], [sflag:$0x4] =	stream.indirect.gather [hbm4b:s2+s24], $0x80, s31, s24, $0xb8;
	[tilespmem:$0x1EC00] =	vst v63  }
0x72: {  	_ =	swait.ge [sflag:s1], $0x1400  }
0x73: {  	[sflag:s1] =	ssyncset.done $0x0  }
0x74: {  	[sflag:s1] =	ssyncadd.s32 $0xFFFFEC00  }
0x75: {  	_ =	swait.ge [sflag:s1], $0x1400  }
0x76: {  	[sflag:s1] =	ssyncset.done $0x0  }
0x77: {  	[sflag:s1] =	ssyncadd.s32 $0xFFFFEC00  }
0x78: {  	_ =	swait.ge [sflag:s1], $0x1400  }
0x79: {  	[sflag:s1] =	ssyncset.done $0x0  }
0x7a: {  	[sflag:s1] =	ssyncadd.s32 $0xFFFFEC00  }
0x7b: {  	_ =	swait.ge [sflag:s1], $0x1400  }
0x7c: {  	[sflag:s1] =	ssyncset.done $0x0  }
0x7d: {  	[sflag:s1] =	ssyncadd.s32 $0xFFFFEC00  }
0x7e: {  	_ =	swait.ge [sflag:s1], $0x1400  }
0x7f: {  	[sflag:s1] =	ssyncset.done $0x0  }
0x80: {  	[sflag:s1] =	ssyncadd.s32 $0xFFFFEC00  }
0x81: {  	_ =	swait.ge [sflag:s1], $0x1400  }
0x82: {  	[sflag:s1] =	ssyncset.done $0x0  }
0x83: {  	[sflag:s1] =	ssyncadd.s32 $0xFFFFEC00  }
0x84: {  	_ =	swait.ge [sflag:s1], $0x1400  }
0x85: {  	[sflag:s1] =	ssyncset.done $0x0  }
0x86: {  	[sflag:s1] =	ssyncadd.s32 $0xFFFFEC00  }
0x87: {  	_ =	swait.ge [sflag:s1], $0x1400  }
0x88: {  	[sflag:s1] =	ssyncset.done $0x0  }
0x89: {  	[sflag:s1] =	ssyncadd.s32 $0xFFFFEC00  }
0x8a: {  	_ =	swait.ge [sflag:s1], $0x1400  }
0x8b: {  	[sflag:s1] =	ssyncset.done $0x0  }
0x8c: {  	[sflag:s1] =	ssyncadd.s32 $0xFFFFEC00  }
0x8d: {  	_ =	swait.ge [sflag:s1], $0x1400  }
0x8e: {  	[sflag:s1] =	ssyncset.done $0x0  }
0x8f: {  	[sflag:s1] =	ssyncadd.s32 $0xFFFFEC00  }
0x90: {  	_ =	swait.ge [sflag:s1], $0x1400  }
0x91: {  	[sflag:s1] =	ssyncset.done $0x0  }
0x92: {  	[sflag:s1] =	ssyncadd.s32 $0xFFFFEC00  }
0x93: {  	_ =	swait.ge [sflag:s1], $0x1400  }
0x94: {  	[sflag:s1] =	ssyncset.done $0x0  }
0x95: {  	[sflag:s1] =	ssyncadd.s32 $0xFFFFEC00  }
0x96: {  	_ =	swait.ge [sflag:s1], $0x1400  }
0x97: {  	[sflag:s1] =	ssyncset.done $0x0  }
0x98: {  	[sflag:s1] =	ssyncadd.s32 $0xFFFFEC00  }
0x99: {  	_ =	swait.ge [sflag:s1], $0x1400  }
0x9a: {  	[sflag:s1] =	ssyncset.done $0x0  }
0x9b: {  	[sflag:s1] =	ssyncadd.s32 $0xFFFFEC00  }
0x9c: {  	_ =	swait.ge [sflag:s1], $0x1400  }
0x9d: {  	[sflag:s1] =	ssyncset.done $0x0  }
0x9e: {  	[sflag:s1] =	ssyncadd.s32 $0xFFFFEC00  }
0x9f: {  	_ =	swait.ge [sflag:s1], $0x1400  }
0xa0: {  	[sflag:s1] =	ssyncset.done $0x0  }
0xa1: {  	[sflag:s1] =	ssyncadd.s32 $0xFFFFEC00  }
0xa2: {  	[bflag:$0x0] =	sbarrier.arrive $0xFFFF  }
0xa3: {  	_ =	swait.ge [sflag:s22], $0x1900  }
0xa4: {  	[sflag:s22] =	ssyncset.done $0x0  }
0xa5: {  	s15 =	simm.s32 $0x1400;
	[sflag:s22] =	ssyncadd.s32 $0xFFFFE700  }
0xa6: {  	[spmem:s3] =	stream.indirect.scatter.add.f32 [tilespmem:s25], [sflag:$0x6], $0x80, s15, s24, $0xb8;
	[tilespmem:$0x1EC00] =	vst v63  }
0xa7: {  	_ =	swait.ge [sflag:s4], $0x1900  }
0xa8: {  	[sflag:s4] =	ssyncset.done $0x0  }
0xa9: {  	s14 =	simm.s32 $0x200;
	[sflag:s4] =	ssyncadd.s32 $0xFFFFE700  }
0xaa: {  	[tilespmem:s25], [sflag:$0x1] =	stream.indirect.gather [hbm4b:s2+s24], $0x80, s14, s24, $0xb8;
	[tilespmem:$0x1EC00] =	vst v63  }
0xab: {  	_ =	swait.ge [sflag:s23], $0x1900  }
0xac: {  	[sflag:s23] =	ssyncset.done $0x0  }
0xad: {  	s15 =	simm.s32 $0x1480;
	[sflag:s23] =	ssyncadd.s32 $0xFFFFE700  }
0xae: {  	[spmem:s3] =	stream.indirect.scatter.add.f32 [tilespmem:s28], [sflag:$0x6], $0x80, s15, s24, $0xb8;
	[tilespmem:$0x1EC00] =	vst v63  }
0xaf: {  	_ =	swait.ge [sflag:s4], $0x1900  }
0xb0: {  	[sflag:s4] =	ssyncset.done $0x0  }
0xb1: {  	s14 =	simm.s32 $0x280;
	[sflag:s4] =	ssyncadd.s32 $0xFFFFE700  }
0xb2: {  	[tilespmem:s28], [sflag:$0x2] =	stream.indirect.gather [hbm4b:s2+s24], $0x80, s14, s24, $0xb8;
	[tilespmem:$0x1EC00] =	vst v63  }
0xb3: {  	_ =	swait.ge [sflag:s5], $0x1900  }
0xb4: {  	[sflag:s5] =	ssyncset.done $0x0  }
0xb5: {  	s15 =	simm.s32 $0x1500;
	[sflag:s5] =	ssyncadd.s32 $0xFFFFE700  }
0xb6: {  	[spmem:s3] =	stream.indirect.scatter.add.f32 [tilespmem:s30], [sflag:$0x6], $0x80, s15, s24, $0xb8;
	[tilespmem:$0x1EC00] =	vst v63  }
0xb7: {  	_ =	swait.ge [sflag:s4], $0x1900  }
0xb8: {  	[sflag:s4] =	ssyncset.done $0x0  }
0xb9: {  	s14 =	simm.s32 $0x300;
	[sflag:s4] =	ssyncadd.s32 $0xFFFFE700  }
0xba: {  	[tilespmem:s30], [sflag:$0x3] =	stream.indirect.gather [hbm4b:s2+s24], $0x80, s14, s24, $0xb8;
	[tilespmem:$0x1EC00] =	vst v63  }
0xbb: {  	_ =	swait.ge [sflag:s6], $0x1900  }
0xbc: {  	[sflag:s6] =	ssyncset.done $0x0  }
0xbd: {  	s15 =	simm.s32 $0x1580;
	[sflag:s6] =	ssyncadd.s32 $0xFFFFE700  }
0xbe: {  	[spmem:s3] =	stream.indirect.scatter.add.f32 [tilespmem:s0], [sflag:$0x6], $0x80, s15, s24, $0xb8;
	[tilespmem:$0x1EC00] =	vst v63  }
0xbf: {  	_ =	swait.ge [sflag:s4], $0x1900  }
0xc0: {  	[sflag:s4] =	ssyncset.done $0x0  }
0xc1: {  	s13 =	simm.s32 $0x800;
	s14 =	simm.s32 $0x380;
	[sflag:s4] =	ssyncadd.s32 $0xFFFFE700  }
.LBB2_4:
0xc2: {  	[tilespmem:s0], [sflag:$0x4] =	stream.indirect.gather [hbm4b:s2+s24], $0x80, s14, s24, $0xb8;
	[tilespmem:$0x1EC00] =	vst v63  }
0xc3: {  	s14 =	smov.u32 s13  }
0xc4: {  	p0 =	sne.s32 s13, $0x4000;
	s13 =	sadd.s32 $0x800, s13;
	_ =	swait.ge [sflag:s22], $0x1900  }
0xc5: {  	s14 =	sshra.s32 s14, $0x2;
	[sflag:s22] =	ssyncset.done $0x0  }
0xc6: {  	s15 =	sadd.s32 $0x1400, s14;
	[sflag:s22] =	ssyncadd.s32 $0xFFFFE700  }
0xc7: {  	[spmem:s3] =	stream.indirect.scatter.add.f32 [tilespmem:s25], [sflag:$0x6], $0x80, s15, s24, $0xb8;
	[tilespmem:$0x1EC00] =	vst v63  }
0xc8: {  	_ =	swait.ge [sflag:s4], $0x1900  }
0xc9: {  	[sflag:s4] =	ssyncset.done $0x0  }
0xca: {  	s15 =	sadd.s32 $0x200, s14;
	[sflag:s4] =	ssyncadd.s32 $0xFFFFE700  }
0xcb: {  	[tilespmem:s25], [sflag:$0x1] =	stream.indirect.gather [hbm4b:s2+s24], $0x80, s15, s24, $0xb8;
	[tilespmem:$0x1EC00] =	vst v63  }
0xcc: {  	_ =	swait.ge [sflag:s23], $0x1900  }
0xcd: {  	[sflag:s23] =	ssyncset.done $0x0  }
0xce: {  	s15 =	sadd.s32 $0x1480, s14;
	[sflag:s23] =	ssyncadd.s32 $0xFFFFE700  }
0xcf: {  	[spmem:s3] =	stream.indirect.scatter.add.f32 [tilespmem:s28], [sflag:$0x6], $0x80, s15, s24, $0xb8;
	[tilespmem:$0x1EC00] =	vst v63  }
0xd0: {  	_ =	swait.ge [sflag:s4], $0x1900  }
0xd1: {  	[sflag:s4] =	ssyncset.done $0x0  }
0xd2: {  	s15 =	sadd.s32 $0x280, s14;
	[sflag:s4] =	ssyncadd.s32 $0xFFFFE700  }
0xd3: {  	[tilespmem:s28], [sflag:$0x2] =	stream.indirect.gather [hbm4b:s2+s24], $0x80, s15, s24, $0xb8;
	[tilespmem:$0x1EC00] =	vst v63  }
0xd4: {  	_ =	swait.ge [sflag:s5], $0x1900  }
0xd5: {  	[sflag:s5] =	ssyncset.done $0x0  }
0xd6: {  	s15 =	sadd.s32 $0x1500, s14;
	[sflag:s5] =	ssyncadd.s32 $0xFFFFE700  }
0xd7: {  	[spmem:s3] =	stream.indirect.scatter.add.f32 [tilespmem:s30], [sflag:$0x6], $0x80, s15, s24, $0xb8;
	[tilespmem:$0x1EC00] =	vst v63  }
0xd8: {  	_ =	swait.ge [sflag:s4], $0x1900  }
0xd9: {  	[sflag:s4] =	ssyncset.done $0x0  }
0xda: {  	s15 =	sadd.s32 $0x300, s14;
	[sflag:s4] =	ssyncadd.s32 $0xFFFFE700  }
0xdb: {  	[tilespmem:s30], [sflag:$0x3] =	stream.indirect.gather [hbm4b:s2+s24], $0x80, s15, s24, $0xb8;
	[tilespmem:$0x1EC00] =	vst v63  }
0xdc: {  	_ =	swait.ge [sflag:s6], $0x1900  }
0xdd: {  	[sflag:s6] =	ssyncset.done $0x0  }
.Ltmp1:
0xde: {  	s15 =	sadd.s32 $0x1580, s14;
	[sflag:s6] =	ssyncadd.s32 $0xFFFFE700;
	(pc) =	sbr.rel @p0 .LBB2_4-.Ltmp1, $4  }
0xdf: {  	[spmem:s3] =	stream.indirect.scatter.add.f32 [tilespmem:s0], [sflag:$0x6], $0x80, s15, s24, $0xb8;
	[tilespmem:$0x1EC00] =	vst v63  }
0xe0: {  	_ =	swait.ge [sflag:s4], $0x1900  }
0xe1: {  	[sflag:s4] =	ssyncset.done $0x0  }
0xe2: {  	s14 =	sadd.s32 $0x380, s14;
	[sflag:s4] =	ssyncadd.s32 $0xFFFFE700  }
0xe3: {  	[tilespmem:s0], [sflag:$0x4] =	stream.indirect.gather [hbm4b:s2+s24], $0x80, s14, s24, $0xb8;
	[tilespmem:$0x1EC00] =	vst v63  }
0xe4: {  	_ =	swait.ge [sflag:s22], $0x1900  }
0xe5: {  	[sflag:s22] =	ssyncset.done $0x0  }
0xe6: {  	[sflag:s22] =	ssyncadd.s32 $0xFFFFE700  }
0xe7: {  	[spmem:s3] =	stream.indirect.scatter.add.f32 [tilespmem:s25], [sflag:$0x6], $0x80, s8, s24, $0xb8;
	[tilespmem:$0x1EC00] =	vst v63  }
0xe8: {  	_ =	swait.ge [sflag:s4], $0x1900  }
0xe9: {  	[sflag:s4] =	ssyncset.done $0x0  }
0xea: {  	[sflag:s4] =	ssyncadd.s32 $0xFFFFE700  }
0xeb: {  	_ =	swait.ge [sflag:s23], $0x1900  }
0xec: {  	[sflag:s23] =	ssyncset.done $0x0  }
0xed: {  	[sflag:s23] =	ssyncadd.s32 $0xFFFFE700  }
0xee: {  	[spmem:s3] =	stream.indirect.scatter.add.f32 [tilespmem:s28], [sflag:$0x6], $0x80, s9, s24, $0xb8;
	[tilespmem:$0x1EC00] =	vst v63  }
0xef: {  	_ =	swait.ge [sflag:s4], $0x1900  }
0xf0: {  	[sflag:s4] =	ssyncset.done $0x0  }
0xf1: {  	[sflag:s4] =	ssyncadd.s32 $0xFFFFE700  }
0xf2: {  	_ =	swait.ge [sflag:s5], $0x1900  }
0xf3: {  	[sflag:s5] =	ssyncset.done $0x0  }
0xf4: {  	[sflag:s5] =	ssyncadd.s32 $0xFFFFE700  }
0xf5: {  	[spmem:s3] =	stream.indirect.scatter.add.f32 [tilespmem:s30], [sflag:$0x6], $0x80, s10, s24, $0xb8;
	[tilespmem:$0x1EC00] =	vst v63  }
0xf6: {  	_ =	swait.ge [sflag:s4], $0x1900  }
0xf7: {  	[sflag:s4] =	ssyncset.done $0x0  }
0xf8: {  	[sflag:s4] =	ssyncadd.s32 $0xFFFFE700  }
0xf9: {  	_ =	swait.ge [sflag:s6], $0x1900  }
0xfa: {  	[sflag:s6] =	ssyncset.done $0x0  }
0xfb: {  	[sflag:s6] =	ssyncadd.s32 $0xFFFFE700  }
0xfc: {  	[spmem:s3] =	stream.indirect.scatter.add.f32 [tilespmem:s0], [sflag:$0x6], $0x80, s11, s24, $0xb8;
	[tilespmem:$0x1EC00] =	vst v63  }
0xfd: {  	_ =	swait.ge [sflag:s4], $0x1900  }
0xfe: {  	[sflag:s4] =	ssyncset.done $0x0  }
0xff: {  	s13 =	simm.s32 $0x0;
	s15 =	rddreg [dreg:$0x7];
	[sflag:s4] =	ssyncadd.s32 $0xFFFFE700  }
0x100: {  	[tilespmem:s13], [sflag:$0x6] =	stream.linear.gather [hbm4b:s15+s13], $0x1400, $0x38;
	[tilespmem:$0x1EC00] =	vst v63  }
0x101: {  	_ =	swait.ge [sflag:s4], $0x1400  }
0x102: {  	[sflag:s4] =	ssyncset.done $0x0  }
0x103: {  	s15 =	rddreg [dreg:$0x8];
	[sflag:s4] =	ssyncadd.s32 $0xFFFFEC00  }
0x104: {  	[tilespmem:s20], [sflag:$0x6] =	stream.linear.gather [hbm4b:s15+s13], $0x1400, $0x38;
	[tilespmem:$0x1EC00] =	vst v63  }
0x105: {  	_ =	swait.ge [sflag:s4], $0x1400  }
0x106: {  	[sflag:s4] =	ssyncset.done $0x0  }
0x107: {  	[sflag:s4] =	ssyncadd.s32 $0xFFFFEC00  }
0x108: {  	[tilespmem:s25], [sflag:$0x1] =	stream.indirect.gather [hbm4b:s2+s24], $0x80, s13, s24, $0xb8;
	[tilespmem:$0x1EC00] =	vst v63  }
0x109: {  	_ = 	snop  }
0x10a: {  	[tilespmem:s28], [sflag:$0x2] =	stream.indirect.gather [hbm4b:s2+s24], $0x80, s26, s24, $0xb8;
	[tilespmem:$0x1EC00] =	vst v63  }
0x10b: {  	_ = 	snop  }
0x10c: {  	[tilespmem:s30], [sflag:$0x3] =	stream.indirect.gather [hbm4b:s2+s24], $0x80, s29, s24, $0xb8;
	[tilespmem:$0x1EC00] =	vst v63  }
0x10d: {  	_ = 	snop  }
0x10e: {  	[tilespmem:s0], [sflag:$0x4] =	stream.indirect.gather [hbm4b:s2+s24], $0x80, s31, s24, $0xb8;
	[tilespmem:$0x1EC00] =	vst v63  }
0x10f: {  	_ =	swait.ge [sflag:s22], $0x1900  }
0x110: {  	[sflag:s22] =	ssyncset.done $0x0  }
0x111: {  	s15 =	simm.s32 $0x1400;
	[sflag:s22] =	ssyncadd.s32 $0xFFFFE700  }
0x112: {  	[spmem:s3] =	stream.indirect.scatter.add.f32 [tilespmem:s25], [sflag:$0x6], $0x80, s15, s24, $0xb8;
	[tilespmem:$0x1EC00] =	vst v63  }
0x113: {  	_ =	swait.ge [sflag:s4], $0x1900  }
0x114: {  	[sflag:s4] =	ssyncset.done $0x0  }
0x115: {  	s14 =	simm.s32 $0x200;
	[sflag:s4] =	ssyncadd.s32 $0xFFFFE700  }
0x116: {  	[tilespmem:s25], [sflag:$0x1] =	stream.indirect.gather [hbm4b:s2+s24], $0x80, s14, s24, $0xb8;
	[tilespmem:$0x1EC00] =	vst v63  }
0x117: {  	_ =	swait.ge [sflag:s23], $0x1900  }
0x118: {  	[sflag:s23] =	ssyncset.done $0x0  }
0x119: {  	s15 =	simm.s32 $0x1480;
	[sflag:s23] =	ssyncadd.s32 $0xFFFFE700  }
0x11a: {  	[spmem:s3] =	stream.indirect.scatter.add.f32 [tilespmem:s28], [sflag:$0x6], $0x80, s15, s24, $0xb8;
	[tilespmem:$0x1EC00] =	vst v63  }
0x11b: {  	_ =	swait.ge [sflag:s4], $0x1900  }
0x11c: {  	[sflag:s4] =	ssyncset.done $0x0  }
0x11d: {  	s14 =	simm.s32 $0x280;
	[sflag:s4] =	ssyncadd.s32 $0xFFFFE700  }
0x11e: {  	[tilespmem:s28], [sflag:$0x2] =	stream.indirect.gather [hbm4b:s2+s24], $0x80, s14, s24, $0xb8;
	[tilespmem:$0x1EC00] =	vst v63  }
0x11f: {  	_ =	swait.ge [sflag:s5], $0x1900  }
0x120: {  	[sflag:s5] =	ssyncset.done $0x0  }
0x121: {  	s15 =	simm.s32 $0x1500;
	[sflag:s5] =	ssyncadd.s32 $0xFFFFE700  }
0x122: {  	[spmem:s3] =	stream.indirect.scatter.add.f32 [tilespmem:s30], [sflag:$0x6], $0x80, s15, s24, $0xb8;
	[tilespmem:$0x1EC00] =	vst v63  }
0x123: {  	_ =	swait.ge [sflag:s4], $0x1900  }
0x124: {  	[sflag:s4] =	ssyncset.done $0x0  }
0x125: {  	s14 =	simm.s32 $0x300;
	[sflag:s4] =	ssyncadd.s32 $0xFFFFE700  }
0x126: {  	[tilespmem:s30], [sflag:$0x3] =	stream.indirect.gather [hbm4b:s2+s24], $0x80, s14, s24, $0xb8;
	[tilespmem:$0x1EC00] =	vst v63  }
0x127: {  	_ =	swait.ge [sflag:s6], $0x1900  }
0x128: {  	[sflag:s6] =	ssyncset.done $0x0  }
0x129: {  	s15 =	simm.s32 $0x1580;
	[sflag:s6] =	ssyncadd.s32 $0xFFFFE700  }
0x12a: {  	[spmem:s3] =	stream.indirect.scatter.add.f32 [tilespmem:s0], [sflag:$0x6], $0x80, s15, s24, $0xb8;
	[tilespmem:$0x1EC00] =	vst v63  }
0x12b: {  	_ =	swait.ge [sflag:s4], $0x1900  }
0x12c: {  	[sflag:s4] =	ssyncset.done $0x0  }
0x12d: {  	s13 =	simm.s32 $0x800;
	s14 =	simm.s32 $0x380;
	[sflag:s4] =	ssyncadd.s32 $0xFFFFE700  }
.LBB2_6:
0x12e: {  	[tilespmem:s0], [sflag:$0x4] =	stream.indirect.gather [hbm4b:s2+s24], $0x80, s14, s24, $0xb8;
	[tilespmem:$0x1EC00] =	vst v63  }
0x12f: {  	s14 =	smov.u32 s13  }
0x130: {  	p0 =	sne.s32 s13, $0x4000;
	s13 =	sadd.s32 $0x800, s13;
	_ =	swait.ge [sflag:s22], $0x1900  }
0x131: {  	s14 =	sshra.s32 s14, $0x2;
	[sflag:s22] =	ssyncset.done $0x0  }
0x132: {  	s15 =	sadd.s32 $0x1400, s14;
	[sflag:s22] =	ssyncadd.s32 $0xFFFFE700  }
0x133: {  	[spmem:s3] =	stream.indirect.scatter.add.f32 [tilespmem:s25], [sflag:$0x6], $0x80, s15, s24, $0xb8;
	[tilespmem:$0x1EC00] =	vst v63  }
0x134: {  	_ =	swait.ge [sflag:s4], $0x1900  }
0x135: {  	[sflag:s4] =	ssyncset.done $0x0  }
0x136: {  	s15 =	sadd.s32 $0x200, s14;
	[sflag:s4] =	ssyncadd.s32 $0xFFFFE700  }
0x137: {  	[tilespmem:s25], [sflag:$0x1] =	stream.indirect.gather [hbm4b:s2+s24], $0x80, s15, s24, $0xb8;
	[tilespmem:$0x1EC00] =	vst v63  }
0x138: {  	_ =	swait.ge [sflag:s23], $0x1900  }
0x139: {  	[sflag:s23] =	ssyncset.done $0x0  }
0x13a: {  	s15 =	sadd.s32 $0x1480, s14;
	[sflag:s23] =	ssyncadd.s32 $0xFFFFE700  }
0x13b: {  	[spmem:s3] =	stream.indirect.scatter.add.f32 [tilespmem:s28], [sflag:$0x6], $0x80, s15, s24, $0xb8;
	[tilespmem:$0x1EC00] =	vst v63  }
0x13c: {  	_ =	swait.ge [sflag:s4], $0x1900  }
0x13d: {  	[sflag:s4] =	ssyncset.done $0x0  }
0x13e: {  	s15 =	sadd.s32 $0x280, s14;
	[sflag:s4] =	ssyncadd.s32 $0xFFFFE700  }
0x13f: {  	[tilespmem:s28], [sflag:$0x2] =	stream.indirect.gather [hbm4b:s2+s24], $0x80, s15, s24, $0xb8;
	[tilespmem:$0x1EC00] =	vst v63  }
0x140: {  	_ =	swait.ge [sflag:s5], $0x1900  }
0x141: {  	[sflag:s5] =	ssyncset.done $0x0  }
0x142: {  	s15 =	sadd.s32 $0x1500, s14;
	[sflag:s5] =	ssyncadd.s32 $0xFFFFE700  }
0x143: {  	[spmem:s3] =	stream.indirect.scatter.add.f32 [tilespmem:s30], [sflag:$0x6], $0x80, s15, s24, $0xb8;
	[tilespmem:$0x1EC00] =	vst v63  }
0x144: {  	_ =	swait.ge [sflag:s4], $0x1900  }
0x145: {  	[sflag:s4] =	ssyncset.done $0x0  }
0x146: {  	s15 =	sadd.s32 $0x300, s14;
	[sflag:s4] =	ssyncadd.s32 $0xFFFFE700  }
0x147: {  	[tilespmem:s30], [sflag:$0x3] =	stream.indirect.gather [hbm4b:s2+s24], $0x80, s15, s24, $0xb8;
	[tilespmem:$0x1EC00] =	vst v63  }
0x148: {  	_ =	swait.ge [sflag:s6], $0x1900  }
0x149: {  	[sflag:s6] =	ssyncset.done $0x0  }
.Ltmp2:
0x14a: {  	s15 =	sadd.s32 $0x1580, s14;
	[sflag:s6] =	ssyncadd.s32 $0xFFFFE700;
	(pc) =	sbr.rel @p0 .LBB2_6-.Ltmp2, $4  }
0x14b: {  	[spmem:s3] =	stream.indirect.scatter.add.f32 [tilespmem:s0], [sflag:$0x6], $0x80, s15, s24, $0xb8;
	[tilespmem:$0x1EC00] =	vst v63  }
0x14c: {  	_ =	swait.ge [sflag:s4], $0x1900  }
0x14d: {  	[sflag:s4] =	ssyncset.done $0x0  }
0x14e: {  	s14 =	sadd.s32 $0x380, s14;
	[sflag:s4] =	ssyncadd.s32 $0xFFFFE700  }
0x14f: {  	[tilespmem:s0], [sflag:$0x4] =	stream.indirect.gather [hbm4b:s2+s24], $0x80, s14, s24, $0xb8;
	[tilespmem:$0x1EC00] =	vst v63  }
0x150: {  	_ =	swait.ge [sflag:s22], $0x1900  }
0x151: {  	[sflag:s22] =	ssyncset.done $0x0  }
0x152: {  	[sflag:s22] =	ssyncadd.s32 $0xFFFFE700  }
0x153: {  	[spmem:s3] =	stream.indirect.scatter.add.f32 [tilespmem:s25], [sflag:$0x6], $0x80, s8, s24, $0xb8;
	[tilespmem:$0x1EC00] =	vst v63  }
0x154: {  	_ =	swait.ge [sflag:s4], $0x1900  }
0x155: {  	[sflag:s4] =	ssyncset.done $0x0  }
0x156: {  	[sflag:s4] =	ssyncadd.s32 $0xFFFFE700  }
0x157: {  	_ =	swait.ge [sflag:s23], $0x1900  }
0x158: {  	[sflag:s23] =	ssyncset.done $0x0  }
0x159: {  	[sflag:s23] =	ssyncadd.s32 $0xFFFFE700  }
0x15a: {  	[spmem:s3] =	stream.indirect.scatter.add.f32 [tilespmem:s28], [sflag:$0x6], $0x80, s9, s24, $0xb8;
	[tilespmem:$0x1EC00] =	vst v63  }
0x15b: {  	_ =	swait.ge [sflag:s4], $0x1900  }
0x15c: {  	[sflag:s4] =	ssyncset.done $0x0  }
0x15d: {  	[sflag:s4] =	ssyncadd.s32 $0xFFFFE700  }
0x15e: {  	_ =	swait.ge [sflag:s5], $0x1900  }
0x15f: {  	[sflag:s5] =	ssyncset.done $0x0  }
0x160: {  	[sflag:s5] =	ssyncadd.s32 $0xFFFFE700  }
0x161: {  	[spmem:s3] =	stream.indirect.scatter.add.f32 [tilespmem:s30], [sflag:$0x6], $0x80, s10, s24, $0xb8;
	[tilespmem:$0x1EC00] =	vst v63  }
0x162: {  	_ =	swait.ge [sflag:s4], $0x1900  }
0x163: {  	[sflag:s4] =	ssyncset.done $0x0  }
0x164: {  	[sflag:s4] =	ssyncadd.s32 $0xFFFFE700  }
0x165: {  	_ =	swait.ge [sflag:s6], $0x1900  }
0x166: {  	[sflag:s6] =	ssyncset.done $0x0  }
0x167: {  	[sflag:s6] =	ssyncadd.s32 $0xFFFFE700  }
0x168: {  	[spmem:s3] =	stream.indirect.scatter.add.f32 [tilespmem:s0], [sflag:$0x6], $0x80, s11, s24, $0xb8;
	[tilespmem:$0x1EC00] =	vst v63  }
0x169: {  	_ =	swait.ge [sflag:s4], $0x1900  }
0x16a: {  	[sflag:s4] =	ssyncset.done $0x0  }
0x16b: {  	s13 =	simm.s32 $0x0;
	s15 =	rddreg [dreg:$0x9];
	[sflag:s4] =	ssyncadd.s32 $0xFFFFE700  }
0x16c: {  	[tilespmem:s13], [sflag:$0x6] =	stream.linear.gather [hbm4b:s15+s13], $0x1400, $0x38;
	[tilespmem:$0x1EC00] =	vst v63  }
0x16d: {  	_ =	swait.ge [sflag:s4], $0x1400  }
0x16e: {  	[sflag:s4] =	ssyncset.done $0x0  }
0x16f: {  	s15 =	rddreg [dreg:$0xa];
	[sflag:s4] =	ssyncadd.s32 $0xFFFFEC00  }
0x170: {  	[tilespmem:s20], [sflag:$0x6] =	stream.linear.gather [hbm4b:s15+s13], $0x1400, $0x38;
	[tilespmem:$0x1EC00] =	vst v63  }
0x171: {  	_ =	swait.ge [sflag:s4], $0x1400  }
0x172: {  	[sflag:s4] =	ssyncset.done $0x0  }
0x173: {  	[sflag:s4] =	ssyncadd.s32 $0xFFFFEC00  }
0x174: {  	[tilespmem:s25], [sflag:$0x1] =	stream.indirect.gather [hbm4b:s2+s24], $0x80, s13, s24, $0xb8;
	[tilespmem:$0x1EC00] =	vst v63  }
0x175: {  	_ = 	snop  }
0x176: {  	[tilespmem:s28], [sflag:$0x2] =	stream.indirect.gather [hbm4b:s2+s24], $0x80, s26, s24, $0xb8;
	[tilespmem:$0x1EC00] =	vst v63  }
0x177: {  	_ = 	snop  }
0x178: {  	[tilespmem:s30], [sflag:$0x3] =	stream.indirect.gather [hbm4b:s2+s24], $0x80, s29, s24, $0xb8;
	[tilespmem:$0x1EC00] =	vst v63  }
0x179: {  	_ = 	snop  }
0x17a: {  	[tilespmem:s0], [sflag:$0x4] =	stream.indirect.gather [hbm4b:s2+s24], $0x80, s31, s24, $0xb8;
	[tilespmem:$0x1EC00] =	vst v63  }
0x17b: {  	_ =	swait.ge [sflag:s22], $0x1900  }
0x17c: {  	[sflag:s22] =	ssyncset.done $0x0  }
0x17d: {  	s15 =	simm.s32 $0x1400;
	[sflag:s22] =	ssyncadd.s32 $0xFFFFE700  }
0x17e: {  	[spmem:s3] =	stream.indirect.scatter.add.f32 [tilespmem:s25], [sflag:$0x6], $0x80, s15, s24, $0xb8;
	[tilespmem:$0x1EC00] =	vst v63  }
0x17f: {  	_ =	swait.ge [sflag:s4], $0x1900  }
0x180: {  	[sflag:s4] =	ssyncset.done $0x0  }
0x181: {  	s14 =	simm.s32 $0x200;
	[sflag:s4] =	ssyncadd.s32 $0xFFFFE700  }
0x182: {  	[tilespmem:s25], [sflag:$0x1] =	stream.indirect.gather [hbm4b:s2+s24], $0x80, s14, s24, $0xb8;
	[tilespmem:$0x1EC00] =	vst v63  }
0x183: {  	_ =	swait.ge [sflag:s23], $0x1900  }
0x184: {  	[sflag:s23] =	ssyncset.done $0x0  }
0x185: {  	s15 =	simm.s32 $0x1480;
	[sflag:s23] =	ssyncadd.s32 $0xFFFFE700  }
0x186: {  	[spmem:s3] =	stream.indirect.scatter.add.f32 [tilespmem:s28], [sflag:$0x6], $0x80, s15, s24, $0xb8;
	[tilespmem:$0x1EC00] =	vst v63  }
0x187: {  	_ =	swait.ge [sflag:s4], $0x1900  }
0x188: {  	[sflag:s4] =	ssyncset.done $0x0  }
0x189: {  	s14 =	simm.s32 $0x280;
	[sflag:s4] =	ssyncadd.s32 $0xFFFFE700  }
0x18a: {  	[tilespmem:s28], [sflag:$0x2] =	stream.indirect.gather [hbm4b:s2+s24], $0x80, s14, s24, $0xb8;
	[tilespmem:$0x1EC00] =	vst v63  }
0x18b: {  	_ =	swait.ge [sflag:s5], $0x1900  }
0x18c: {  	[sflag:s5] =	ssyncset.done $0x0  }
0x18d: {  	s15 =	simm.s32 $0x1500;
	[sflag:s5] =	ssyncadd.s32 $0xFFFFE700  }
0x18e: {  	[spmem:s3] =	stream.indirect.scatter.add.f32 [tilespmem:s30], [sflag:$0x6], $0x80, s15, s24, $0xb8;
	[tilespmem:$0x1EC00] =	vst v63  }
0x18f: {  	_ =	swait.ge [sflag:s4], $0x1900  }
0x190: {  	[sflag:s4] =	ssyncset.done $0x0  }
0x191: {  	s14 =	simm.s32 $0x300;
	[sflag:s4] =	ssyncadd.s32 $0xFFFFE700  }
0x192: {  	[tilespmem:s30], [sflag:$0x3] =	stream.indirect.gather [hbm4b:s2+s24], $0x80, s14, s24, $0xb8;
	[tilespmem:$0x1EC00] =	vst v63  }
0x193: {  	_ =	swait.ge [sflag:s6], $0x1900  }
0x194: {  	[sflag:s6] =	ssyncset.done $0x0  }
0x195: {  	s15 =	simm.s32 $0x1580;
	[sflag:s6] =	ssyncadd.s32 $0xFFFFE700  }
0x196: {  	[spmem:s3] =	stream.indirect.scatter.add.f32 [tilespmem:s0], [sflag:$0x6], $0x80, s15, s24, $0xb8;
	[tilespmem:$0x1EC00] =	vst v63  }
0x197: {  	_ =	swait.ge [sflag:s4], $0x1900  }
0x198: {  	[sflag:s4] =	ssyncset.done $0x0  }
0x199: {  	s13 =	simm.s32 $0x800;
	s14 =	simm.s32 $0x380;
	[sflag:s4] =	ssyncadd.s32 $0xFFFFE700  }
.LBB2_8:
0x19a: {  	[tilespmem:s0], [sflag:$0x4] =	stream.indirect.gather [hbm4b:s2+s24], $0x80, s14, s24, $0xb8;
	[tilespmem:$0x1EC00] =	vst v63  }
0x19b: {  	s14 =	smov.u32 s13  }
0x19c: {  	p0 =	sne.s32 s13, $0x4000;
	s13 =	sadd.s32 $0x800, s13;
	_ =	swait.ge [sflag:s22], $0x1900  }
0x19d: {  	s14 =	sshra.s32 s14, $0x2;
	[sflag:s22] =	ssyncset.done $0x0  }
0x19e: {  	s15 =	sadd.s32 $0x1400, s14;
	[sflag:s22] =	ssyncadd.s32 $0xFFFFE700  }
0x19f: {  	[spmem:s3] =	stream.indirect.scatter.add.f32 [tilespmem:s25], [sflag:$0x6], $0x80, s15, s24, $0xb8;
	[tilespmem:$0x1EC00] =	vst v63  }
0x1a0: {  	_ =	swait.ge [sflag:s4], $0x1900  }
0x1a1: {  	[sflag:s4] =	ssyncset.done $0x0  }
0x1a2: {  	s15 =	sadd.s32 $0x200, s14;
	[sflag:s4] =	ssyncadd.s32 $0xFFFFE700  }
0x1a3: {  	[tilespmem:s25], [sflag:$0x1] =	stream.indirect.gather [hbm4b:s2+s24], $0x80, s15, s24, $0xb8;
	[tilespmem:$0x1EC00] =	vst v63  }
0x1a4: {  	_ =	swait.ge [sflag:s23], $0x1900  }
0x1a5: {  	[sflag:s23] =	ssyncset.done $0x0  }
0x1a6: {  	s15 =	sadd.s32 $0x1480, s14;
	[sflag:s23] =	ssyncadd.s32 $0xFFFFE700  }
0x1a7: {  	[spmem:s3] =	stream.indirect.scatter.add.f32 [tilespmem:s28], [sflag:$0x6], $0x80, s15, s24, $0xb8;
	[tilespmem:$0x1EC00] =	vst v63  }
0x1a8: {  	_ =	swait.ge [sflag:s4], $0x1900  }
0x1a9: {  	[sflag:s4] =	ssyncset.done $0x0  }
0x1aa: {  	s15 =	sadd.s32 $0x280, s14;
	[sflag:s4] =	ssyncadd.s32 $0xFFFFE700  }
0x1ab: {  	[tilespmem:s28], [sflag:$0x2] =	stream.indirect.gather [hbm4b:s2+s24], $0x80, s15, s24, $0xb8;
	[tilespmem:$0x1EC00] =	vst v63  }
0x1ac: {  	_ =	swait.ge [sflag:s5], $0x1900  }
0x1ad: {  	[sflag:s5] =	ssyncset.done $0x0  }
0x1ae: {  	s15 =	sadd.s32 $0x1500, s14;
	[sflag:s5] =	ssyncadd.s32 $0xFFFFE700  }
0x1af: {  	[spmem:s3] =	stream.indirect.scatter.add.f32 [tilespmem:s30], [sflag:$0x6], $0x80, s15, s24, $0xb8;
	[tilespmem:$0x1EC00] =	vst v63  }
0x1b0: {  	_ =	swait.ge [sflag:s4], $0x1900  }
0x1b1: {  	[sflag:s4] =	ssyncset.done $0x0  }
0x1b2: {  	s15 =	sadd.s32 $0x300, s14;
	[sflag:s4] =	ssyncadd.s32 $0xFFFFE700  }
0x1b3: {  	[tilespmem:s30], [sflag:$0x3] =	stream.indirect.gather [hbm4b:s2+s24], $0x80, s15, s24, $0xb8;
	[tilespmem:$0x1EC00] =	vst v63  }
0x1b4: {  	_ =	swait.ge [sflag:s6], $0x1900  }
0x1b5: {  	[sflag:s6] =	ssyncset.done $0x0  }
.Ltmp3:
0x1b6: {  	s15 =	sadd.s32 $0x1580, s14;
	[sflag:s6] =	ssyncadd.s32 $0xFFFFE700;
	(pc) =	sbr.rel @p0 .LBB2_8-.Ltmp3, $4  }
0x1b7: {  	[spmem:s3] =	stream.indirect.scatter.add.f32 [tilespmem:s0], [sflag:$0x6], $0x80, s15, s24, $0xb8;
	[tilespmem:$0x1EC00] =	vst v63  }
0x1b8: {  	_ =	swait.ge [sflag:s4], $0x1900  }
0x1b9: {  	[sflag:s4] =	ssyncset.done $0x0  }
0x1ba: {  	s14 =	sadd.s32 $0x380, s14;
	[sflag:s4] =	ssyncadd.s32 $0xFFFFE700  }
0x1bb: {  	[tilespmem:s0], [sflag:$0x4] =	stream.indirect.gather [hbm4b:s2+s24], $0x80, s14, s24, $0xb8;
	[tilespmem:$0x1EC00] =	vst v63  }
0x1bc: {  	_ =	swait.ge [sflag:s22], $0x1900  }
0x1bd: {  	[sflag:s22] =	ssyncset.done $0x0  }
0x1be: {  	[sflag:s22] =	ssyncadd.s32 $0xFFFFE700  }
0x1bf: {  	[spmem:s3] =	stream.indirect.scatter.add.f32 [tilespmem:s25], [sflag:$0x6], $0x80, s8, s24, $0xb8;
	[tilespmem:$0x1EC00] =	vst v63  }
0x1c0: {  	_ =	swait.ge [sflag:s4], $0x1900  }
0x1c1: {  	[sflag:s4] =	ssyncset.done $0x0  }
0x1c2: {  	[sflag:s4] =	ssyncadd.s32 $0xFFFFE700  }
0x1c3: {  	_ =	swait.ge [sflag:s23], $0x1900  }
0x1c4: {  	[sflag:s23] =	ssyncset.done $0x0  }
0x1c5: {  	[sflag:s23] =	ssyncadd.s32 $0xFFFFE700  }
0x1c6: {  	[spmem:s3] =	stream.indirect.scatter.add.f32 [tilespmem:s28], [sflag:$0x6], $0x80, s9, s24, $0xb8;
	[tilespmem:$0x1EC00] =	vst v63  }
0x1c7: {  	_ =	swait.ge [sflag:s4], $0x1900  }
0x1c8: {  	[sflag:s4] =	ssyncset.done $0x0  }
0x1c9: {  	[sflag:s4] =	ssyncadd.s32 $0xFFFFE700  }
0x1ca: {  	_ =	swait.ge [sflag:s5], $0x1900  }
0x1cb: {  	[sflag:s5] =	ssyncset.done $0x0  }
0x1cc: {  	[sflag:s5] =	ssyncadd.s32 $0xFFFFE700  }
0x1cd: {  	[spmem:s3] =	stream.indirect.scatter.add.f32 [tilespmem:s30], [sflag:$0x6], $0x80, s10, s24, $0xb8;
	[tilespmem:$0x1EC00] =	vst v63  }
0x1ce: {  	_ =	swait.ge [sflag:s4], $0x1900  }
0x1cf: {  	[sflag:s4] =	ssyncset.done $0x0  }
0x1d0: {  	[sflag:s4] =	ssyncadd.s32 $0xFFFFE700  }
0x1d1: {  	_ =	swait.ge [sflag:s6], $0x1900  }
0x1d2: {  	[sflag:s6] =	ssyncset.done $0x0  }
0x1d3: {  	[sflag:s6] =	ssyncadd.s32 $0xFFFFE700  }
0x1d4: {  	[spmem:s3] =	stream.indirect.scatter.add.f32 [tilespmem:s0], [sflag:$0x6], $0x80, s11, s24, $0xb8;
	[tilespmem:$0x1EC00] =	vst v63  }
0x1d5: {  	_ =	swait.ge [sflag:s4], $0x1900  }
0x1d6: {  	[sflag:s4] =	ssyncset.done $0x0  }
0x1d7: {  	s13 =	simm.s32 $0x0;
	s15 =	rddreg [dreg:$0xb];
	[sflag:s4] =	ssyncadd.s32 $0xFFFFE700  }
0x1d8: {  	[tilespmem:s13], [sflag:$0x6] =	stream.linear.gather [hbm4b:s15+s13], $0x1400, $0x38;
	[tilespmem:$0x1EC00] =	vst v63  }
0x1d9: {  	_ =	swait.ge [sflag:s4], $0x1400  }
0x1da: {  	[sflag:s4] =	ssyncset.done $0x0  }
0x1db: {  	s15 =	rddreg [dreg:$0xc];
	[sflag:s4] =	ssyncadd.s32 $0xFFFFEC00  }
0x1dc: {  	[tilespmem:s20], [sflag:$0x6] =	stream.linear.gather [hbm4b:s15+s13], $0x1400, $0x38;
	[tilespmem:$0x1EC00] =	vst v63  }
0x1dd: {  	_ =	swait.ge [sflag:s4], $0x1400  }
0x1de: {  	[sflag:s4] =	ssyncset.done $0x0  }
0x1df: {  	[sflag:s4] =	ssyncadd.s32 $0xFFFFEC00  }
0x1e0: {  	[tilespmem:s25], [sflag:$0x1] =	stream.indirect.gather [hbm4b:s2+s24], $0x80, s13, s24, $0xb8;
	[tilespmem:$0x1EC00] =	vst v63  }
0x1e1: {  	_ = 	snop  }
0x1e2: {  	[tilespmem:s28], [sflag:$0x2] =	stream.indirect.gather [hbm4b:s2+s24], $0x80, s26, s24, $0xb8;
	[tilespmem:$0x1EC00] =	vst v63  }
0x1e3: {  	_ = 	snop  }
0x1e4: {  	[tilespmem:s30], [sflag:$0x3] =	stream.indirect.gather [hbm4b:s2+s24], $0x80, s29, s24, $0xb8;
	[tilespmem:$0x1EC00] =	vst v63  }
0x1e5: {  	_ = 	snop  }
0x1e6: {  	[tilespmem:s0], [sflag:$0x4] =	stream.indirect.gather [hbm4b:s2+s24], $0x80, s31, s24, $0xb8;
	[tilespmem:$0x1EC00] =	vst v63  }
0x1e7: {  	_ =	swait.ge [sflag:s22], $0x1900  }
0x1e8: {  	[sflag:s22] =	ssyncset.done $0x0  }
0x1e9: {  	s15 =	simm.s32 $0x1400;
	[sflag:s22] =	ssyncadd.s32 $0xFFFFE700  }
0x1ea: {  	[spmem:s3] =	stream.indirect.scatter.add.f32 [tilespmem:s25], [sflag:$0x6], $0x80, s15, s24, $0xb8;
	[tilespmem:$0x1EC00] =	vst v63  }
0x1eb: {  	_ =	swait.ge [sflag:s4], $0x1900  }
0x1ec: {  	[sflag:s4] =	ssyncset.done $0x0  }
0x1ed: {  	s14 =	simm.s32 $0x200;
	[sflag:s4] =	ssyncadd.s32 $0xFFFFE700  }
0x1ee: {  	[tilespmem:s25], [sflag:$0x1] =	stream.indirect.gather [hbm4b:s2+s24], $0x80, s14, s24, $0xb8;
	[tilespmem:$0x1EC00] =	vst v63  }
0x1ef: {  	_ =	swait.ge [sflag:s23], $0x1900  }
0x1f0: {  	[sflag:s23] =	ssyncset.done $0x0  }
0x1f1: {  	s15 =	simm.s32 $0x1480;
	[sflag:s23] =	ssyncadd.s32 $0xFFFFE700  }
0x1f2: {  	[spmem:s3] =	stream.indirect.scatter.add.f32 [tilespmem:s28], [sflag:$0x6], $0x80, s15, s24, $0xb8;
	[tilespmem:$0x1EC00] =	vst v63  }
0x1f3: {  	_ =	swait.ge [sflag:s4], $0x1900  }
0x1f4: {  	[sflag:s4] =	ssyncset.done $0x0  }
0x1f5: {  	s14 =	simm.s32 $0x280;
	[sflag:s4] =	ssyncadd.s32 $0xFFFFE700  }
0x1f6: {  	[tilespmem:s28], [sflag:$0x2] =	stream.indirect.gather [hbm4b:s2+s24], $0x80, s14, s24, $0xb8;
	[tilespmem:$0x1EC00] =	vst v63  }
0x1f7: {  	_ =	swait.ge [sflag:s5], $0x1900  }
0x1f8: {  	[sflag:s5] =	ssyncset.done $0x0  }
0x1f9: {  	s15 =	simm.s32 $0x1500;
	[sflag:s5] =	ssyncadd.s32 $0xFFFFE700  }
0x1fa: {  	[spmem:s3] =	stream.indirect.scatter.add.f32 [tilespmem:s30], [sflag:$0x6], $0x80, s15, s24, $0xb8;
	[tilespmem:$0x1EC00] =	vst v63  }
0x1fb: {  	_ =	swait.ge [sflag:s4], $0x1900  }
0x1fc: {  	[sflag:s4] =	ssyncset.done $0x0  }
0x1fd: {  	s14 =	simm.s32 $0x300;
	[sflag:s4] =	ssyncadd.s32 $0xFFFFE700  }
0x1fe: {  	[tilespmem:s30], [sflag:$0x3] =	stream.indirect.gather [hbm4b:s2+s24], $0x80, s14, s24, $0xb8;
	[tilespmem:$0x1EC00] =	vst v63  }
0x1ff: {  	_ =	swait.ge [sflag:s6], $0x1900  }
0x200: {  	[sflag:s6] =	ssyncset.done $0x0  }
0x201: {  	s15 =	simm.s32 $0x1580;
	[sflag:s6] =	ssyncadd.s32 $0xFFFFE700  }
0x202: {  	[spmem:s3] =	stream.indirect.scatter.add.f32 [tilespmem:s0], [sflag:$0x6], $0x80, s15, s24, $0xb8;
	[tilespmem:$0x1EC00] =	vst v63  }
0x203: {  	_ =	swait.ge [sflag:s4], $0x1900  }
0x204: {  	[sflag:s4] =	ssyncset.done $0x0  }
0x205: {  	s13 =	simm.s32 $0x800;
	s14 =	simm.s32 $0x380;
	[sflag:s4] =	ssyncadd.s32 $0xFFFFE700  }
.LBB2_10:
0x206: {  	[tilespmem:s0], [sflag:$0x4] =	stream.indirect.gather [hbm4b:s2+s24], $0x80, s14, s24, $0xb8;
	[tilespmem:$0x1EC00] =	vst v63  }
0x207: {  	s14 =	smov.u32 s13  }
0x208: {  	p0 =	sne.s32 s13, $0x4000;
	s13 =	sadd.s32 $0x800, s13;
	_ =	swait.ge [sflag:s22], $0x1900  }
0x209: {  	s14 =	sshra.s32 s14, $0x2;
	[sflag:s22] =	ssyncset.done $0x0  }
0x20a: {  	s15 =	sadd.s32 $0x1400, s14;
	[sflag:s22] =	ssyncadd.s32 $0xFFFFE700  }
0x20b: {  	[spmem:s3] =	stream.indirect.scatter.add.f32 [tilespmem:s25], [sflag:$0x6], $0x80, s15, s24, $0xb8;
	[tilespmem:$0x1EC00] =	vst v63  }
0x20c: {  	_ =	swait.ge [sflag:s4], $0x1900  }
0x20d: {  	[sflag:s4] =	ssyncset.done $0x0  }
0x20e: {  	s15 =	sadd.s32 $0x200, s14;
	[sflag:s4] =	ssyncadd.s32 $0xFFFFE700  }
0x20f: {  	[tilespmem:s25], [sflag:$0x1] =	stream.indirect.gather [hbm4b:s2+s24], $0x80, s15, s24, $0xb8;
	[tilespmem:$0x1EC00] =	vst v63  }
0x210: {  	_ =	swait.ge [sflag:s23], $0x1900  }
0x211: {  	[sflag:s23] =	ssyncset.done $0x0  }
0x212: {  	s15 =	sadd.s32 $0x1480, s14;
	[sflag:s23] =	ssyncadd.s32 $0xFFFFE700  }
0x213: {  	[spmem:s3] =	stream.indirect.scatter.add.f32 [tilespmem:s28], [sflag:$0x6], $0x80, s15, s24, $0xb8;
	[tilespmem:$0x1EC00] =	vst v63  }
0x214: {  	_ =	swait.ge [sflag:s4], $0x1900  }
0x215: {  	[sflag:s4] =	ssyncset.done $0x0  }
0x216: {  	s15 =	sadd.s32 $0x280, s14;
	[sflag:s4] =	ssyncadd.s32 $0xFFFFE700  }
0x217: {  	[tilespmem:s28], [sflag:$0x2] =	stream.indirect.gather [hbm4b:s2+s24], $0x80, s15, s24, $0xb8;
	[tilespmem:$0x1EC00] =	vst v63  }
0x218: {  	_ =	swait.ge [sflag:s5], $0x1900  }
0x219: {  	[sflag:s5] =	ssyncset.done $0x0  }
0x21a: {  	s15 =	sadd.s32 $0x1500, s14;
	[sflag:s5] =	ssyncadd.s32 $0xFFFFE700  }
0x21b: {  	[spmem:s3] =	stream.indirect.scatter.add.f32 [tilespmem:s30], [sflag:$0x6], $0x80, s15, s24, $0xb8;
	[tilespmem:$0x1EC00] =	vst v63  }
0x21c: {  	_ =	swait.ge [sflag:s4], $0x1900  }
0x21d: {  	[sflag:s4] =	ssyncset.done $0x0  }
0x21e: {  	s15 =	sadd.s32 $0x300, s14;
	[sflag:s4] =	ssyncadd.s32 $0xFFFFE700  }
0x21f: {  	[tilespmem:s30], [sflag:$0x3] =	stream.indirect.gather [hbm4b:s2+s24], $0x80, s15, s24, $0xb8;
	[tilespmem:$0x1EC00] =	vst v63  }
0x220: {  	_ =	swait.ge [sflag:s6], $0x1900  }
0x221: {  	[sflag:s6] =	ssyncset.done $0x0  }
.Ltmp4:
0x222: {  	s15 =	sadd.s32 $0x1580, s14;
	[sflag:s6] =	ssyncadd.s32 $0xFFFFE700;
	(pc) =	sbr.rel @p0 .LBB2_10-.Ltmp4, $4  }
0x223: {  	[spmem:s3] =	stream.indirect.scatter.add.f32 [tilespmem:s0], [sflag:$0x6], $0x80, s15, s24, $0xb8;
	[tilespmem:$0x1EC00] =	vst v63  }
0x224: {  	_ =	swait.ge [sflag:s4], $0x1900  }
0x225: {  	[sflag:s4] =	ssyncset.done $0x0  }
0x226: {  	s14 =	sadd.s32 $0x380, s14;
	[sflag:s4] =	ssyncadd.s32 $0xFFFFE700  }
0x227: {  	[tilespmem:s0], [sflag:$0x4] =	stream.indirect.gather [hbm4b:s2+s24], $0x80, s14, s24, $0xb8;
	[tilespmem:$0x1EC00] =	vst v63  }
0x228: {  	_ =	swait.ge [sflag:s22], $0x1900  }
0x229: {  	[sflag:s22] =	ssyncset.done $0x0  }
0x22a: {  	[sflag:s22] =	ssyncadd.s32 $0xFFFFE700  }
0x22b: {  	[spmem:s3] =	stream.indirect.scatter.add.f32 [tilespmem:s25], [sflag:$0x6], $0x80, s8, s24, $0xb8;
	[tilespmem:$0x1EC00] =	vst v63  }
0x22c: {  	_ =	swait.ge [sflag:s4], $0x1900  }
0x22d: {  	[sflag:s4] =	ssyncset.done $0x0  }
0x22e: {  	[sflag:s4] =	ssyncadd.s32 $0xFFFFE700  }
0x22f: {  	_ =	swait.ge [sflag:s23], $0x1900  }
0x230: {  	[sflag:s23] =	ssyncset.done $0x0  }
0x231: {  	[sflag:s23] =	ssyncadd.s32 $0xFFFFE700  }
0x232: {  	[spmem:s3] =	stream.indirect.scatter.add.f32 [tilespmem:s28], [sflag:$0x6], $0x80, s9, s24, $0xb8;
	[tilespmem:$0x1EC00] =	vst v63  }
0x233: {  	_ =	swait.ge [sflag:s4], $0x1900  }
0x234: {  	[sflag:s4] =	ssyncset.done $0x0  }
0x235: {  	[sflag:s4] =	ssyncadd.s32 $0xFFFFE700  }
0x236: {  	_ =	swait.ge [sflag:s5], $0x1900  }
0x237: {  	[sflag:s5] =	ssyncset.done $0x0  }
0x238: {  	[sflag:s5] =	ssyncadd.s32 $0xFFFFE700  }
0x239: {  	[spmem:s3] =	stream.indirect.scatter.add.f32 [tilespmem:s30], [sflag:$0x6], $0x80, s10, s24, $0xb8;
	[tilespmem:$0x1EC00] =	vst v63  }
0x23a: {  	_ =	swait.ge [sflag:s4], $0x1900  }
0x23b: {  	[sflag:s4] =	ssyncset.done $0x0  }
0x23c: {  	[sflag:s4] =	ssyncadd.s32 $0xFFFFE700  }
0x23d: {  	_ =	swait.ge [sflag:s6], $0x1900  }
0x23e: {  	[sflag:s6] =	ssyncset.done $0x0  }
0x23f: {  	[sflag:s6] =	ssyncadd.s32 $0xFFFFE700  }
0x240: {  	[spmem:s3] =	stream.indirect.scatter.add.f32 [tilespmem:s0], [sflag:$0x6], $0x80, s11, s24, $0xb8;
	[tilespmem:$0x1EC00] =	vst v63  }
0x241: {  	_ =	swait.ge [sflag:s4], $0x1900  }
0x242: {  	[sflag:s4] =	ssyncset.done $0x0  }
0x243: {  	s13 =	simm.s32 $0x0;
	s15 =	rddreg [dreg:$0xd];
	[sflag:s4] =	ssyncadd.s32 $0xFFFFE700  }
0x244: {  	[tilespmem:s13], [sflag:$0x6] =	stream.linear.gather [hbm4b:s15+s13], $0x1400, $0x38;
	[tilespmem:$0x1EC00] =	vst v63  }
0x245: {  	_ =	swait.ge [sflag:s4], $0x1400  }
0x246: {  	[sflag:s4] =	ssyncset.done $0x0  }
0x247: {  	s15 =	rddreg [dreg:$0xe];
	[sflag:s4] =	ssyncadd.s32 $0xFFFFEC00  }
0x248: {  	[tilespmem:s20], [sflag:$0x6] =	stream.linear.gather [hbm4b:s15+s13], $0x1400, $0x38;
	[tilespmem:$0x1EC00] =	vst v63  }
0x249: {  	_ =	swait.ge [sflag:s4], $0x1400  }
0x24a: {  	[sflag:s4] =	ssyncset.done $0x0  }
0x24b: {  	[sflag:s4] =	ssyncadd.s32 $0xFFFFEC00  }
0x24c: {  	[tilespmem:s25], [sflag:$0x1] =	stream.indirect.gather [hbm4b:s2+s24], $0x80, s13, s24, $0xb8;
	[tilespmem:$0x1EC00] =	vst v63  }
0x24d: {  	_ = 	snop  }
0x24e: {  	[tilespmem:s28], [sflag:$0x2] =	stream.indirect.gather [hbm4b:s2+s24], $0x80, s26, s24, $0xb8;
	[tilespmem:$0x1EC00] =	vst v63  }
0x24f: {  	_ = 	snop  }
0x250: {  	[tilespmem:s30], [sflag:$0x3] =	stream.indirect.gather [hbm4b:s2+s24], $0x80, s29, s24, $0xb8;
	[tilespmem:$0x1EC00] =	vst v63  }
0x251: {  	_ = 	snop  }
0x252: {  	[tilespmem:s0], [sflag:$0x4] =	stream.indirect.gather [hbm4b:s2+s24], $0x80, s31, s24, $0xb8;
	[tilespmem:$0x1EC00] =	vst v63  }
0x253: {  	_ =	swait.ge [sflag:s22], $0x1900  }
0x254: {  	[sflag:s22] =	ssyncset.done $0x0  }
0x255: {  	s15 =	simm.s32 $0x1400;
	[sflag:s22] =	ssyncadd.s32 $0xFFFFE700  }
0x256: {  	[spmem:s3] =	stream.indirect.scatter.add.f32 [tilespmem:s25], [sflag:$0x6], $0x80, s15, s24, $0xb8;
	[tilespmem:$0x1EC00] =	vst v63  }
0x257: {  	_ =	swait.ge [sflag:s4], $0x1900  }
0x258: {  	[sflag:s4] =	ssyncset.done $0x0  }
0x259: {  	s14 =	simm.s32 $0x200;
	[sflag:s4] =	ssyncadd.s32 $0xFFFFE700  }
0x25a: {  	[tilespmem:s25], [sflag:$0x1] =	stream.indirect.gather [hbm4b:s2+s24], $0x80, s14, s24, $0xb8;
	[tilespmem:$0x1EC00] =	vst v63  }
0x25b: {  	_ =	swait.ge [sflag:s23], $0x1900  }
0x25c: {  	[sflag:s23] =	ssyncset.done $0x0  }
0x25d: {  	s15 =	simm.s32 $0x1480;
	[sflag:s23] =	ssyncadd.s32 $0xFFFFE700  }
0x25e: {  	[spmem:s3] =	stream.indirect.scatter.add.f32 [tilespmem:s28], [sflag:$0x6], $0x80, s15, s24, $0xb8;
	[tilespmem:$0x1EC00] =	vst v63  }
0x25f: {  	_ =	swait.ge [sflag:s4], $0x1900  }
0x260: {  	[sflag:s4] =	ssyncset.done $0x0  }
0x261: {  	s14 =	simm.s32 $0x280;
	[sflag:s4] =	ssyncadd.s32 $0xFFFFE700  }
0x262: {  	[tilespmem:s28], [sflag:$0x2] =	stream.indirect.gather [hbm4b:s2+s24], $0x80, s14, s24, $0xb8;
	[tilespmem:$0x1EC00] =	vst v63  }
0x263: {  	_ =	swait.ge [sflag:s5], $0x1900  }
0x264: {  	[sflag:s5] =	ssyncset.done $0x0  }
0x265: {  	s15 =	simm.s32 $0x1500;
	[sflag:s5] =	ssyncadd.s32 $0xFFFFE700  }
0x266: {  	[spmem:s3] =	stream.indirect.scatter.add.f32 [tilespmem:s30], [sflag:$0x6], $0x80, s15, s24, $0xb8;
	[tilespmem:$0x1EC00] =	vst v63  }
0x267: {  	_ =	swait.ge [sflag:s4], $0x1900  }
0x268: {  	[sflag:s4] =	ssyncset.done $0x0  }
0x269: {  	s14 =	simm.s32 $0x300;
	[sflag:s4] =	ssyncadd.s32 $0xFFFFE700  }
0x26a: {  	[tilespmem:s30], [sflag:$0x3] =	stream.indirect.gather [hbm4b:s2+s24], $0x80, s14, s24, $0xb8;
	[tilespmem:$0x1EC00] =	vst v63  }
0x26b: {  	_ =	swait.ge [sflag:s6], $0x1900  }
0x26c: {  	[sflag:s6] =	ssyncset.done $0x0  }
0x26d: {  	s15 =	simm.s32 $0x1580;
	[sflag:s6] =	ssyncadd.s32 $0xFFFFE700  }
0x26e: {  	[spmem:s3] =	stream.indirect.scatter.add.f32 [tilespmem:s0], [sflag:$0x6], $0x80, s15, s24, $0xb8;
	[tilespmem:$0x1EC00] =	vst v63  }
0x26f: {  	_ =	swait.ge [sflag:s4], $0x1900  }
0x270: {  	[sflag:s4] =	ssyncset.done $0x0  }
0x271: {  	s13 =	simm.s32 $0x800;
	s14 =	simm.s32 $0x380;
	[sflag:s4] =	ssyncadd.s32 $0xFFFFE700  }
.LBB2_12:
0x272: {  	[tilespmem:s0], [sflag:$0x4] =	stream.indirect.gather [hbm4b:s2+s24], $0x80, s14, s24, $0xb8;
	[tilespmem:$0x1EC00] =	vst v63  }
0x273: {  	s14 =	smov.u32 s13  }
0x274: {  	p0 =	sne.s32 s13, $0x4000;
	s13 =	sadd.s32 $0x800, s13;
	_ =	swait.ge [sflag:s22], $0x1900  }
0x275: {  	s14 =	sshra.s32 s14, $0x2;
	[sflag:s22] =	ssyncset.done $0x0  }
0x276: {  	s15 =	sadd.s32 $0x1400, s14;
	[sflag:s22] =	ssyncadd.s32 $0xFFFFE700  }
0x277: {  	[spmem:s3] =	stream.indirect.scatter.add.f32 [tilespmem:s25], [sflag:$0x6], $0x80, s15, s24, $0xb8;
	[tilespmem:$0x1EC00] =	vst v63  }
0x278: {  	_ =	swait.ge [sflag:s4], $0x1900  }
0x279: {  	[sflag:s4] =	ssyncset.done $0x0  }
0x27a: {  	s15 =	sadd.s32 $0x200, s14;
	[sflag:s4] =	ssyncadd.s32 $0xFFFFE700  }
0x27b: {  	[tilespmem:s25], [sflag:$0x1] =	stream.indirect.gather [hbm4b:s2+s24], $0x80, s15, s24, $0xb8;
	[tilespmem:$0x1EC00] =	vst v63  }
0x27c: {  	_ =	swait.ge [sflag:s23], $0x1900  }
0x27d: {  	[sflag:s23] =	ssyncset.done $0x0  }
0x27e: {  	s15 =	sadd.s32 $0x1480, s14;
	[sflag:s23] =	ssyncadd.s32 $0xFFFFE700  }
0x27f: {  	[spmem:s3] =	stream.indirect.scatter.add.f32 [tilespmem:s28], [sflag:$0x6], $0x80, s15, s24, $0xb8;
	[tilespmem:$0x1EC00] =	vst v63  }
0x280: {  	_ =	swait.ge [sflag:s4], $0x1900  }
0x281: {  	[sflag:s4] =	ssyncset.done $0x0  }
0x282: {  	s15 =	sadd.s32 $0x280, s14;
	[sflag:s4] =	ssyncadd.s32 $0xFFFFE700  }
0x283: {  	[tilespmem:s28], [sflag:$0x2] =	stream.indirect.gather [hbm4b:s2+s24], $0x80, s15, s24, $0xb8;
	[tilespmem:$0x1EC00] =	vst v63  }
0x284: {  	_ =	swait.ge [sflag:s5], $0x1900  }
0x285: {  	[sflag:s5] =	ssyncset.done $0x0  }
0x286: {  	s15 =	sadd.s32 $0x1500, s14;
	[sflag:s5] =	ssyncadd.s32 $0xFFFFE700  }
0x287: {  	[spmem:s3] =	stream.indirect.scatter.add.f32 [tilespmem:s30], [sflag:$0x6], $0x80, s15, s24, $0xb8;
	[tilespmem:$0x1EC00] =	vst v63  }
0x288: {  	_ =	swait.ge [sflag:s4], $0x1900  }
0x289: {  	[sflag:s4] =	ssyncset.done $0x0  }
0x28a: {  	s15 =	sadd.s32 $0x300, s14;
	[sflag:s4] =	ssyncadd.s32 $0xFFFFE700  }
0x28b: {  	[tilespmem:s30], [sflag:$0x3] =	stream.indirect.gather [hbm4b:s2+s24], $0x80, s15, s24, $0xb8;
	[tilespmem:$0x1EC00] =	vst v63  }
0x28c: {  	_ =	swait.ge [sflag:s6], $0x1900  }
0x28d: {  	[sflag:s6] =	ssyncset.done $0x0  }
.Ltmp5:
0x28e: {  	s15 =	sadd.s32 $0x1580, s14;
	[sflag:s6] =	ssyncadd.s32 $0xFFFFE700;
	(pc) =	sbr.rel @p0 .LBB2_12-.Ltmp5, $4  }
0x28f: {  	[spmem:s3] =	stream.indirect.scatter.add.f32 [tilespmem:s0], [sflag:$0x6], $0x80, s15, s24, $0xb8;
	[tilespmem:$0x1EC00] =	vst v63  }
0x290: {  	_ =	swait.ge [sflag:s4], $0x1900  }
0x291: {  	[sflag:s4] =	ssyncset.done $0x0  }
0x292: {  	s14 =	sadd.s32 $0x380, s14;
	[sflag:s4] =	ssyncadd.s32 $0xFFFFE700  }
0x293: {  	[tilespmem:s0], [sflag:$0x4] =	stream.indirect.gather [hbm4b:s2+s24], $0x80, s14, s24, $0xb8;
	[tilespmem:$0x1EC00] =	vst v63  }
0x294: {  	_ =	swait.ge [sflag:s22], $0x1900  }
0x295: {  	[sflag:s22] =	ssyncset.done $0x0  }
0x296: {  	[sflag:s22] =	ssyncadd.s32 $0xFFFFE700  }
0x297: {  	[spmem:s3] =	stream.indirect.scatter.add.f32 [tilespmem:s25], [sflag:$0x6], $0x80, s8, s24, $0xb8;
	[tilespmem:$0x1EC00] =	vst v63  }
0x298: {  	_ =	swait.ge [sflag:s4], $0x1900  }
0x299: {  	[sflag:s4] =	ssyncset.done $0x0  }
0x29a: {  	[sflag:s4] =	ssyncadd.s32 $0xFFFFE700  }
0x29b: {  	_ =	swait.ge [sflag:s23], $0x1900  }
0x29c: {  	[sflag:s23] =	ssyncset.done $0x0  }
0x29d: {  	[sflag:s23] =	ssyncadd.s32 $0xFFFFE700  }
0x29e: {  	[spmem:s3] =	stream.indirect.scatter.add.f32 [tilespmem:s28], [sflag:$0x6], $0x80, s9, s24, $0xb8;
	[tilespmem:$0x1EC00] =	vst v63  }
0x29f: {  	_ =	swait.ge [sflag:s4], $0x1900  }
0x2a0: {  	[sflag:s4] =	ssyncset.done $0x0  }
0x2a1: {  	[sflag:s4] =	ssyncadd.s32 $0xFFFFE700  }
0x2a2: {  	_ =	swait.ge [sflag:s5], $0x1900  }
0x2a3: {  	[sflag:s5] =	ssyncset.done $0x0  }
0x2a4: {  	[sflag:s5] =	ssyncadd.s32 $0xFFFFE700  }
0x2a5: {  	[spmem:s3] =	stream.indirect.scatter.add.f32 [tilespmem:s30], [sflag:$0x6], $0x80, s10, s24, $0xb8;
	[tilespmem:$0x1EC00] =	vst v63  }
0x2a6: {  	_ =	swait.ge [sflag:s4], $0x1900  }
0x2a7: {  	[sflag:s4] =	ssyncset.done $0x0  }
0x2a8: {  	[sflag:s4] =	ssyncadd.s32 $0xFFFFE700  }
0x2a9: {  	_ =	swait.ge [sflag:s6], $0x1900  }
0x2aa: {  	[sflag:s6] =	ssyncset.done $0x0  }
0x2ab: {  	[sflag:s6] =	ssyncadd.s32 $0xFFFFE700  }
0x2ac: {  	[spmem:s3] =	stream.indirect.scatter.add.f32 [tilespmem:s0], [sflag:$0x6], $0x80, s11, s24, $0xb8;
	[tilespmem:$0x1EC00] =	vst v63  }
0x2ad: {  	_ =	swait.ge [sflag:s4], $0x1900  }
0x2ae: {  	[sflag:s4] =	ssyncset.done $0x0  }
0x2af: {  	s13 =	stileid.u32;
	[sflag:s4] =	ssyncadd.s32 $0xFFFFE700  }
0x2b0: {  	s13 =	sshll.u32 s13, $0x6;
	[bflag:$0x0] =	sbarrier.arrive $0xFFFF  }
0x2b1: {  	s14 =	sshrl.u32 s7, $0x3;
	s13 =	sor.u32 $0x1C05, s13;
	s15 =	rddreg [dreg:$0xf]  }
0x2b2: {  	[hbm:s15], [sflag:s13] =	dma.local [spmem:s14], $0x280  }
0x2b3: {  	s14 =	sld [smem:$0x7F3];
	_ =	sdelay $0x2  }
0x2b4: {  	s15 =	rddreg [dreg:$0x10];
	s14 =	sshrl.u32 s14, $0x3  }
0x2b5: {  	[hbm:s15], [sflag:s13] =	dma.local [spmem:s14], $0x280  }
0x2b6: {  	s14 =	sld [smem:$0x7F4];
	_ =	sdelay $0x2  }
0x2b7: {  	s15 =	rddreg [dreg:$0x11];
	s14 =	sshrl.u32 s14, $0x3  }
0x2b8: {  	[hbm:s15], [sflag:s13] =	dma.local [spmem:s14], $0x280  }
0x2b9: {  	s14 =	sld [smem:$0x7F5];
	_ =	sdelay $0x2  }
0x2ba: {  	s15 =	rddreg [dreg:$0x12];
	s14 =	sshrl.u32 s14, $0x3  }
0x2bb: {  	[hbm:s15], [sflag:s13] =	dma.local [spmem:s14], $0x280  }
0x2bc: {  	s14 =	sld [smem:$0x7F6];
	_ =	sdelay $0x2  }
0x2bd: {  	s15 =	rddreg [dreg:$0x13];
	s14 =	sshrl.u32 s14, $0x3  }
0x2be: {  	[hbm:s15], [sflag:s13] =	dma.local [spmem:s14], $0x280  }
0x2bf: {  	s14 =	sld [smem:$0x7F7];
	_ =	sdelay $0x2  }
0x2c0: {  	s15 =	rddreg [dreg:$0x14];
	s14 =	sshrl.u32 s14, $0x3  }
0x2c1: {  	[hbm:s15], [sflag:s13] =	dma.local [spmem:s14], $0x280  }
0x2c2: {  	s14 =	sld [smem:$0x7F8];
	_ =	sdelay $0x2  }
0x2c3: {  	s15 =	rddreg [dreg:$0x15];
	s14 =	sshrl.u32 s14, $0x3  }
0x2c4: {  	[hbm:s15], [sflag:s13] =	dma.local [spmem:s14], $0x280  }
0x2c5: {  	s14 =	sld [smem:$0x7F9];
	_ =	sdelay $0x2  }
0x2c6: {  	s15 =	rddreg [dreg:$0x16];
	s14 =	sshrl.u32 s14, $0x3  }
0x2c7: {  	[hbm:s15], [sflag:s13] =	dma.local [spmem:s14], $0x280  }
0x2c8: {  	s14 =	sld [smem:$0x7FA];
	_ =	sdelay $0x2  }
0x2c9: {  	s15 =	rddreg [dreg:$0x17];
	s14 =	sshrl.u32 s14, $0x3  }
0x2ca: {  	[hbm:s15], [sflag:s13] =	dma.local [spmem:s14], $0x280  }
0x2cb: {  	s14 =	sld [smem:$0x7FB];
	_ =	sdelay $0x2  }
0x2cc: {  	s15 =	rddreg [dreg:$0x18];
	s14 =	sshrl.u32 s14, $0x3  }
0x2cd: {  	[hbm:s15], [sflag:s13] =	dma.local [spmem:s14], $0x280  }
0x2ce: {  	s14 =	sld [smem:$0x7FC];
	_ =	sdelay $0x2  }
0x2cf: {  	s15 =	rddreg [dreg:$0x19];
	s14 =	sshrl.u32 s14, $0x3  }
0x2d0: {  	[hbm:s15], [sflag:s13] =	dma.local [spmem:s14], $0x280  }
0x2d1: {  	s14 =	sld [smem:$0x7FD];
	_ =	sdelay $0x2  }
0x2d2: {  	s15 =	rddreg [dreg:$0x1a];
	s14 =	sshrl.u32 s14, $0x3  }
0x2d3: {  	[hbm:s15], [sflag:s13] =	dma.local [spmem:s14], $0x280  }
0x2d4: {  	s14 =	sshrl.u32 s16, $0x3;
	s15 =	rddreg [dreg:$0x1b]  }
0x2d5: {  	[hbm:s15], [sflag:s13] =	dma.local [spmem:s14], $0x280  }
0x2d6: {  	s14 =	sshrl.u32 s17, $0x3;
	s15 =	rddreg [dreg:$0x1c]  }
0x2d7: {  	[hbm:s15], [sflag:s13] =	dma.local [spmem:s14], $0x280  }
0x2d8: {  	s14 =	sshrl.u32 s18, $0x3;
	s15 =	rddreg [dreg:$0x1d]  }
0x2d9: {  	[hbm:s15], [sflag:s13] =	dma.local [spmem:s14], $0x280  }
0x2da: {  	s14 =	sshrl.u32 s19, $0x3;
	s15 =	rddreg [dreg:$0x1e]  }
0x2db: {  	[hbm:s15], [sflag:s13] =	dma.local [spmem:s14], $0x280  }
0x2dc: {  	_ =	swait.ge [sflag:s1], $0x280  }
0x2dd: {  	[sflag:s1] =	ssyncset.done $0x0  }
0x2de: {  	[sflag:s1] =	ssyncadd.s32 $0xFFFFFD80  }
0x2df: {  	_ =	swait.ge [sflag:s1], $0x280  }
0x2e0: {  	[sflag:s1] =	ssyncset.done $0x0  }
0x2e1: {  	[sflag:s1] =	ssyncadd.s32 $0xFFFFFD80  }
0x2e2: {  	_ =	swait.ge [sflag:s1], $0x280  }
0x2e3: {  	[sflag:s1] =	ssyncset.done $0x0  }
0x2e4: {  	[sflag:s1] =	ssyncadd.s32 $0xFFFFFD80  }
0x2e5: {  	_ =	swait.ge [sflag:s1], $0x280  }
0x2e6: {  	[sflag:s1] =	ssyncset.done $0x0  }
0x2e7: {  	[sflag:s1] =	ssyncadd.s32 $0xFFFFFD80  }
0x2e8: {  	_ =	swait.ge [sflag:s1], $0x280  }
0x2e9: {  	[sflag:s1] =	ssyncset.done $0x0  }
0x2ea: {  	[sflag:s1] =	ssyncadd.s32 $0xFFFFFD80  }
0x2eb: {  	_ =	swait.ge [sflag:s1], $0x280  }
0x2ec: {  	[sflag:s1] =	ssyncset.done $0x0  }
0x2ed: {  	[sflag:s1] =	ssyncadd.s32 $0xFFFFFD80  }
0x2ee: {  	_ =	swait.ge [sflag:s1], $0x280  }
0x2ef: {  	[sflag:s1] =	ssyncset.done $0x0  }
0x2f0: {  	[sflag:s1] =	ssyncadd.s32 $0xFFFFFD80  }
0x2f1: {  	_ =	swait.ge [sflag:s1], $0x280  }
0x2f2: {  	[sflag:s1] =	ssyncset.done $0x0  }
0x2f3: {  	[sflag:s1] =	ssyncadd.s32 $0xFFFFFD80  }
0x2f4: {  	_ =	swait.ge [sflag:s1], $0x280  }
0x2f5: {  	[sflag:s1] =	ssyncset.done $0x0  }
0x2f6: {  	[sflag:s1] =	ssyncadd.s32 $0xFFFFFD80  }
0x2f7: {  	_ =	swait.ge [sflag:s1], $0x280  }
0x2f8: {  	[sflag:s1] =	ssyncset.done $0x0  }
0x2f9: {  	[sflag:s1] =	ssyncadd.s32 $0xFFFFFD80  }
0x2fa: {  	_ =	swait.ge [sflag:s1], $0x280  }
0x2fb: {  	[sflag:s1] =	ssyncset.done $0x0  }
0x2fc: {  	[sflag:s1] =	ssyncadd.s32 $0xFFFFFD80  }
0x2fd: {  	_ =	swait.ge [sflag:s1], $0x280  }
0x2fe: {  	[sflag:s1] =	ssyncset.done $0x0  }
0x2ff: {  	[sflag:s1] =	ssyncadd.s32 $0xFFFFFD80  }
0x300: {  	_ =	swait.ge [sflag:s1], $0x280  }
0x301: {  	[sflag:s1] =	ssyncset.done $0x0  }
0x302: {  	[sflag:s1] =	ssyncadd.s32 $0xFFFFFD80  }
0x303: {  	_ =	swait.ge [sflag:s1], $0x280  }
0x304: {  	[sflag:s1] =	ssyncset.done $0x0  }
0x305: {  	[sflag:s1] =	ssyncadd.s32 $0xFFFFFD80  }
0x306: {  	_ =	swait.ge [sflag:s1], $0x280  }
0x307: {  	[sflag:s1] =	ssyncset.done $0x0  }
0x308: {  	[sflag:s1] =	ssyncadd.s32 $0xFFFFFD80  }
0x309: {  	_ =	swait.ge [sflag:s1], $0x280  }
0x30a: {  	s12 =	sadd.s32 $0x1, s12;
	s15 =	rddreg [dreg:$0x1f]  }
0x30b: {  	p0 =	sne.s32 s12, s15  }
.Ltmp6:
0x30c: {  	_ = 	snop;
	(pc) =	sbr.rel @p0 .LBB2_1-.Ltmp6, $3  }
0x30d: {  	_ =	sdelay $0x1  }
0x30e: {  	[sflag:s1] =	ssyncset.done $0x0  }
0x30f: {  	[sflag:s1] =	ssyncadd.s32 $0xFFFFFD80  }
0x310: {  	_ =	sfence.sel $0x180000  }
0x311: {  	[bflag:$0x0] =	sbarrier.arrive $0xFFFF  }
0x312: {  	_ =	strace $0x90000047  }
0x313: {  	s0 =	stileid.u32;
	[bflag:$0x2] =	sbarrier.arrive $0xFFFF  }
0x314: {  	p0 =	sne.s32 s0, $0x0;
	s0 =	rddreg [dreg:$0x4]  }
0x315: {  	s0 =	sadd.s32 @!p0 $0x100000, s0  }
0x316: {  	[sflag:s0] =	ssyncadd.tile.s32 @!p0 $0x1;
	_ =	shalt  }
.Lfunc_end2:
_tile_overlayer_lowered:
.L_overlay_start_2:
0x317: {  	(tag) =	ssettag $0x2  }
0x318: {  	s0 =	rddreg [dreg:$0x0];
	s2 =	stileid.u32  }
0x319: {  	s1 =	rddreg [dreg:$0x1];
	p0 =	sne.s32 s2, $0x0  }
0x31a: {  	s3 =	rddreg [dreg:$0x2];
	[bflag:$0x3] =	sbarrier.arrive $0xFFFF;
	s2 =	simm.s32 @!p0 $0x1C06  }
0x31b: {  	[timem:s3], [sflag:s2] =	dma.local @!p0 [hbm:s0], s1  }
0x31c: {  	s0 =	simm.s32 @!p0 $0x6  }
0x31d: {  	_ =	swait.ge @!p0 [sflag:s0], s1  }
0x31e: {  	s1 =	ssub.s32 @!p0 $0x0, s1;
	[sflag:s0] =	ssyncset.done @!p0 $0x0  }
0x31f: {  	[sflag:s0] =	ssyncadd.s32 @!p0 s1  }
0x320: {  	[bflag:$0x3] =	sbarrier.arrive $0xFFFF  }
0x321: {  	_ =	shalt  }

</sc_bundles>
